<compile_context>
chip_gen: v7x
topology: tpu7x:2x2x1
jax: 0.10.2.dev20260603
libtpu: 0.0.44.dev20260713+nightly
codegen_flags: <defaults>
</compile_context>

<pallas_src>
import functools

import jax
import jax.numpy as jnp
from jax import lax
from jax.experimental import pallas as pl
from jax.experimental.pallas import tpu as pltpu
from jax.experimental.pallas import tpu_sc as plsc

_D = 32
_IMG = 64
_C = 3
_NL = 85
_NF = 170
_SLOTS = 88
_SORT_W = 96
_CH = 8
_NV = _SORT_W // 16
_PREC = jax.lax.Precision.DEFAULT



def _sc_sort_body(zd_ref, pres_ref, wh_ref, sorted_ref, params_ref,
                  keys_v, pres_v, wh_v, order_v, pp_v):
    wid = lax.axis_index("s") * 2 + lax.axis_index("c")
    nb = sorted_ref.shape[0]

    @pl.when(wid < nb)
    def _():
        b = wid
        pltpu.sync_copy(zd_ref.at[pl.ds(b * 128, 128)], keys_v)
        pltpu.sync_copy(pres_ref, pres_v)
        pltpu.sync_copy(wh_ref.at[pl.ds(b * 8 * _NL, 8 * _NL)], wh_v)
        pbase = b * _NF
        iota = lax.broadcasted_iota(jnp.int32, (16,), 0)
        keff, p2l, lidsl = [], [], []
        for v in range(_NV):
            lids = iota + 16 * v
            pa = plsc.load_gather(
                pres_v, [pbase + jnp.minimum(2 * lids, _NF - 1)])
            pb = plsc.load_gather(
                pres_v, [pbase + jnp.minimum(2 * lids + 1, _NF - 1)])
            p2 = ((pa == 1) | (pb == 1)) & (lids < _NL)
            ke = jnp.where(p2, keys_v[pl.ds(16 * v, 16)], -jnp.inf)
            keys_v[pl.ds(16 * v, 16)] = ke
            order_v[pl.ds(16 * v, 16)] = jnp.zeros((16,), jnp.int32)
            keff.append(ke)
            p2l.append(p2)
            lidsl.append(lids)

        def mbody(m, ranks):
            km = plsc.load_gather(keys_v, [jnp.full((16,), 0, jnp.int32) + m])
            return tuple(
                ranks[v]
                + ((km > keff[v])
                   | ((km == keff[v]) & (m < lidsl[v]))).astype(jnp.int32)
                for v in range(_NV))

        ranks = lax.fori_loop(
            0, _NL, mbody,
            tuple(jnp.zeros((16,), jnp.int32) for _ in range(_NV)))

        cnt = jnp.int32(0)
        for v in range(_NV):
            plsc.store_scatter(order_v, [ranks[v]], lidsl[v], mask=p2l[v])
            cnt = cnt + jnp.sum(p2l[v].astype(jnp.int32))
        plsc.store_scatter(order_v, [iota * 0 + _SLOTS],
                           jnp.full((16,), 0, jnp.int32) + cnt,
                           mask=iota == 0)

        zero = jnp.zeros((16,), jnp.float32)
        for v in range(_NV):
            slot = lidsl[v]
            ordv = order_v[pl.ds(16 * v, 16)]
            svalid = slot < cnt
            for ci in (10, 11):
                plsc.store_scatter(pp_v, [slot, iota * 0 + ci], zero)
            for side in range(2):
                pj = plsc.load_gather(
                    pres_v, [pbase + jnp.minimum(2 * ordv + side, _NF - 1)])
                ok = svalid & (pj == 1)
                off = jnp.where(ok, 0.0, 1e9)
                base = 8 * ordv + 4 * side
                cx = plsc.load_gather(wh_v, [base])
                cy = plsc.load_gather(wh_v, [base + 1])
                rw = 1.0 / (plsc.load_gather(wh_v, [base + 2]) + 1e-5)
                rh = 1.0 / (plsc.load_gather(wh_v, [base + 3]) + 1e-5)
                c0 = 5 * side
                for ci, val in ((c0, cx), (c0 + 1, cy), (c0 + 2, rw),
                                (c0 + 3, rh), (c0 + 4, off)):
                    plsc.store_scatter(pp_v, [slot, iota * 0 + ci], val)

        pltpu.sync_copy(order_v, sorted_ref.at[b])
        pltpu.sync_copy(pp_v, params_ref.at[b])


def _sc_sort(z_present, z_depth, z_where):
    B = z_depth.shape[0]
    zd_p = jnp.zeros((B, 128), jnp.float32).at[:, :_NL].set(
        z_depth[:, :, 0]).reshape(B * 128)
    pres_f = z_present.reshape(B * _NF)
    wh_f = z_where.reshape(B * 8 * _NL)

    run = functools.partial(
        pl.kernel,
        mesh=plsc.VectorSubcoreMesh(core_axis_name="c", subcore_axis_name="s"),
        compiler_params=pltpu.CompilerParams(needs_layout_passes=False),
        out_type=[
            jax.ShapeDtypeStruct((B, _SORT_W), jnp.int32),
            jax.ShapeDtypeStruct((B, _SORT_W, 12), jnp.float32),
        ],
        scratch_types=[
            pltpu.VMEM((128,), jnp.float32),
            pltpu.VMEM((4 * _NF,), jnp.int32),
            pltpu.VMEM((8 * _NL,), jnp.float32),
            pltpu.VMEM((_SORT_W,), jnp.int32),
            pltpu.VMEM((_SORT_W, 12), jnp.float32),
        ],
    )(_sc_sort_body)
    return run(zd_p, pres_f, wh_f)



def _decode_body(zw_ref, w_ref, b_ref, out_ref):
    x = jnp.dot(zw_ref[...], w_ref[...],
                preferred_element_type=jnp.float32, precision=_PREC)
    out_ref[...] = jax.nn.sigmoid(x + b_ref[...][None, :])


def _render_body(glyphs_ref, sorted_ref, params_ref,
                 out_ref, canvas_ref, step_ref, done_ref,
                 sxall_ref, syar_ref, sybr_ref):
    b = pl.program_id(0)
    canvas_ref[...] = jnp.zeros(canvas_ref.shape, jnp.float32)
    step_ref[...] = jnp.full(step_ref.shape, jnp.inf, jnp.float32)
    done_ref[0] = 0
    cnt = sorted_ref[b, _SLOTS]

    lane = jax.lax.broadcasted_iota(jnp.int32, (1, 2 * _IMG), 1)
    gxpair = (lane % _IMG).astype(jnp.float32) * (2.0 / (_IMG - 1)) - 1.0
    selx = lane < _IMG
    gyrow = jax.lax.broadcasted_iota(jnp.int32, (1, _IMG), 1).astype(jnp.float32) * (2.0 / (_IMG - 1)) - 1.0
    xp = jax.lax.broadcasted_iota(jnp.int32, (_D, 1), 0).astype(jnp.float32)
    kcol = jax.lax.broadcasted_iota(jnp.int32, (_IMG, 1), 0)
    ksel = kcol < _D
    kmodcol = (kcol % _D).astype(jnp.float32)
    lmaskA = selx.astype(jnp.float32) * jnp.ones((_D, 1), jnp.float32)
    lmaskB = 1.0 - lmaskA
    leftmask = jnp.broadcast_to(selx, (_IMG, 2 * _IMG))
    half = (_D - 1) / 2.0

    pr = params_ref[0]
    cxa, cya, rwa, rha, offa = (pr[:, i:i + 1] for i in range(5))
    cxb, cyb, rwb, rhb, offb = (pr[:, i:i + 1] for i in range(5, 10))
    sx_a = ((gxpair - (2.0 * cxa - 1.0)) * rwa + 1.0) * half + offa
    sx_b = ((gxpair - (2.0 * cxb - 1.0)) * rwb + 1.0) * half + offb
    sxall_ref[...] = jnp.where(selx, sx_a, sx_b)
    syar_ref[...] = ((gyrow - (2.0 * cya - 1.0)) * rha + 1.0) * half + offa
    sybr_ref[...] = ((gyrow - (2.0 * cyb - 1.0)) * rhb + 1.0) * half + offb

    def chunk(ci, carry):
        @pl.when((ci * _CH < cnt) & (done_ref[0] == 0))
        def _():
            st = step_ref[...]
            cv = [canvas_ref[c] for c in range(_C)]
            new_st = st
            for u in range(_CH):
                k = ci * _CH + u
                loc = sorted_ref[b, k]
                sx_row = sxall_ref[pl.ds(k, 1), :]
                rxt2 = jnp.maximum(0.0, 1.0 - jnp.abs(sx_row - xp))
                sya = syar_ref[pl.ds(k, 1), :]
                syb = sybr_ref[pl.ds(k, 1), :]
                sy_sel = jnp.where(ksel, sya, syb)
                rycat_t = jnp.maximum(0.0, 1.0 - jnp.abs(sy_sel - kmodcol))

                g = glyphs_ref[0, loc]
                a2 = jnp.dot(g, rxt2, preferred_element_type=jnp.float32,
                             precision=_PREC)
                r2 = []
                for c in range(_C):
                    a2c = a2[c * _D:(c + 1) * _D, :]
                    aext = jnp.concatenate([a2c * lmaskA, a2c * lmaskB], axis=0)
                    r2.append(jax.lax.dot_general(
                        rycat_t, aext, (((0,), (0,)), ((), ())),
                        preferred_element_type=jnp.float32,
                        precision=_PREC))
                upd = (r2[0] != 0.0) & (new_st == jnp.inf)
                for c in range(_C):
                    cv[c] = jnp.where(upd, r2[c], cv[c])
                new_st = jnp.where(upd, jnp.float32(k), new_st)
            for c in range(_C):
                canvas_ref[c] = cv[c]
            step_ref[...] = new_st
            maxleft = jnp.max(jnp.where(leftmask, new_st, -jnp.inf))
            done_ref[0] = jnp.where(maxleft < jnp.inf, 1, 0)

        return carry

    jax.lax.fori_loop(0, _SLOTS // _CH, chunk, 0)

    st = step_ref[...]
    use_r = st[:, _IMG:] < st[:, :_IMG]
    for c in range(_C):
        cv = canvas_ref[c]
        out_ref[0, c] = jnp.where(use_r, cv[:, _IMG:], cv[:, :_IMG])


def kernel(z_what, z_where, z_present, z_depth, indices, W_dec, b_dec):
    B, NL, Z = z_what.shape

    sorted_locs, params = _sc_sort(z_present, z_depth, z_where)

    decoded = pl.pallas_call(
        _decode_body,
        out_shape=jax.ShapeDtypeStruct((B * NL, _C * _D * _D), jnp.float32),
    )(z_what.reshape(B * NL, Z), W_dec, b_dec)
    glyphs = decoded.reshape(B, NL, _C * _D, _D)

    out = pl.pallas_call(
        _render_body,
        grid=(B,),
        in_specs=[
            pl.BlockSpec((1, NL, _C * _D, _D), lambda b: (b, 0, 0, 0)),
            pl.BlockSpec(memory_space=pltpu.SMEM),
            pl.BlockSpec((1, _SORT_W, 12), lambda b: (b, 0, 0)),
        ],
        out_specs=pl.BlockSpec((1, _C, _IMG, _IMG), lambda b: (b, 0, 0, 0)),
        out_shape=jax.ShapeDtypeStruct((B, _C, _IMG, _IMG), jnp.float32),
        scratch_shapes=[
            pltpu.VMEM((_C, _IMG, 2 * _IMG), jnp.float32),
            pltpu.VMEM((_IMG, 2 * _IMG), jnp.float32),
            pltpu.SMEM((1,), jnp.int32),
            pltpu.VMEM((_SORT_W, 2 * _IMG), jnp.float32),
            pltpu.VMEM((_SORT_W, _IMG), jnp.float32),
            pltpu.VMEM((_SORT_W, _IMG), jnp.float32),
        ],
    )(glyphs, sorted_locs, params)
    return out

# --- scband reference (transcript-rebuilt; emitter-appended) ---
"""Pipeline reference for scband-ssdir-64879775973641 (READ-ONLY COPY).

The authoritative reference and input builder live on the scoring server;
editing this copy changes nothing except your own understanding.
"""

import jax, jax.numpy as jnp
import numpy as np

FEATURE_MAPS = [8, 4, 2, 1]
BOXES_PER_LOC = [2, 2, 2, 2]
IMAGE_SIZE = 64
DECODED_SIZE = 32
Z_WHAT_SIZE = 64
BATCH = 4


def _reconstruction_indices():
    idx = []
    img_idx = 0
    last = 0
    for fm, b in zip(FEATURE_MAPS, BOXES_PER_LOC):
        for i in range(fm * fm):
            img_idx = last + i
            idx.extend([img_idx] * b)
        last = img_idx + 1
    return jnp.asarray(np.array(idx, dtype=np.int32))


def setup_inputs(seed: int = 0) -> dict:
    key = jax.random.key(seed)
    ks = jax.random.split(key, 6)
    n_objects = sum(f * f for f in FEATURE_MAPS)
    n_feat = sum(b * f * f for f, b in zip(FEATURE_MAPS, BOXES_PER_LOC))
    z_what = jax.random.normal(ks[0], (BATCH, n_objects, Z_WHAT_SIZE), dtype=jnp.float32)
    z_where = jax.random.uniform(ks[1], (BATCH, n_feat, 4), dtype=jnp.float32)
    z_present = jax.random.randint(ks[2], (BATCH, n_feat, 1), 0, 2).astype(jnp.int32)
    z_depth = jax.random.normal(ks[3], (BATCH, n_objects, 1), dtype=jnp.float32)
    W_dec = jax.random.normal(ks[4], (Z_WHAT_SIZE, 3 * DECODED_SIZE * DECODED_SIZE), dtype=jnp.float32) * 0.05
    b_dec = jnp.zeros((3 * DECODED_SIZE * DECODED_SIZE,), dtype=jnp.float32)
    indices = _reconstruction_indices()
    return {"z_what": z_what, "z_where": z_where, "z_present": z_present, "z_depth": z_depth, "indices": indices, "W_dec": W_dec, "b_dec": b_dec}


def _grid_sample(img, gx, gy):
    C, Hin, Win = img.shape
    x = (gx + 1.0) * (Win - 1) / 2.0
    y = (gy + 1.0) * (Hin - 1) / 2.0
    x0 = jnp.floor(x)
    y0 = jnp.floor(y)
    x1 = x0 + 1.0
    y1 = y0 + 1.0

    def get(ix, iy):
        valid = (ix >= 0) & (ix <= Win - 1) & (iy >= 0) & (iy <= Hin - 1)
        ixc = jnp.clip(ix, 0, Win - 1).astype(jnp.int32)
        iyc = jnp.clip(iy, 0, Hin - 1).astype(jnp.int32)
        return img[:, iyc, ixc] * valid.astype(img.dtype)[None]

    wx1 = x - x0
    wx0 = 1.0 - wx1
    wy1 = y - y0
    wy0 = 1.0 - wy1
    return (get(x0, y0) * (wx0 * wy0)[None] + get(x1, y0) * (wx1 * wy0)[None]
            + get(x0, y1) * (wx0 * wy1)[None] + get(x1, y1) * (wx1 * wy1)[None])


def _where_stn(img, z_where):
    cx, cy, w, h = z_where[0], z_where[1], z_where[2], z_where[3]
    lin = jnp.linspace(-1.0, 1.0, IMAGE_SIZE)
    gy, gx = jnp.meshgrid(lin, lin, indexing="ij")
    eps = 1e-5
    gxi = (gx - (2.0 * cx - 1.0)) / (w + eps)
    gyi = (gy - (2.0 * cy - 1.0)) / (h + eps)
    return _grid_sample(img, gxi, gyi)


def _forward(z_what, z_where, z_depth, W_dec, b_dec, z_present, indices):
    B = z_what.shape[0]
    # index_select: expand per-location latents to per-box latents
    zw = jnp.take(z_what, indices, axis=1)
    zd = jnp.take(z_depth, indices, axis=1)
    # sort by depth, descending
    sort_index = jnp.argsort(-zd, axis=1)
    s_what = jnp.take_along_axis(zw, jnp.broadcast_to(sort_index, zw.shape), axis=1)
    s_where = jnp.take_along_axis(z_where, jnp.broadcast_to(sort_index, z_where.shape), axis=1)
    s_present = jnp.take_along_axis(z_present, sort_index, axis=1)
    Nf = zw.shape[1]
    # WhatDecoder: linear + sigmoid to 3 x D x D object glyphs
    flat_what = s_what.reshape(B * Nf, Z_WHAT_SIZE)
    decoded = jax.nn.sigmoid(flat_what @ W_dec + b_dec).reshape(B * Nf, 3, DECODED_SIZE, DECODED_SIZE)
    # WhereTransformer: STN placement into full canvas (zeros outside box)
    flat_where = s_where.reshape(B * Nf, 4)
    transformed = jax.vmap(_where_stn)(decoded, flat_where)
    transformed = transformed.reshape(B, Nf, 3, IMAGE_SIZE, IMAGE_SIZE)
    # non-present objects render as zero images (equivalent to filtering them out)
    present = (s_present == 1).astype(transformed.dtype)[:, :, :, None, None]
    imgs = transformed * present
    # _merge_images: first nonzero pixel (in depth-sorted order) wins
    nz = imgs != 0.0
    first = jnp.argmax(nz, axis=1)
    gathered = jnp.take_along_axis(imgs, first[:, None], axis=1)[:, 0]
    anynz = jnp.any(nz, axis=1)
    return jnp.where(anynz, gathered, 0.0)


def reference(z_what, z_where, z_present, z_depth, indices, W_dec, b_dec):
    return _forward(z_what, z_where, z_depth, W_dec, b_dec, z_present, indices)

if __name__ == "__main__":
    import jax
    _d = setup_inputs()
    print(jax.jit(kernel)(*tuple(_d.values())))

</pallas_src>

<mosaic_0001>
#map = affine_map<(d0, d1) -> (0)>
#map1 = affine_map<(d0, d1) -> (0, 0)>
#map2 = affine_map<(d0, d1) -> (0, 0, 0)>
module attributes {stable_mosaic.version = 14 : i64} {
  func.func @_sc_sort_body(%arg0: i32, %arg1: i32, %arg2: memref<512xf32, #tpu.memory_space<hbm>>, %arg3: memref<680xi32, #tpu.memory_space<hbm>>, %arg4: memref<2720xf32, #tpu.memory_space<hbm>>, %arg5: memref<4x96xi32, #tpu.memory_space<hbm>>, %arg6: memref<4x96x12xf32, #tpu.memory_space<hbm>>, %arg7: memref<128xf32, #tpu.memory_space<vmem>>, %arg8: memref<680xi32, #tpu.memory_space<vmem>>, %arg9: memref<680xf32, #tpu.memory_space<vmem>>, %arg10: memref<96xi32, #tpu.memory_space<vmem>>, %arg11: memref<96x12xf32, #tpu.memory_space<vmem>>) attributes {dimension_semantics = [#tpu.dimension_semantics<core_parallel>, #tpu.dimension_semantics<subcore_parallel>], iteration_bounds = array<i64: 2, 16>, scalar_prefetch = 0 : i64, scratch_operands = 5 : i64, tpu.core_type = #tpu.core_type<sc_vector_subcore>, window_params = [{transform_indices = #map}, {transform_indices = #map}, {transform_indices = #map}, {transform_indices = #map1}, {transform_indices = #map2}]} {
    %mul3A = arith.constant 2 : i32
    %mul3A_0 = arith.muli %arg1, %mul3A : i32
    %add3A = arith.addi %mul3A_0, %arg0 : i32
    %lt3A = arith.constant 4 : i32
    %lt3A_1 = arith.cmpi slt, %add3A, %lt3A : i32
    %convert_element_type3A = arith.extui %lt3A_1 : i1 to i32
    %cond3A = arith.constant 0 : i32
    %cond3A_2 = arith.cmpi ne, %convert_element_type3A, %cond3A : i32
    scf.if %cond3A_2 {
      %mul3A_3 = arith.constant 128 : i32
      %mul3A_4 = arith.muli %add3A, %mul3A_3 : i32
      "tpu.region"() ({
        %run_scoped3A = tpu.sem_alloc : memref<!tpu.dma_semaphore, #tpu.memory_space<semaphore_mem>>
        %dma_start3A = tpu.memref_slice %arg2[%mul3A_4] : memref<512xf32, #tpu.memory_space<hbm>> -> memref<128xf32, #tpu.memory_space<hbm>>
        %dma_start3A_1424 = tpu.memref_slice %arg2[%mul3A_4] : memref<512xf32, #tpu.memory_space<hbm>> -> memref<128xf32, #tpu.memory_space<hbm>>
        tpu.enqueue_dma source(%dma_start3A_1424 : memref<128xf32, #tpu.memory_space<hbm>>) target(%arg7 : memref<128xf32, #tpu.memory_space<vmem>>) target_semaphore(%run_scoped3A : memref<!tpu.dma_semaphore, #tpu.memory_space<semaphore_mem>>)
        %dma_wait3A = tpu.memref_slice %arg2[%mul3A_4] : memref<512xf32, #tpu.memory_space<hbm>> -> memref<128xf32, #tpu.memory_space<hbm>>
        %dma_wait3A_1425 = tpu.memref_slice %arg2[%mul3A_4] : memref<512xf32, #tpu.memory_space<hbm>> -> memref<128xf32, #tpu.memory_space<hbm>>
        tpu.wait_dma2 semaphore(%run_scoped3A : memref<!tpu.dma_semaphore, #tpu.memory_space<semaphore_mem>>) src(%dma_wait3A_1425 : memref<128xf32, #tpu.memory_space<hbm>>) dst(%arg7 : memref<128xf32, #tpu.memory_space<vmem>>)
        tpu.yield
      }) : () -> ()
      "tpu.region"() ({
        %run_scoped3A = tpu.sem_alloc : memref<!tpu.dma_semaphore, #tpu.memory_space<semaphore_mem>>
        tpu.enqueue_dma source(%arg3 : memref<680xi32, #tpu.memory_space<hbm>>) target(%arg8 : memref<680xi32, #tpu.memory_space<vmem>>) target_semaphore(%run_scoped3A : memref<!tpu.dma_semaphore, #tpu.memory_space<semaphore_mem>>)
        tpu.wait_dma2 semaphore(%run_scoped3A : memref<!tpu.dma_semaphore, #tpu.memory_space<semaphore_mem>>) src(%arg3 : memref<680xi32, #tpu.memory_space<hbm>>) dst(%arg8 : memref<680xi32, #tpu.memory_space<vmem>>)
        tpu.yield
      }) : () -> ()
      %mul3A_5 = arith.constant 8 : i32
      %mul3A_6 = arith.muli %add3A, %mul3A_5 : i32
      %mul3A_7 = arith.constant 85 : i32
      %mul3A_8 = arith.muli %mul3A_6, %mul3A_7 : i32
      "tpu.region"() ({
        %run_scoped3A = tpu.sem_alloc : memref<!tpu.dma_semaphore, #tpu.memory_space<semaphore_mem>>
        %dma_start3A = tpu.memref_slice %arg4[%mul3A_8] : memref<2720xf32, #tpu.memory_space<hbm>> -> memref<680xf32, #tpu.memory_space<hbm>>
        %dma_start3A_1424 = tpu.memref_slice %arg4[%mul3A_8] : memref<2720xf32, #tpu.memory_space<hbm>> -> memref<680xf32, #tpu.memory_space<hbm>>
        tpu.enqueue_dma source(%dma_start3A_1424 : memref<680xf32, #tpu.memory_space<hbm>>) target(%arg9 : memref<680xf32, #tpu.memory_space<vmem>>) target_semaphore(%run_scoped3A : memref<!tpu.dma_semaphore, #tpu.memory_space<semaphore_mem>>)
        %dma_wait3A = tpu.memref_slice %arg4[%mul3A_8] : memref<2720xf32, #tpu.memory_space<hbm>> -> memref<680xf32, #tpu.memory_space<hbm>>
        %dma_wait3A_1425 = tpu.memref_slice %arg4[%mul3A_8] : memref<2720xf32, #tpu.memory_space<hbm>> -> memref<680xf32, #tpu.memory_space<hbm>>
        tpu.wait_dma2 semaphore(%run_scoped3A : memref<!tpu.dma_semaphore, #tpu.memory_space<semaphore_mem>>) src(%dma_wait3A_1425 : memref<680xf32, #tpu.memory_space<hbm>>) dst(%arg9 : memref<680xf32, #tpu.memory_space<vmem>>)
        tpu.yield
      }) : () -> ()
      %mul3A_9 = arith.constant 170 : i32
      %mul3A_10 = arith.muli %add3A, %mul3A_9 : i32
      %iota3A = tpu.iota {dimensions = array<i32: 0>} : vector<16xi32>
      %add3A_11 = arith.constant 0 : i32
      %add3A_12 = vector.broadcast %add3A_11 : i32 to vector<16xi32>
      %add3A_13 = arith.addi %iota3A, %add3A_12 : vector<16xi32>
      %mul3A_14 = arith.constant 2 : i32
      %mul3A_15 = vector.broadcast %mul3A_14 : i32 to vector<16xi32>
      %mul3A_16 = arith.muli %mul3A_15, %add3A_13 : vector<16xi32>
      %min3A = arith.constant 169 : i32
      %min3A_17 = vector.broadcast %min3A : i32 to vector<16xi32>
      %min3A_18 = arith.minsi %mul3A_16, %min3A_17 : vector<16xi32>
      %add3A_19 = vector.broadcast %mul3A_10 : i32 to vector<16xi32>
      %add3A_20 = arith.addi %add3A_19, %min3A_18 : vector<16xi32>
      %gather3A = tpu.vector_load_idx %arg8[%add3A_20] : memref<680xi32, #tpu.memory_space<vmem>>[vector<16xi32>], vector<16xi32>,
      %mul3A_21 = arith.constant 2 : i32
      %mul3A_22 = vector.broadcast %mul3A_21 : i32 to vector<16xi32>
      %mul3A_23 = arith.muli %mul3A_22, %add3A_13 : vector<16xi32>
      %add3A_24 = arith.constant 1 : i32
      %add3A_25 = vector.broadcast %add3A_24 : i32 to vector<16xi32>
      %add3A_26 = arith.addi %mul3A_23, %add3A_25 : vector<16xi32>
      %min3A_27 = arith.constant 169 : i32
      %min3A_28 = vector.broadcast %min3A_27 : i32 to vector<16xi32>
      %min3A_29 = arith.minsi %add3A_26, %min3A_28 : vector<16xi32>
      %add3A_30 = vector.broadcast %mul3A_10 : i32 to vector<16xi32>
      %add3A_31 = arith.addi %add3A_30, %min3A_29 : vector<16xi32>
      %gather3A_32 = tpu.vector_load_idx %arg8[%add3A_31] : memref<680xi32, #tpu.memory_space<vmem>>[vector<16xi32>], vector<16xi32>,
      %eq3A = arith.constant 1 : i32
      %eq3A_33 = vector.broadcast %eq3A : i32 to vector<16xi32>
      %eq3A_34 = arith.cmpi eq, %gather3A, %eq3A_33 : vector<16xi32>
      %eq3A_35 = arith.constant 1 : i32
      %eq3A_36 = vector.broadcast %eq3A_35 : i32 to vector<16xi32>
      %eq3A_37 = arith.cmpi eq, %gather3A_32, %eq3A_36 : vector<16xi32>
      %or3A = arith.ori %eq3A_34, %eq3A_37 : vector<16xi1>
      %lt3A_38 = arith.constant 85 : i32
      %lt3A_39 = vector.broadcast %lt3A_38 : i32 to vector<16xi32>
      %lt3A_40 = arith.cmpi slt, %add3A_13, %lt3A_39 : vector<16xi32>
      %and3A = arith.andi %or3A, %lt3A_40 : vector<16xi1>
      %get3A = arith.constant 0 : index
      %get3A_41 = tpu.vector_load %arg7[%get3A] {strides = array<i32>} : memref<128xf32, #tpu.memory_space<vmem>>, vector<16xf32>,
      %jit3A = arith.constant 0xFF800000 : f32
      %broadcast_in_dim3A = vector.broadcast %jit3A : f32 to vector<16xf32>
      %select_n3A = arith.select %and3A, %get3A_41, %broadcast_in_dim3A : vector<16xi1>, vector<16xf32>
      %swap3A = arith.constant 0 : index
      %swap3A_42 = tpu.vector_load %arg7[%swap3A] {strides = array<i32>} : memref<128xf32, #tpu.memory_space<vmem>>, vector<16xf32>,
      tpu.vector_store %arg7[%swap3A], %select_n3A {strides = array<i32>} : memref<128xf32, #tpu.memory_space<vmem>>, vector<16xf32>,
      %broadcast_in_dim3A_43 = arith.constant 0 : i32
      %broadcast_in_dim3A_44 = vector.broadcast %broadcast_in_dim3A_43 : i32 to vector<16xi32>
      %swap3A_45 = arith.constant 0 : index
      %swap3A_46 = tpu.vector_load %arg10[%swap3A_45] {strides = array<i32>} : memref<96xi32, #tpu.memory_space<vmem>>, vector<16xi32>,
      tpu.vector_store %arg10[%swap3A_45], %broadcast_in_dim3A_44 {strides = array<i32>} : memref<96xi32, #tpu.memory_space<vmem>>, vector<16xi32>,
      %add3A_47 = arith.constant 16 : i32
      %add3A_48 = vector.broadcast %add3A_47 : i32 to vector<16xi32>
      %add3A_49 = arith.addi %iota3A, %add3A_48 : vector<16xi32>
      %mul3A_50 = arith.constant 2 : i32
      %mul3A_51 = vector.broadcast %mul3A_50 : i32 to vector<16xi32>
      %mul3A_52 = arith.muli %mul3A_51, %add3A_49 : vector<16xi32>
      %min3A_53 = arith.constant 169 : i32
      %min3A_54 = vector.broadcast %min3A_53 : i32 to vector<16xi32>
      %min3A_55 = arith.minsi %mul3A_52, %min3A_54 : vector<16xi32>
      %add3A_56 = vector.broadcast %mul3A_10 : i32 to vector<16xi32>
      %add3A_57 = arith.addi %add3A_56, %min3A_55 : vector<16xi32>
      %gather3A_58 = tpu.vector_load_idx %arg8[%add3A_57] : memref<680xi32, #tpu.memory_space<vmem>>[vector<16xi32>], vector<16xi32>,
      %mul3A_59 = arith.constant 2 : i32
      %mul3A_60 = vector.broadcast %mul3A_59 : i32 to vector<16xi32>
      %mul3A_61 = arith.muli %mul3A_60, %add3A_49 : vector<16xi32>
      %add3A_62 = arith.constant 1 : i32
      %add3A_63 = vector.broadcast %add3A_62 : i32 to vector<16xi32>
      %add3A_64 = arith.addi %mul3A_61, %add3A_63 : vector<16xi32>
      %min3A_65 = arith.constant 169 : i32
      %min3A_66 = vector.broadcast %min3A_65 : i32 to vector<16xi32>
      %min3A_67 = arith.minsi %add3A_64, %min3A_66 : vector<16xi32>
      %add3A_68 = vector.broadcast %mul3A_10 : i32 to vector<16xi32>
      %add3A_69 = arith.addi %add3A_68, %min3A_67 : vector<16xi32>
      %gather3A_70 = tpu.vector_load_idx %arg8[%add3A_69] : memref<680xi32, #tpu.memory_space<vmem>>[vector<16xi32>], vector<16xi32>,
      %eq3A_71 = arith.constant 1 : i32
      %eq3A_72 = vector.broadcast %eq3A_71 : i32 to vector<16xi32>
      %eq3A_73 = arith.cmpi eq, %gather3A_58, %eq3A_72 : vector<16xi32>
      %eq3A_74 = arith.constant 1 : i32
      %eq3A_75 = vector.broadcast %eq3A_74 : i32 to vector<16xi32>
      %eq3A_76 = arith.cmpi eq, %gather3A_70, %eq3A_75 : vector<16xi32>
      %or3A_77 = arith.ori %eq3A_73, %eq3A_76 : vector<16xi1>
      %lt3A_78 = arith.constant 85 : i32
      %lt3A_79 = vector.broadcast %lt3A_78 : i32 to vector<16xi32>
      %lt3A_80 = arith.cmpi slt, %add3A_49, %lt3A_79 : vector<16xi32>
      %and3A_81 = arith.andi %or3A_77, %lt3A_80 : vector<16xi1>
      %get3A_82 = arith.constant 16 : index
      %get3A_83 = tpu.vector_load %arg7[%get3A_82] {strides = array<i32>} : memref<128xf32, #tpu.memory_space<vmem>>, vector<16xf32>,
      %jit3A_84 = arith.constant 0xFF800000 : f32
      %broadcast_in_dim3A_85 = vector.broadcast %jit3A_84 : f32 to vector<16xf32>
      %select_n3A_86 = arith.select %and3A_81, %get3A_83, %broadcast_in_dim3A_85 : vector<16xi1>, vector<16xf32>
      %swap3A_87 = arith.constant 16 : index
      %swap3A_88 = tpu.vector_load %arg7[%swap3A_87] {strides = array<i32>} : memref<128xf32, #tpu.memory_space<vmem>>, vector<16xf32>,
      tpu.vector_store %arg7[%swap3A_87], %select_n3A_86 {strides = array<i32>} : memref<128xf32, #tpu.memory_space<vmem>>, vector<16xf32>,
      %broadcast_in_dim3A_89 = arith.constant 0 : i32
      %broadcast_in_dim3A_90 = vector.broadcast %broadcast_in_dim3A_89 : i32 to vector<16xi32>
      %swap3A_91 = arith.constant 16 : index
      %swap3A_92 = tpu.vector_load %arg10[%swap3A_91] {strides = array<i32>} : memref<96xi32, #tpu.memory_space<vmem>>, vector<16xi32>,
      tpu.vector_store %arg10[%swap3A_91], %broadcast_in_dim3A_90 {strides = array<i32>} : memref<96xi32, #tpu.memory_space<vmem>>, vector<16xi32>,
      %add3A_93 = arith.constant 32 : i32
      %add3A_94 = vector.broadcast %add3A_93 : i32 to vector<16xi32>
      %add3A_95 = arith.addi %iota3A, %add3A_94 : vector<16xi32>
      %mul3A_96 = arith.constant 2 : i32
      %mul3A_97 = vector.broadcast %mul3A_96 : i32 to vector<16xi32>
      %mul3A_98 = arith.muli %mul3A_97, %add3A_95 : vector<16xi32>
      %min3A_99 = arith.constant 169 : i32
      %min3A_100 = vector.broadcast %min3A_99 : i32 to vector<16xi32>
      %min3A_101 = arith.minsi %mul3A_98, %min3A_100 : vector<16xi32>
      %add3A_102 = vector.broadcast %mul3A_10 : i32 to vector<16xi32>
      %add3A_103 = arith.addi %add3A_102, %min3A_101 : vector<16xi32>
      %gather3A_104 = tpu.vector_load_idx %arg8[%add3A_103] : memref<680xi32, #tpu.memory_space<vmem>>[vector<16xi32>], vector<16xi32>,
      %mul3A_105 = arith.constant 2 : i32
      %mul3A_106 = vector.broadcast %mul3A_105 : i32 to vector<16xi32>
      %mul3A_107 = arith.muli %mul3A_106, %add3A_95 : vector<16xi32>
      %add3A_108 = arith.constant 1 : i32
      %add3A_109 = vector.broadcast %add3A_108 : i32 to vector<16xi32>
      %add3A_110 = arith.addi %mul3A_107, %add3A_109 : vector<16xi32>
      %min3A_111 = arith.constant 169 : i32
      %min3A_112 = vector.broadcast %min3A_111 : i32 to vector<16xi32>
      %min3A_113 = arith.minsi %add3A_110, %min3A_112 : vector<16xi32>
      %add3A_114 = vector.broadcast %mul3A_10 : i32 to vector<16xi32>
      %add3A_115 = arith.addi %add3A_114, %min3A_113 : vector<16xi32>
      %gather3A_116 = tpu.vector_load_idx %arg8[%add3A_115] : memref<680xi32, #tpu.memory_space<vmem>>[vector<16xi32>], vector<16xi32>,
      %eq3A_117 = arith.constant 1 : i32
      %eq3A_118 = vector.broadcast %eq3A_117 : i32 to vector<16xi32>
      %eq3A_119 = arith.cmpi eq, %gather3A_104, %eq3A_118 : vector<16xi32>
      %eq3A_120 = arith.constant 1 : i32
      %eq3A_121 = vector.broadcast %eq3A_120 : i32 to vector<16xi32>
      %eq3A_122 = arith.cmpi eq, %gather3A_116, %eq3A_121 : vector<16xi32>
      %or3A_123 = arith.ori %eq3A_119, %eq3A_122 : vector<16xi1>
      %lt3A_124 = arith.constant 85 : i32
      %lt3A_125 = vector.broadcast %lt3A_124 : i32 to vector<16xi32>
      %lt3A_126 = arith.cmpi slt, %add3A_95, %lt3A_125 : vector<16xi32>
      %and3A_127 = arith.andi %or3A_123, %lt3A_126 : vector<16xi1>
      %get3A_128 = arith.constant 32 : index
      %get3A_129 = tpu.vector_load %arg7[%get3A_128] {strides = array<i32>} : memref<128xf32, #tpu.memory_space<vmem>>, vector<16xf32>,
      %jit3A_130 = arith.constant 0xFF800000 : f32
      %broadcast_in_dim3A_131 = vector.broadcast %jit3A_130 : f32 to vector<16xf32>
      %select_n3A_132 = arith.select %and3A_127, %get3A_129, %broadcast_in_dim3A_131 : vector<16xi1>, vector<16xf32>
      %swap3A_133 = arith.constant 32 : index
      %swap3A_134 = tpu.vector_load %arg7[%swap3A_133] {strides = array<i32>} : memref<128xf32, #tpu.memory_space<vmem>>, vector<16xf32>,
      tpu.vector_store %arg7[%swap3A_133], %select_n3A_132 {strides = array<i32>} : memref<128xf32, #tpu.memory_space<vmem>>, vector<16xf32>,
      %broadcast_in_dim3A_135 = arith.constant 0 : i32
      %broadcast_in_dim3A_136 = vector.broadcast %broadcast_in_dim3A_135 : i32 to vector<16xi32>
      %swap3A_137 = arith.constant 32 : index
      %swap3A_138 = tpu.vector_load %arg10[%swap3A_137] {strides = array<i32>} : memref<96xi32, #tpu.memory_space<vmem>>, vector<16xi32>,
      tpu.vector_store %arg10[%swap3A_137], %broadcast_in_dim3A_136 {strides = array<i32>} : memref<96xi32, #tpu.memory_space<vmem>>, vector<16xi32>,
      %add3A_139 = arith.constant 48 : i32
      %add3A_140 = vector.broadcast %add3A_139 : i32 to vector<16xi32>
      %add3A_141 = arith.addi %iota3A, %add3A_140 : vector<16xi32>
      %mul3A_142 = arith.constant 2 : i32
      %mul3A_143 = vector.broadcast %mul3A_142 : i32 to vector<16xi32>
      %mul3A_144 = arith.muli %mul3A_143, %add3A_141 : vector<16xi32>
      %min3A_145 = arith.constant 169 : i32
      %min3A_146 = vector.broadcast %min3A_145 : i32 to vector<16xi32>
      %min3A_147 = arith.minsi %mul3A_144, %min3A_146 : vector<16xi32>
      %add3A_148 = vector.broadcast %mul3A_10 : i32 to vector<16xi32>
      %add3A_149 = arith.addi %add3A_148, %min3A_147 : vector<16xi32>
      %gather3A_150 = tpu.vector_load_idx %arg8[%add3A_149] : memref<680xi32, #tpu.memory_space<vmem>>[vector<16xi32>], vector<16xi32>,
      %mul3A_151 = arith.constant 2 : i32
      %mul3A_152 = vector.broadcast %mul3A_151 : i32 to vector<16xi32>
      %mul3A_153 = arith.muli %mul3A_152, %add3A_141 : vector<16xi32>
      %add3A_154 = arith.constant 1 : i32
      %add3A_155 = vector.broadcast %add3A_154 : i32 to vector<16xi32>
      %add3A_156 = arith.addi %mul3A_153, %add3A_155 : vector<16xi32>
      %min3A_157 = arith.constant 169 : i32
      %min3A_158 = vector.broadcast %min3A_157 : i32 to vector<16xi32>
      %min3A_159 = arith.minsi %add3A_156, %min3A_158 : vector<16xi32>
      %add3A_160 = vector.broadcast %mul3A_10 : i32 to vector<16xi32>
      %add3A_161 = arith.addi %add3A_160, %min3A_159 : vector<16xi32>
      %gather3A_162 = tpu.vector_load_idx %arg8[%add3A_161] : memref<680xi32, #tpu.memory_space<vmem>>[vector<16xi32>], vector<16xi32>,
      %eq3A_163 = arith.constant 1 : i32
      %eq3A_164 = vector.broadcast %eq3A_163 : i32 to vector<16xi32>
      %eq3A_165 = arith.cmpi eq, %gather3A_150, %eq3A_164 : vector<16xi32>
      %eq3A_166 = arith.constant 1 : i32
      %eq3A_167 = vector.broadcast %eq3A_166 : i32 to vector<16xi32>
      %eq3A_168 = arith.cmpi eq, %gather3A_162, %eq3A_167 : vector<16xi32>
      %or3A_169 = arith.ori %eq3A_165, %eq3A_168 : vector<16xi1>
      %lt3A_170 = arith.constant 85 : i32
      %lt3A_171 = vector.broadcast %lt3A_170 : i32 to vector<16xi32>
      %lt3A_172 = arith.cmpi slt, %add3A_141, %lt3A_171 : vector<16xi32>
      %and3A_173 = arith.andi %or3A_169, %lt3A_172 : vector<16xi1>
      %get3A_174 = arith.constant 48 : index
      %get3A_175 = tpu.vector_load %arg7[%get3A_174] {strides = array<i32>} : memref<128xf32, #tpu.memory_space<vmem>>, vector<16xf32>,
      %jit3A_176 = arith.constant 0xFF800000 : f32
      %broadcast_in_dim3A_177 = vector.broadcast %jit3A_176 : f32 to vector<16xf32>
      %select_n3A_178 = arith.select %and3A_173, %get3A_175, %broadcast_in_dim3A_177 : vector<16xi1>, vector<16xf32>
      %swap3A_179 = arith.constant 48 : index
      %swap3A_180 = tpu.vector_load %arg7[%swap3A_179] {strides = array<i32>} : memref<128xf32, #tpu.memory_space<vmem>>, vector<16xf32>,
      tpu.vector_store %arg7[%swap3A_179], %select_n3A_178 {strides = array<i32>} : memref<128xf32, #tpu.memory_space<vmem>>, vector<16xf32>,
      %broadcast_in_dim3A_181 = arith.constant 0 : i32
      %broadcast_in_dim3A_182 = vector.broadcast %broadcast_in_dim3A_181 : i32 to vector<16xi32>
      %swap3A_183 = arith.constant 48 : index
      %swap3A_184 = tpu.vector_load %arg10[%swap3A_183] {strides = array<i32>} : memref<96xi32, #tpu.memory_space<vmem>>, vector<16xi32>,
      tpu.vector_store %arg10[%swap3A_183], %broadcast_in_dim3A_182 {strides = array<i32>} : memref<96xi32, #tpu.memory_space<vmem>>, vector<16xi32>,
      %add3A_185 = arith.constant 64 : i32
      %add3A_186 = vector.broadcast %add3A_185 : i32 to vector<16xi32>
      %add3A_187 = arith.addi %iota3A, %add3A_186 : vector<16xi32>
      %mul3A_188 = arith.constant 2 : i32
      %mul3A_189 = vector.broadcast %mul3A_188 : i32 to vector<16xi32>
      %mul3A_190 = arith.muli %mul3A_189, %add3A_187 : vector<16xi32>
      %min3A_191 = arith.constant 169 : i32
      %min3A_192 = vector.broadcast %min3A_191 : i32 to vector<16xi32>
      %min3A_193 = arith.minsi %mul3A_190, %min3A_192 : vector<16xi32>
      %add3A_194 = vector.broadcast %mul3A_10 : i32 to vector<16xi32>
      %add3A_195 = arith.addi %add3A_194, %min3A_193 : vector<16xi32>
      %gather3A_196 = tpu.vector_load_idx %arg8[%add3A_195] : memref<680xi32, #tpu.memory_space<vmem>>[vector<16xi32>], vector<16xi32>,
      %mul3A_197 = arith.constant 2 : i32
      %mul3A_198 = vector.broadcast %mul3A_197 : i32 to vector<16xi32>
      %mul3A_199 = arith.muli %mul3A_198, %add3A_187 : vector<16xi32>
      %add3A_200 = arith.constant 1 : i32
      %add3A_201 = vector.broadcast %add3A_200 : i32 to vector<16xi32>
      %add3A_202 = arith.addi %mul3A_199, %add3A_201 : vector<16xi32>
      %min3A_203 = arith.constant 169 : i32
      %min3A_204 = vector.broadcast %min3A_203 : i32 to vector<16xi32>
      %min3A_205 = arith.minsi %add3A_202, %min3A_204 : vector<16xi32>
      %add3A_206 = vector.broadcast %mul3A_10 : i32 to vector<16xi32>
      %add3A_207 = arith.addi %add3A_206, %min3A_205 : vector<16xi32>
      %gather3A_208 = tpu.vector_load_idx %arg8[%add3A_207] : memref<680xi32, #tpu.memory_space<vmem>>[vector<16xi32>], vector<16xi32>,
      %eq3A_209 = arith.constant 1 : i32
      %eq3A_210 = vector.broadcast %eq3A_209 : i32 to vector<16xi32>
      %eq3A_211 = arith.cmpi eq, %gather3A_196, %eq3A_210 : vector<16xi32>
      %eq3A_212 = arith.constant 1 : i32
      %eq3A_213 = vector.broadcast %eq3A_212 : i32 to vector<16xi32>
      %eq3A_214 = arith.cmpi eq, %gather3A_208, %eq3A_213 : vector<16xi32>
      %or3A_215 = arith.ori %eq3A_211, %eq3A_214 : vector<16xi1>
      %lt3A_216 = arith.constant 85 : i32
      %lt3A_217 = vector.broadcast %lt3A_216 : i32 to vector<16xi32>
      %lt3A_218 = arith.cmpi slt, %add3A_187, %lt3A_217 : vector<16xi32>
      %and3A_219 = arith.andi %or3A_215, %lt3A_218 : vector<16xi1>
      %get3A_220 = arith.constant 64 : index
      %get3A_221 = tpu.vector_load %arg7[%get3A_220] {strides = array<i32>} : memref<128xf32, #tpu.memory_space<vmem>>, vector<16xf32>,
      %jit3A_222 = arith.constant 0xFF800000 : f32
      %broadcast_in_dim3A_223 = vector.broadcast %jit3A_222 : f32 to vector<16xf32>
      %select_n3A_224 = arith.select %and3A_219, %get3A_221, %broadcast_in_dim3A_223 : vector<16xi1>, vector<16xf32>
      %swap3A_225 = arith.constant 64 : index
      %swap3A_226 = tpu.vector_load %arg7[%swap3A_225] {strides = array<i32>} : memref<128xf32, #tpu.memory_space<vmem>>, vector<16xf32>,
      tpu.vector_store %arg7[%swap3A_225], %select_n3A_224 {strides = array<i32>} : memref<128xf32, #tpu.memory_space<vmem>>, vector<16xf32>,
      %broadcast_in_dim3A_227 = arith.constant 0 : i32
      %broadcast_in_dim3A_228 = vector.broadcast %broadcast_in_dim3A_227 : i32 to vector<16xi32>
      %swap3A_229 = arith.constant 64 : index
      %swap3A_230 = tpu.vector_load %arg10[%swap3A_229] {strides = array<i32>} : memref<96xi32, #tpu.memory_space<vmem>>, vector<16xi32>,
      tpu.vector_store %arg10[%swap3A_229], %broadcast_in_dim3A_228 {strides = array<i32>} : memref<96xi32, #tpu.memory_space<vmem>>, vector<16xi32>,
      %add3A_231 = arith.constant 80 : i32
      %add3A_232 = vector.broadcast %add3A_231 : i32 to vector<16xi32>
      %add3A_233 = arith.addi %iota3A, %add3A_232 : vector<16xi32>
      %mul3A_234 = arith.constant 2 : i32
      %mul3A_235 = vector.broadcast %mul3A_234 : i32 to vector<16xi32>
      %mul3A_236 = arith.muli %mul3A_235, %add3A_233 : vector<16xi32>
      %min3A_237 = arith.constant 169 : i32
      %min3A_238 = vector.broadcast %min3A_237 : i32 to vector<16xi32>
      %min3A_239 = arith.minsi %mul3A_236, %min3A_238 : vector<16xi32>
      %add3A_240 = vector.broadcast %mul3A_10 : i32 to vector<16xi32>
      %add3A_241 = arith.addi %add3A_240, %min3A_239 : vector<16xi32>
      %gather3A_242 = tpu.vector_load_idx %arg8[%add3A_241] : memref<680xi32, #tpu.memory_space<vmem>>[vector<16xi32>], vector<16xi32>,
      %mul3A_243 = arith.constant 2 : i32
      %mul3A_244 = vector.broadcast %mul3A_243 : i32 to vector<16xi32>
      %mul3A_245 = arith.muli %mul3A_244, %add3A_233 : vector<16xi32>
      %add3A_246 = arith.constant 1 : i32
      %add3A_247 = vector.broadcast %add3A_246 : i32 to vector<16xi32>
      %add3A_248 = arith.addi %mul3A_245, %add3A_247 : vector<16xi32>
      %min3A_249 = arith.constant 169 : i32
      %min3A_250 = vector.broadcast %min3A_249 : i32 to vector<16xi32>
      %min3A_251 = arith.minsi %add3A_248, %min3A_250 : vector<16xi32>
      %add3A_252 = vector.broadcast %mul3A_10 : i32 to vector<16xi32>
      %add3A_253 = arith.addi %add3A_252, %min3A_251 : vector<16xi32>
      %gather3A_254 = tpu.vector_load_idx %arg8[%add3A_253] : memref<680xi32, #tpu.memory_space<vmem>>[vector<16xi32>], vector<16xi32>,
      %eq3A_255 = arith.constant 1 : i32
      %eq3A_256 = vector.broadcast %eq3A_255 : i32 to vector<16xi32>
      %eq3A_257 = arith.cmpi eq, %gather3A_242, %eq3A_256 : vector<16xi32>
      %eq3A_258 = arith.constant 1 : i32
      %eq3A_259 = vector.broadcast %eq3A_258 : i32 to vector<16xi32>
      %eq3A_260 = arith.cmpi eq, %gather3A_254, %eq3A_259 : vector<16xi32>
      %or3A_261 = arith.ori %eq3A_257, %eq3A_260 : vector<16xi1>
      %lt3A_262 = arith.constant 85 : i32
      %lt3A_263 = vector.broadcast %lt3A_262 : i32 to vector<16xi32>
      %lt3A_264 = arith.cmpi slt, %add3A_233, %lt3A_263 : vector<16xi32>
      %and3A_265 = arith.andi %or3A_261, %lt3A_264 : vector<16xi1>
      %get3A_266 = arith.constant 80 : index
      %get3A_267 = tpu.vector_load %arg7[%get3A_266] {strides = array<i32>} : memref<128xf32, #tpu.memory_space<vmem>>, vector<16xf32>,
      %jit3A_268 = arith.constant 0xFF800000 : f32
      %broadcast_in_dim3A_269 = vector.broadcast %jit3A_268 : f32 to vector<16xf32>
      %select_n3A_270 = arith.select %and3A_265, %get3A_267, %broadcast_in_dim3A_269 : vector<16xi1>, vector<16xf32>
      %swap3A_271 = arith.constant 80 : index
      %swap3A_272 = tpu.vector_load %arg7[%swap3A_271] {strides = array<i32>} : memref<128xf32, #tpu.memory_space<vmem>>, vector<16xf32>,
      tpu.vector_store %arg7[%swap3A_271], %select_n3A_270 {strides = array<i32>} : memref<128xf32, #tpu.memory_space<vmem>>, vector<16xf32>,
      %broadcast_in_dim3A_273 = arith.constant 0 : i32
      %broadcast_in_dim3A_274 = vector.broadcast %broadcast_in_dim3A_273 : i32 to vector<16xi32>
      %swap3A_275 = arith.constant 80 : index
      %swap3A_276 = tpu.vector_load %arg10[%swap3A_275] {strides = array<i32>} : memref<96xi32, #tpu.memory_space<vmem>>, vector<16xi32>,
      tpu.vector_store %arg10[%swap3A_275], %broadcast_in_dim3A_274 {strides = array<i32>} : memref<96xi32, #tpu.memory_space<vmem>>, vector<16xi32>,
      %broadcast_in_dim3A_277 = arith.constant 0 : i32
      %broadcast_in_dim3A_278 = vector.broadcast %broadcast_in_dim3A_277 : i32 to vector<16xi32>
      %broadcast_in_dim3A_279 = arith.constant 0 : i32
      %broadcast_in_dim3A_280 = vector.broadcast %broadcast_in_dim3A_279 : i32 to vector<16xi32>
      %broadcast_in_dim3A_281 = arith.constant 0 : i32
      %broadcast_in_dim3A_282 = vector.broadcast %broadcast_in_dim3A_281 : i32 to vector<16xi32>
      %broadcast_in_dim3A_283 = arith.constant 0 : i32
      %broadcast_in_dim3A_284 = vector.broadcast %broadcast_in_dim3A_283 : i32 to vector<16xi32>
      %broadcast_in_dim3A_285 = arith.constant 0 : i32
      %broadcast_in_dim3A_286 = vector.broadcast %broadcast_in_dim3A_285 : i32 to vector<16xi32>
      %broadcast_in_dim3A_287 = arith.constant 0 : i32
      %broadcast_in_dim3A_288 = vector.broadcast %broadcast_in_dim3A_287 : i32 to vector<16xi32>
      %scan3A = arith.constant 0 : i32
      %scan3A_289 = arith.constant 85 : i32
      %scan3A_290 = arith.addi %scan3A, %scan3A_289 : i32
      %scan3A_291 = arith.constant 1 : i32
      %scan3A_292:6 = scf.for %scan3A_1424 = %scan3A to %scan3A_290 step %scan3A_291 iter_args(%scan3A_1425 = %broadcast_in_dim3A_278, %scan3A_1426 = %broadcast_in_dim3A_280, %scan3A_1427 = %broadcast_in_dim3A_282, %scan3A_1428 = %broadcast_in_dim3A_284, %scan3A_1429 = %broadcast_in_dim3A_286, %scan3A_1430 = %broadcast_in_dim3A_288) -> (vector<16xi32>, vector<16xi32>, vector<16xi32>, vector<16xi32>, vector<16xi32>, vector<16xi32>)  : i32 {
        %broadcast_in_dim3A_1431 = arith.constant 0 : i32
        %broadcast_in_dim3A_1432 = vector.broadcast %broadcast_in_dim3A_1431 : i32 to vector<16xi32>
        %add3A_1433 = vector.broadcast %scan3A_1424 : i32 to vector<16xi32>
        %add3A_1434 = arith.addi %broadcast_in_dim3A_1432, %add3A_1433 : vector<16xi32>
        %gather3A_1435 = tpu.vector_load_idx %arg7[%add3A_1434] : memref<128xf32, #tpu.memory_space<vmem>>[vector<16xi32>], vector<16xf32>,
        %gt3A = arith.cmpf ogt, %gather3A_1435, %select_n3A : vector<16xf32>
        %eq3A_1436 = arith.cmpf oeq, %gather3A_1435, %select_n3A : vector<16xf32>
        %lt3A_1437 = vector.broadcast %scan3A_1424 : i32 to vector<16xi32>
        %lt3A_1438 = arith.cmpi slt, %lt3A_1437, %add3A_13 : vector<16xi32>
        %and3A_1439 = arith.andi %eq3A_1436, %lt3A_1438 : vector<16xi1>
        %or3A_1440 = arith.ori %gt3A, %and3A_1439 : vector<16xi1>
        %convert_element_type3A_1441 = arith.extui %or3A_1440 : vector<16xi1> to vector<16xi32>
        %add3A_1442 = arith.addi %scan3A_1425, %convert_element_type3A_1441 : vector<16xi32>
        %gt3A_1443 = arith.cmpf ogt, %gather3A_1435, %select_n3A_86 : vector<16xf32>
        %eq3A_1444 = arith.cmpf oeq, %gather3A_1435, %select_n3A_86 : vector<16xf32>
        %lt3A_1445 = vector.broadcast %scan3A_1424 : i32 to vector<16xi32>
        %lt3A_1446 = arith.cmpi slt, %lt3A_1445, %add3A_49 : vector<16xi32>
        %and3A_1447 = arith.andi %eq3A_1444, %lt3A_1446 : vector<16xi1>
        %or3A_1448 = arith.ori %gt3A_1443, %and3A_1447 : vector<16xi1>
        %convert_element_type3A_1449 = arith.extui %or3A_1448 : vector<16xi1> to vector<16xi32>
        %add3A_1450 = arith.addi %scan3A_1426, %convert_element_type3A_1449 : vector<16xi32>
        %gt3A_1451 = arith.cmpf ogt, %gather3A_1435, %select_n3A_132 : vector<16xf32>
        %eq3A_1452 = arith.cmpf oeq, %gather3A_1435, %select_n3A_132 : vector<16xf32>
        %lt3A_1453 = vector.broadcast %scan3A_1424 : i32 to vector<16xi32>
        %lt3A_1454 = arith.cmpi slt, %lt3A_1453, %add3A_95 : vector<16xi32>
        %and3A_1455 = arith.andi %eq3A_1452, %lt3A_1454 : vector<16xi1>
        %or3A_1456 = arith.ori %gt3A_1451, %and3A_1455 : vector<16xi1>
        %convert_element_type3A_1457 = arith.extui %or3A_1456 : vector<16xi1> to vector<16xi32>
        %add3A_1458 = arith.addi %scan3A_1427, %convert_element_type3A_1457 : vector<16xi32>
        %gt3A_1459 = arith.cmpf ogt, %gather3A_1435, %select_n3A_178 : vector<16xf32>
        %eq3A_1460 = arith.cmpf oeq, %gather3A_1435, %select_n3A_178 : vector<16xf32>
        %lt3A_1461 = vector.broadcast %scan3A_1424 : i32 to vector<16xi32>
        %lt3A_1462 = arith.cmpi slt, %lt3A_1461, %add3A_141 : vector<16xi32>
        %and3A_1463 = arith.andi %eq3A_1460, %lt3A_1462 : vector<16xi1>
        %or3A_1464 = arith.ori %gt3A_1459, %and3A_1463 : vector<16xi1>
        %convert_element_type3A_1465 = arith.extui %or3A_1464 : vector<16xi1> to vector<16xi32>
        %add3A_1466 = arith.addi %scan3A_1428, %convert_element_type3A_1465 : vector<16xi32>
        %gt3A_1467 = arith.cmpf ogt, %gather3A_1435, %select_n3A_224 : vector<16xf32>
        %eq3A_1468 = arith.cmpf oeq, %gather3A_1435, %select_n3A_224 : vector<16xf32>
        %lt3A_1469 = vector.broadcast %scan3A_1424 : i32 to vector<16xi32>
        %lt3A_1470 = arith.cmpi slt, %lt3A_1469, %add3A_187 : vector<16xi32>
        %and3A_1471 = arith.andi %eq3A_1468, %lt3A_1470 : vector<16xi1>
        %or3A_1472 = arith.ori %gt3A_1467, %and3A_1471 : vector<16xi1>
        %convert_element_type3A_1473 = arith.extui %or3A_1472 : vector<16xi1> to vector<16xi32>
        %add3A_1474 = arith.addi %scan3A_1429, %convert_element_type3A_1473 : vector<16xi32>
        %gt3A_1475 = arith.cmpf ogt, %gather3A_1435, %select_n3A_270 : vector<16xf32>
        %eq3A_1476 = arith.cmpf oeq, %gather3A_1435, %select_n3A_270 : vector<16xf32>
        %lt3A_1477 = vector.broadcast %scan3A_1424 : i32 to vector<16xi32>
        %lt3A_1478 = arith.cmpi slt, %lt3A_1477, %add3A_233 : vector<16xi32>
        %and3A_1479 = arith.andi %eq3A_1476, %lt3A_1478 : vector<16xi1>
        %or3A_1480 = arith.ori %gt3A_1475, %and3A_1479 : vector<16xi1>
        %convert_element_type3A_1481 = arith.extui %or3A_1480 : vector<16xi1> to vector<16xi32>
        %add3A_1482 = arith.addi %scan3A_1430, %convert_element_type3A_1481 : vector<16xi32>
        scf.yield %add3A_1442, %add3A_1450, %add3A_1458, %add3A_1466, %add3A_1474, %add3A_1482 : vector<16xi32>, vector<16xi32>, vector<16xi32>, vector<16xi32>, vector<16xi32>, vector<16xi32>
      }
      %scan3A_293 = arith.constant 85 : i32
      tpu.vector_store_idx %arg10[%scan3A_292#0], %add3A_13 masked %and3A : memref<96xi32, #tpu.memory_space<vmem>>[vector<16xi32>], vector<16xi32>, vector<16xi1>
      %convert_element_type3A_294 = arith.extui %and3A : vector<16xi1> to vector<16xi32>
      %reduce_sum3A = arith.constant true
      %reduce_sum3A_295 = vector.broadcast %reduce_sum3A : i1 to vector<16xi1>
      %reduce_sum3A_296 = tpu.scan <sum>, %convert_element_type3A_294 masked %reduce_sum3A_295 : vector<16xi32>, vector<16xi1> -> vector<16xi32>
      %reduce_sum3A_297 = vector.extract %reduce_sum3A_296[15] : i32 from vector<16xi32>
      %add3A_298 = arith.constant 0 : i32
      %add3A_299 = arith.addi %add3A_298, %reduce_sum3A_297 : i32
      tpu.vector_store_idx %arg10[%scan3A_292#1], %add3A_49 masked %and3A_81 : memref<96xi32, #tpu.memory_space<vmem>>[vector<16xi32>], vector<16xi32>, vector<16xi1>
      %convert_element_type3A_300 = arith.extui %and3A_81 : vector<16xi1> to vector<16xi32>
      %reduce_sum3A_301 = arith.constant true
      %reduce_sum3A_302 = vector.broadcast %reduce_sum3A_301 : i1 to vector<16xi1>
      %reduce_sum3A_303 = tpu.scan <sum>, %convert_element_type3A_300 masked %reduce_sum3A_302 : vector<16xi32>, vector<16xi1> -> vector<16xi32>
      %reduce_sum3A_304 = vector.extract %reduce_sum3A_303[15] : i32 from vector<16xi32>
      %add3A_305 = arith.addi %add3A_299, %reduce_sum3A_304 : i32
      tpu.vector_store_idx %arg10[%scan3A_292#2], %add3A_95 masked %and3A_127 : memref<96xi32, #tpu.memory_space<vmem>>[vector<16xi32>], vector<16xi32>, vector<16xi1>
      %convert_element_type3A_306 = arith.extui %and3A_127 : vector<16xi1> to vector<16xi32>
      %reduce_sum3A_307 = arith.constant true
      %reduce_sum3A_308 = vector.broadcast %reduce_sum3A_307 : i1 to vector<16xi1>
      %reduce_sum3A_309 = tpu.scan <sum>, %convert_element_type3A_306 masked %reduce_sum3A_308 : vector<16xi32>, vector<16xi1> -> vector<16xi32>
      %reduce_sum3A_310 = vector.extract %reduce_sum3A_309[15] : i32 from vector<16xi32>
      %add3A_311 = arith.addi %add3A_305, %reduce_sum3A_310 : i32
      tpu.vector_store_idx %arg10[%scan3A_292#3], %add3A_141 masked %and3A_173 : memref<96xi32, #tpu.memory_space<vmem>>[vector<16xi32>], vector<16xi32>, vector<16xi1>
      %convert_element_type3A_312 = arith.extui %and3A_173 : vector<16xi1> to vector<16xi32>
      %reduce_sum3A_313 = arith.constant true
      %reduce_sum3A_314 = vector.broadcast %reduce_sum3A_313 : i1 to vector<16xi1>
      %reduce_sum3A_315 = tpu.scan <sum>, %convert_element_type3A_312 masked %reduce_sum3A_314 : vector<16xi32>, vector<16xi1> -> vector<16xi32>
      %reduce_sum3A_316 = vector.extract %reduce_sum3A_315[15] : i32 from vector<16xi32>
      %add3A_317 = arith.addi %add3A_311, %reduce_sum3A_316 : i32
      tpu.vector_store_idx %arg10[%scan3A_292#4], %add3A_187 masked %and3A_219 : memref<96xi32, #tpu.memory_space<vmem>>[vector<16xi32>], vector<16xi32>, vector<16xi1>
      %convert_element_type3A_318 = arith.extui %and3A_219 : vector<16xi1> to vector<16xi32>
      %reduce_sum3A_319 = arith.constant true
      %reduce_sum3A_320 = vector.broadcast %reduce_sum3A_319 : i1 to vector<16xi1>
      %reduce_sum3A_321 = tpu.scan <sum>, %convert_element_type3A_318 masked %reduce_sum3A_320 : vector<16xi32>, vector<16xi1> -> vector<16xi32>
      %reduce_sum3A_322 = vector.extract %reduce_sum3A_321[15] : i32 from vector<16xi32>
      %add3A_323 = arith.addi %add3A_317, %reduce_sum3A_322 : i32
      tpu.vector_store_idx %arg10[%scan3A_292#5], %add3A_233 masked %and3A_265 : memref<96xi32, #tpu.memory_space<vmem>>[vector<16xi32>], vector<16xi32>, vector<16xi1>
      %convert_element_type3A_324 = arith.extui %and3A_265 : vector<16xi1> to vector<16xi32>
      %reduce_sum3A_325 = arith.constant true
      %reduce_sum3A_326 = vector.broadcast %reduce_sum3A_325 : i1 to vector<16xi1>
      %reduce_sum3A_327 = tpu.scan <sum>, %convert_element_type3A_324 masked %reduce_sum3A_326 : vector<16xi32>, vector<16xi1> -> vector<16xi32>
      %reduce_sum3A_328 = vector.extract %reduce_sum3A_327[15] : i32 from vector<16xi32>
      %add3A_329 = arith.addi %add3A_323, %reduce_sum3A_328 : i32
      %mul3A_330 = arith.constant 0 : i32
      %mul3A_331 = vector.broadcast %mul3A_330 : i32 to vector<16xi32>
      %mul3A_332 = arith.muli %iota3A, %mul3A_331 : vector<16xi32>
      %add3A_333 = arith.constant 88 : i32
      %add3A_334 = vector.broadcast %add3A_333 : i32 to vector<16xi32>
      %add3A_335 = arith.addi %mul3A_332, %add3A_334 : vector<16xi32>
      %broadcast_in_dim3A_336 = arith.constant 0 : i32
      %broadcast_in_dim3A_337 = vector.broadcast %broadcast_in_dim3A_336 : i32 to vector<16xi32>
      %add3A_338 = vector.broadcast %add3A_329 : i32 to vector<16xi32>
      %add3A_339 = arith.addi %broadcast_in_dim3A_337, %add3A_338 : vector<16xi32>
      %eq3A_340 = arith.constant 0 : i32
      %eq3A_341 = vector.broadcast %eq3A_340 : i32 to vector<16xi32>
      %eq3A_342 = arith.cmpi eq, %iota3A, %eq3A_341 : vector<16xi32>
      tpu.vector_store_idx %arg10[%add3A_335], %add3A_339 masked %eq3A_342 : memref<96xi32, #tpu.memory_space<vmem>>[vector<16xi32>], vector<16xi32>, vector<16xi1>
      %broadcast_in_dim3A_343 = arith.constant 0.000000e+00 : f32
      %broadcast_in_dim3A_344 = vector.broadcast %broadcast_in_dim3A_343 : f32 to vector<16xf32>
      %get3A_345 = arith.constant 0 : index
      %get3A_346 = tpu.vector_load %arg10[%get3A_345] {strides = array<i32>} : memref<96xi32, #tpu.memory_space<vmem>>, vector<16xi32>,
      %lt3A_347 = vector.broadcast %add3A_329 : i32 to vector<16xi32>
      %lt3A_348 = arith.cmpi slt, %add3A_13, %lt3A_347 : vector<16xi32>
      %mul3A_349 = arith.constant 0 : i32
      %mul3A_350 = vector.broadcast %mul3A_349 : i32 to vector<16xi32>
      %mul3A_351 = arith.muli %iota3A, %mul3A_350 : vector<16xi32>
      %add3A_352 = arith.constant 10 : i32
      %add3A_353 = vector.broadcast %add3A_352 : i32 to vector<16xi32>
      %add3A_354 = arith.addi %mul3A_351, %add3A_353 : vector<16xi32>
      tpu.vector_store_idx %arg11[%add3A_13, %add3A_354], %broadcast_in_dim3A_344 : memref<96x12xf32, #tpu.memory_space<vmem>>[vector<16xi32>, vector<16xi32>], vector<16xf32>,
      %mul3A_355 = arith.constant 0 : i32
      %mul3A_356 = vector.broadcast %mul3A_355 : i32 to vector<16xi32>
      %mul3A_357 = arith.muli %iota3A, %mul3A_356 : vector<16xi32>
      %add3A_358 = arith.constant 11 : i32
      %add3A_359 = vector.broadcast %add3A_358 : i32 to vector<16xi32>
      %add3A_360 = arith.addi %mul3A_357, %add3A_359 : vector<16xi32>
      tpu.vector_store_idx %arg11[%add3A_13, %add3A_360], %broadcast_in_dim3A_344 : memref<96x12xf32, #tpu.memory_space<vmem>>[vector<16xi32>, vector<16xi32>], vector<16xf32>,
      %mul3A_361 = arith.constant 2 : i32
      %mul3A_362 = vector.broadcast %mul3A_361 : i32 to vector<16xi32>
      %mul3A_363 = arith.muli %mul3A_362, %get3A_346 : vector<16xi32>
      %add3A_364 = arith.constant 0 : i32
      %add3A_365 = vector.broadcast %add3A_364 : i32 to vector<16xi32>
      %add3A_366 = arith.addi %mul3A_363, %add3A_365 : vector<16xi32>
      %min3A_367 = arith.constant 169 : i32
      %min3A_368 = vector.broadcast %min3A_367 : i32 to vector<16xi32>
      %min3A_369 = arith.minsi %add3A_366, %min3A_368 : vector<16xi32>
      %add3A_370 = vector.broadcast %mul3A_10 : i32 to vector<16xi32>
      %add3A_371 = arith.addi %add3A_370, %min3A_369 : vector<16xi32>
      %gather3A_372 = tpu.vector_load_idx %arg8[%add3A_371] : memref<680xi32, #tpu.memory_space<vmem>>[vector<16xi32>], vector<16xi32>,
      %eq3A_373 = arith.constant 1 : i32
      %eq3A_374 = vector.broadcast %eq3A_373 : i32 to vector<16xi32>
      %eq3A_375 = arith.cmpi eq, %gather3A_372, %eq3A_374 : vector<16xi32>
      %and3A_376 = arith.andi %lt3A_348, %eq3A_375 : vector<16xi1>
      %jit3A_377 = arith.constant 0.000000e+00 : f32
      %jit3A_378 = arith.constant 1.000000e+09 : f32
      %broadcast_in_dim3A_379 = vector.broadcast %jit3A_377 : f32 to vector<16xf32>
      %broadcast_in_dim3A_380 = vector.broadcast %jit3A_378 : f32 to vector<16xf32>
      %select_n3A_381 = arith.select %and3A_376, %broadcast_in_dim3A_379, %broadcast_in_dim3A_380 : vector<16xi1>, vector<16xf32>
      %mul3A_382 = arith.constant 8 : i32
      %mul3A_383 = vector.broadcast %mul3A_382 : i32 to vector<16xi32>
      %mul3A_384 = arith.muli %mul3A_383, %get3A_346 : vector<16xi32>
      %add3A_385 = arith.constant 0 : i32
      %add3A_386 = vector.broadcast %add3A_385 : i32 to vector<16xi32>
      %add3A_387 = arith.addi %mul3A_384, %add3A_386 : vector<16xi32>
      %gather3A_388 = tpu.vector_load_idx %arg9[%add3A_387] : memref<680xf32, #tpu.memory_space<vmem>>[vector<16xi32>], vector<16xf32>,
      %add3A_389 = arith.constant 1 : i32
      %add3A_390 = vector.broadcast %add3A_389 : i32 to vector<16xi32>
      %add3A_391 = arith.addi %add3A_387, %add3A_390 : vector<16xi32>
      %gather3A_392 = tpu.vector_load_idx %arg9[%add3A_391] : memref<680xf32, #tpu.memory_space<vmem>>[vector<16xi32>], vector<16xf32>,
      %add3A_393 = arith.constant 2 : i32
      %add3A_394 = vector.broadcast %add3A_393 : i32 to vector<16xi32>
      %add3A_395 = arith.addi %add3A_387, %add3A_394 : vector<16xi32>
      %gather3A_396 = tpu.vector_load_idx %arg9[%add3A_395] : memref<680xf32, #tpu.memory_space<vmem>>[vector<16xi32>], vector<16xf32>,
      %add3A_397 = arith.constant 9.99999974E-6 : f32
      %add3A_398 = vector.broadcast %add3A_397 : f32 to vector<16xf32>
      %add3A_399 = arith.addf %gather3A_396, %add3A_398 : vector<16xf32>
      %div3A = arith.constant 1.000000e+00 : f32
      %div3A_400 = vector.broadcast %div3A : f32 to vector<16xf32>
      %div3A_401 = arith.divf %div3A_400, %add3A_399 : vector<16xf32>
      %add3A_402 = arith.constant 3 : i32
      %add3A_403 = vector.broadcast %add3A_402 : i32 to vector<16xi32>
      %add3A_404 = arith.addi %add3A_387, %add3A_403 : vector<16xi32>
      %gather3A_405 = tpu.vector_load_idx %arg9[%add3A_404] : memref<680xf32, #tpu.memory_space<vmem>>[vector<16xi32>], vector<16xf32>,
      %add3A_406 = arith.constant 9.99999974E-6 : f32
      %add3A_407 = vector.broadcast %add3A_406 : f32 to vector<16xf32>
      %add3A_408 = arith.addf %gather3A_405, %add3A_407 : vector<16xf32>
      %div3A_409 = arith.constant 1.000000e+00 : f32
      %div3A_410 = vector.broadcast %div3A_409 : f32 to vector<16xf32>
      %div3A_411 = arith.divf %div3A_410, %add3A_408 : vector<16xf32>
      %mul3A_412 = arith.constant 0 : i32
      %mul3A_413 = vector.broadcast %mul3A_412 : i32 to vector<16xi32>
      %mul3A_414 = arith.muli %iota3A, %mul3A_413 : vector<16xi32>
      %add3A_415 = arith.constant 0 : i32
      %add3A_416 = vector.broadcast %add3A_415 : i32 to vector<16xi32>
      %add3A_417 = arith.addi %mul3A_414, %add3A_416 : vector<16xi32>
      tpu.vector_store_idx %arg11[%add3A_13, %add3A_417], %gather3A_388 : memref<96x12xf32, #tpu.memory_space<vmem>>[vector<16xi32>, vector<16xi32>], vector<16xf32>,
      %mul3A_418 = arith.constant 0 : i32
      %mul3A_419 = vector.broadcast %mul3A_418 : i32 to vector<16xi32>
      %mul3A_420 = arith.muli %iota3A, %mul3A_419 : vector<16xi32>
      %add3A_421 = arith.constant 1 : i32
      %add3A_422 = vector.broadcast %add3A_421 : i32 to vector<16xi32>
      %add3A_423 = arith.addi %mul3A_420, %add3A_422 : vector<16xi32>
      tpu.vector_store_idx %arg11[%add3A_13, %add3A_423], %gather3A_392 : memref<96x12xf32, #tpu.memory_space<vmem>>[vector<16xi32>, vector<16xi32>], vector<16xf32>,
      %mul3A_424 = arith.constant 0 : i32
      %mul3A_425 = vector.broadcast %mul3A_424 : i32 to vector<16xi32>
      %mul3A_426 = arith.muli %iota3A, %mul3A_425 : vector<16xi32>
      %add3A_427 = arith.constant 2 : i32
      %add3A_428 = vector.broadcast %add3A_427 : i32 to vector<16xi32>
      %add3A_429 = arith.addi %mul3A_426, %add3A_428 : vector<16xi32>
      tpu.vector_store_idx %arg11[%add3A_13, %add3A_429], %div3A_401 : memref<96x12xf32, #tpu.memory_space<vmem>>[vector<16xi32>, vector<16xi32>], vector<16xf32>,
      %mul3A_430 = arith.constant 0 : i32
      %mul3A_431 = vector.broadcast %mul3A_430 : i32 to vector<16xi32>
      %mul3A_432 = arith.muli %iota3A, %mul3A_431 : vector<16xi32>
      %add3A_433 = arith.constant 3 : i32
      %add3A_434 = vector.broadcast %add3A_433 : i32 to vector<16xi32>
      %add3A_435 = arith.addi %mul3A_432, %add3A_434 : vector<16xi32>
      tpu.vector_store_idx %arg11[%add3A_13, %add3A_435], %div3A_411 : memref<96x12xf32, #tpu.memory_space<vmem>>[vector<16xi32>, vector<16xi32>], vector<16xf32>,
      %mul3A_436 = arith.constant 0 : i32
      %mul3A_437 = vector.broadcast %mul3A_436 : i32 to vector<16xi32>
      %mul3A_438 = arith.muli %iota3A, %mul3A_437 : vector<16xi32>
      %add3A_439 = arith.constant 4 : i32
      %add3A_440 = vector.broadcast %add3A_439 : i32 to vector<16xi32>
      %add3A_441 = arith.addi %mul3A_438, %add3A_440 : vector<16xi32>
      tpu.vector_store_idx %arg11[%add3A_13, %add3A_441], %select_n3A_381 : memref<96x12xf32, #tpu.memory_space<vmem>>[vector<16xi32>, vector<16xi32>], vector<16xf32>,
      %mul3A_442 = arith.constant 2 : i32
      %mul3A_443 = vector.broadcast %mul3A_442 : i32 to vector<16xi32>
      %mul3A_444 = arith.muli %mul3A_443, %get3A_346 : vector<16xi32>
      %add3A_445 = arith.constant 1 : i32
      %add3A_446 = vector.broadcast %add3A_445 : i32 to vector<16xi32>
      %add3A_447 = arith.addi %mul3A_444, %add3A_446 : vector<16xi32>
      %min3A_448 = arith.constant 169 : i32
      %min3A_449 = vector.broadcast %min3A_448 : i32 to vector<16xi32>
      %min3A_450 = arith.minsi %add3A_447, %min3A_449 : vector<16xi32>
      %add3A_451 = vector.broadcast %mul3A_10 : i32 to vector<16xi32>
      %add3A_452 = arith.addi %add3A_451, %min3A_450 : vector<16xi32>
      %gather3A_453 = tpu.vector_load_idx %arg8[%add3A_452] : memref<680xi32, #tpu.memory_space<vmem>>[vector<16xi32>], vector<16xi32>,
      %eq3A_454 = arith.constant 1 : i32
      %eq3A_455 = vector.broadcast %eq3A_454 : i32 to vector<16xi32>
      %eq3A_456 = arith.cmpi eq, %gather3A_453, %eq3A_455 : vector<16xi32>
      %and3A_457 = arith.andi %lt3A_348, %eq3A_456 : vector<16xi1>
      %jit3A_458 = arith.constant 0.000000e+00 : f32
      %jit3A_459 = arith.constant 1.000000e+09 : f32
      %broadcast_in_dim3A_460 = vector.broadcast %jit3A_458 : f32 to vector<16xf32>
      %broadcast_in_dim3A_461 = vector.broadcast %jit3A_459 : f32 to vector<16xf32>
      %select_n3A_462 = arith.select %and3A_457, %broadcast_in_dim3A_460, %broadcast_in_dim3A_461 : vector<16xi1>, vector<16xf32>
      %mul3A_463 = arith.constant 8 : i32
      %mul3A_464 = vector.broadcast %mul3A_463 : i32 to vector<16xi32>
      %mul3A_465 = arith.muli %mul3A_464, %get3A_346 : vector<16xi32>
      %add3A_466 = arith.constant 4 : i32
      %add3A_467 = vector.broadcast %add3A_466 : i32 to vector<16xi32>
      %add3A_468 = arith.addi %mul3A_465, %add3A_467 : vector<16xi32>
      %gather3A_469 = tpu.vector_load_idx %arg9[%add3A_468] : memref<680xf32, #tpu.memory_space<vmem>>[vector<16xi32>], vector<16xf32>,
      %add3A_470 = arith.constant 1 : i32
      %add3A_471 = vector.broadcast %add3A_470 : i32 to vector<16xi32>
      %add3A_472 = arith.addi %add3A_468, %add3A_471 : vector<16xi32>
      %gather3A_473 = tpu.vector_load_idx %arg9[%add3A_472] : memref<680xf32, #tpu.memory_space<vmem>>[vector<16xi32>], vector<16xf32>,
      %add3A_474 = arith.constant 2 : i32
      %add3A_475 = vector.broadcast %add3A_474 : i32 to vector<16xi32>
      %add3A_476 = arith.addi %add3A_468, %add3A_475 : vector<16xi32>
      %gather3A_477 = tpu.vector_load_idx %arg9[%add3A_476] : memref<680xf32, #tpu.memory_space<vmem>>[vector<16xi32>], vector<16xf32>,
      %add3A_478 = arith.constant 9.99999974E-6 : f32
      %add3A_479 = vector.broadcast %add3A_478 : f32 to vector<16xf32>
      %add3A_480 = arith.addf %gather3A_477, %add3A_479 : vector<16xf32>
      %div3A_481 = arith.constant 1.000000e+00 : f32
      %div3A_482 = vector.broadcast %div3A_481 : f32 to vector<16xf32>
      %div3A_483 = arith.divf %div3A_482, %add3A_480 : vector<16xf32>
      %add3A_484 = arith.constant 3 : i32
      %add3A_485 = vector.broadcast %add3A_484 : i32 to vector<16xi32>
      %add3A_486 = arith.addi %add3A_468, %add3A_485 : vector<16xi32>
      %gather3A_487 = tpu.vector_load_idx %arg9[%add3A_486] : memref<680xf32, #tpu.memory_space<vmem>>[vector<16xi32>], vector<16xf32>,
      %add3A_488 = arith.constant 9.99999974E-6 : f32
      %add3A_489 = vector.broadcast %add3A_488 : f32 to vector<16xf32>
      %add3A_490 = arith.addf %gather3A_487, %add3A_489 : vector<16xf32>
      %div3A_491 = arith.constant 1.000000e+00 : f32
      %div3A_492 = vector.broadcast %div3A_491 : f32 to vector<16xf32>
      %div3A_493 = arith.divf %div3A_492, %add3A_490 : vector<16xf32>
      %mul3A_494 = arith.constant 0 : i32
      %mul3A_495 = vector.broadcast %mul3A_494 : i32 to vector<16xi32>
      %mul3A_496 = arith.muli %iota3A, %mul3A_495 : vector<16xi32>
      %add3A_497 = arith.constant 5 : i32
      %add3A_498 = vector.broadcast %add3A_497 : i32 to vector<16xi32>
      %add3A_499 = arith.addi %mul3A_496, %add3A_498 : vector<16xi32>
      tpu.vector_store_idx %arg11[%add3A_13, %add3A_499], %gather3A_469 : memref<96x12xf32, #tpu.memory_space<vmem>>[vector<16xi32>, vector<16xi32>], vector<16xf32>,
      %mul3A_500 = arith.constant 0 : i32
      %mul3A_501 = vector.broadcast %mul3A_500 : i32 to vector<16xi32>
      %mul3A_502 = arith.muli %iota3A, %mul3A_501 : vector<16xi32>
      %add3A_503 = arith.constant 6 : i32
      %add3A_504 = vector.broadcast %add3A_503 : i32 to vector<16xi32>
      %add3A_505 = arith.addi %mul3A_502, %add3A_504 : vector<16xi32>
      tpu.vector_store_idx %arg11[%add3A_13, %add3A_505], %gather3A_473 : memref<96x12xf32, #tpu.memory_space<vmem>>[vector<16xi32>, vector<16xi32>], vector<16xf32>,
      %mul3A_506 = arith.constant 0 : i32
      %mul3A_507 = vector.broadcast %mul3A_506 : i32 to vector<16xi32>
      %mul3A_508 = arith.muli %iota3A, %mul3A_507 : vector<16xi32>
      %add3A_509 = arith.constant 7 : i32
      %add3A_510 = vector.broadcast %add3A_509 : i32 to vector<16xi32>
      %add3A_511 = arith.addi %mul3A_508, %add3A_510 : vector<16xi32>
      tpu.vector_store_idx %arg11[%add3A_13, %add3A_511], %div3A_483 : memref<96x12xf32, #tpu.memory_space<vmem>>[vector<16xi32>, vector<16xi32>], vector<16xf32>,
      %mul3A_512 = arith.constant 0 : i32
      %mul3A_513 = vector.broadcast %mul3A_512 : i32 to vector<16xi32>
      %mul3A_514 = arith.muli %iota3A, %mul3A_513 : vector<16xi32>
      %add3A_515 = arith.constant 8 : i32
      %add3A_516 = vector.broadcast %add3A_515 : i32 to vector<16xi32>
      %add3A_517 = arith.addi %mul3A_514, %add3A_516 : vector<16xi32>
      tpu.vector_store_idx %arg11[%add3A_13, %add3A_517], %div3A_493 : memref<96x12xf32, #tpu.memory_space<vmem>>[vector<16xi32>, vector<16xi32>], vector<16xf32>,
      %mul3A_518 = arith.constant 0 : i32
      %mul3A_519 = vector.broadcast %mul3A_518 : i32 to vector<16xi32>
      %mul3A_520 = arith.muli %iota3A, %mul3A_519 : vector<16xi32>
      %add3A_521 = arith.constant 9 : i32
      %add3A_522 = vector.broadcast %add3A_521 : i32 to vector<16xi32>
      %add3A_523 = arith.addi %mul3A_520, %add3A_522 : vector<16xi32>
      tpu.vector_store_idx %arg11[%add3A_13, %add3A_523], %select_n3A_462 : memref<96x12xf32, #tpu.memory_space<vmem>>[vector<16xi32>, vector<16xi32>], vector<16xf32>,
      %get3A_524 = arith.constant 16 : index
      %get3A_525 = tpu.vector_load %arg10[%get3A_524] {strides = array<i32>} : memref<96xi32, #tpu.memory_space<vmem>>, vector<16xi32>,
      %lt3A_526 = vector.broadcast %add3A_329 : i32 to vector<16xi32>
      %lt3A_527 = arith.cmpi slt, %add3A_49, %lt3A_526 : vector<16xi32>
      %mul3A_528 = arith.constant 0 : i32
      %mul3A_529 = vector.broadcast %mul3A_528 : i32 to vector<16xi32>
      %mul3A_530 = arith.muli %iota3A, %mul3A_529 : vector<16xi32>
      %add3A_531 = arith.constant 10 : i32
      %add3A_532 = vector.broadcast %add3A_531 : i32 to vector<16xi32>
      %add3A_533 = arith.addi %mul3A_530, %add3A_532 : vector<16xi32>
      tpu.vector_store_idx %arg11[%add3A_49, %add3A_533], %broadcast_in_dim3A_344 : memref<96x12xf32, #tpu.memory_space<vmem>>[vector<16xi32>, vector<16xi32>], vector<16xf32>,
      %mul3A_534 = arith.constant 0 : i32
      %mul3A_535 = vector.broadcast %mul3A_534 : i32 to vector<16xi32>
      %mul3A_536 = arith.muli %iota3A, %mul3A_535 : vector<16xi32>
      %add3A_537 = arith.constant 11 : i32
      %add3A_538 = vector.broadcast %add3A_537 : i32 to vector<16xi32>
      %add3A_539 = arith.addi %mul3A_536, %add3A_538 : vector<16xi32>
      tpu.vector_store_idx %arg11[%add3A_49, %add3A_539], %broadcast_in_dim3A_344 : memref<96x12xf32, #tpu.memory_space<vmem>>[vector<16xi32>, vector<16xi32>], vector<16xf32>,
      %mul3A_540 = arith.constant 2 : i32
      %mul3A_541 = vector.broadcast %mul3A_540 : i32 to vector<16xi32>
      %mul3A_542 = arith.muli %mul3A_541, %get3A_525 : vector<16xi32>
      %add3A_543 = arith.constant 0 : i32
      %add3A_544 = vector.broadcast %add3A_543 : i32 to vector<16xi32>
      %add3A_545 = arith.addi %mul3A_542, %add3A_544 : vector<16xi32>
      %min3A_546 = arith.constant 169 : i32
      %min3A_547 = vector.broadcast %min3A_546 : i32 to vector<16xi32>
      %min3A_548 = arith.minsi %add3A_545, %min3A_547 : vector<16xi32>
      %add3A_549 = vector.broadcast %mul3A_10 : i32 to vector<16xi32>
      %add3A_550 = arith.addi %add3A_549, %min3A_548 : vector<16xi32>
      %gather3A_551 = tpu.vector_load_idx %arg8[%add3A_550] : memref<680xi32, #tpu.memory_space<vmem>>[vector<16xi32>], vector<16xi32>,
      %eq3A_552 = arith.constant 1 : i32
      %eq3A_553 = vector.broadcast %eq3A_552 : i32 to vector<16xi32>
      %eq3A_554 = arith.cmpi eq, %gather3A_551, %eq3A_553 : vector<16xi32>
      %and3A_555 = arith.andi %lt3A_527, %eq3A_554 : vector<16xi1>
      %jit3A_556 = arith.constant 0.000000e+00 : f32
      %jit3A_557 = arith.constant 1.000000e+09 : f32
      %broadcast_in_dim3A_558 = vector.broadcast %jit3A_556 : f32 to vector<16xf32>
      %broadcast_in_dim3A_559 = vector.broadcast %jit3A_557 : f32 to vector<16xf32>
      %select_n3A_560 = arith.select %and3A_555, %broadcast_in_dim3A_558, %broadcast_in_dim3A_559 : vector<16xi1>, vector<16xf32>
      %mul3A_561 = arith.constant 8 : i32
      %mul3A_562 = vector.broadcast %mul3A_561 : i32 to vector<16xi32>
      %mul3A_563 = arith.muli %mul3A_562, %get3A_525 : vector<16xi32>
      %add3A_564 = arith.constant 0 : i32
      %add3A_565 = vector.broadcast %add3A_564 : i32 to vector<16xi32>
      %add3A_566 = arith.addi %mul3A_563, %add3A_565 : vector<16xi32>
      %gather3A_567 = tpu.vector_load_idx %arg9[%add3A_566] : memref<680xf32, #tpu.memory_space<vmem>>[vector<16xi32>], vector<16xf32>,
      %add3A_568 = arith.constant 1 : i32
      %add3A_569 = vector.broadcast %add3A_568 : i32 to vector<16xi32>
      %add3A_570 = arith.addi %add3A_566, %add3A_569 : vector<16xi32>
      %gather3A_571 = tpu.vector_load_idx %arg9[%add3A_570] : memref<680xf32, #tpu.memory_space<vmem>>[vector<16xi32>], vector<16xf32>,
      %add3A_572 = arith.constant 2 : i32
      %add3A_573 = vector.broadcast %add3A_572 : i32 to vector<16xi32>
      %add3A_574 = arith.addi %add3A_566, %add3A_573 : vector<16xi32>
      %gather3A_575 = tpu.vector_load_idx %arg9[%add3A_574] : memref<680xf32, #tpu.memory_space<vmem>>[vector<16xi32>], vector<16xf32>,
      %add3A_576 = arith.constant 9.99999974E-6 : f32
      %add3A_577 = vector.broadcast %add3A_576 : f32 to vector<16xf32>
      %add3A_578 = arith.addf %gather3A_575, %add3A_577 : vector<16xf32>
      %div3A_579 = arith.constant 1.000000e+00 : f32
      %div3A_580 = vector.broadcast %div3A_579 : f32 to vector<16xf32>
      %div3A_581 = arith.divf %div3A_580, %add3A_578 : vector<16xf32>
      %add3A_582 = arith.constant 3 : i32
      %add3A_583 = vector.broadcast %add3A_582 : i32 to vector<16xi32>
      %add3A_584 = arith.addi %add3A_566, %add3A_583 : vector<16xi32>
      %gather3A_585 = tpu.vector_load_idx %arg9[%add3A_584] : memref<680xf32, #tpu.memory_space<vmem>>[vector<16xi32>], vector<16xf32>,
      %add3A_586 = arith.constant 9.99999974E-6 : f32
      %add3A_587 = vector.broadcast %add3A_586 : f32 to vector<16xf32>
      %add3A_588 = arith.addf %gather3A_585, %add3A_587 : vector<16xf32>
      %div3A_589 = arith.constant 1.000000e+00 : f32
      %div3A_590 = vector.broadcast %div3A_589 : f32 to vector<16xf32>
      %div3A_591 = arith.divf %div3A_590, %add3A_588 : vector<16xf32>
      %mul3A_592 = arith.constant 0 : i32
      %mul3A_593 = vector.broadcast %mul3A_592 : i32 to vector<16xi32>
      %mul3A_594 = arith.muli %iota3A, %mul3A_593 : vector<16xi32>
      %add3A_595 = arith.constant 0 : i32
      %add3A_596 = vector.broadcast %add3A_595 : i32 to vector<16xi32>
      %add3A_597 = arith.addi %mul3A_594, %add3A_596 : vector<16xi32>
      tpu.vector_store_idx %arg11[%add3A_49, %add3A_597], %gather3A_567 : memref<96x12xf32, #tpu.memory_space<vmem>>[vector<16xi32>, vector<16xi32>], vector<16xf32>,
      %mul3A_598 = arith.constant 0 : i32
      %mul3A_599 = vector.broadcast %mul3A_598 : i32 to vector<16xi32>
      %mul3A_600 = arith.muli %iota3A, %mul3A_599 : vector<16xi32>
      %add3A_601 = arith.constant 1 : i32
      %add3A_602 = vector.broadcast %add3A_601 : i32 to vector<16xi32>
      %add3A_603 = arith.addi %mul3A_600, %add3A_602 : vector<16xi32>
      tpu.vector_store_idx %arg11[%add3A_49, %add3A_603], %gather3A_571 : memref<96x12xf32, #tpu.memory_space<vmem>>[vector<16xi32>, vector<16xi32>], vector<16xf32>,
      %mul3A_604 = arith.constant 0 : i32
      %mul3A_605 = vector.broadcast %mul3A_604 : i32 to vector<16xi32>
      %mul3A_606 = arith.muli %iota3A, %mul3A_605 : vector<16xi32>
      %add3A_607 = arith.constant 2 : i32
      %add3A_608 = vector.broadcast %add3A_607 : i32 to vector<16xi32>
      %add3A_609 = arith.addi %mul3A_606, %add3A_608 : vector<16xi32>
      tpu.vector_store_idx %arg11[%add3A_49, %add3A_609], %div3A_581 : memref<96x12xf32, #tpu.memory_space<vmem>>[vector<16xi32>, vector<16xi32>], vector<16xf32>,
      %mul3A_610 = arith.constant 0 : i32
      %mul3A_611 = vector.broadcast %mul3A_610 : i32 to vector<16xi32>
      %mul3A_612 = arith.muli %iota3A, %mul3A_611 : vector<16xi32>
      %add3A_613 = arith.constant 3 : i32
      %add3A_614 = vector.broadcast %add3A_613 : i32 to vector<16xi32>
      %add3A_615 = arith.addi %mul3A_612, %add3A_614 : vector<16xi32>
      tpu.vector_store_idx %arg11[%add3A_49, %add3A_615], %div3A_591 : memref<96x12xf32, #tpu.memory_space<vmem>>[vector<16xi32>, vector<16xi32>], vector<16xf32>,
      %mul3A_616 = arith.constant 0 : i32
      %mul3A_617 = vector.broadcast %mul3A_616 : i32 to vector<16xi32>
      %mul3A_618 = arith.muli %iota3A, %mul3A_617 : vector<16xi32>
      %add3A_619 = arith.constant 4 : i32
      %add3A_620 = vector.broadcast %add3A_619 : i32 to vector<16xi32>
      %add3A_621 = arith.addi %mul3A_618, %add3A_620 : vector<16xi32>
      tpu.vector_store_idx %arg11[%add3A_49, %add3A_621], %select_n3A_560 : memref<96x12xf32, #tpu.memory_space<vmem>>[vector<16xi32>, vector<16xi32>], vector<16xf32>,
      %mul3A_622 = arith.constant 2 : i32
      %mul3A_623 = vector.broadcast %mul3A_622 : i32 to vector<16xi32>
      %mul3A_624 = arith.muli %mul3A_623, %get3A_525 : vector<16xi32>
      %add3A_625 = arith.constant 1 : i32
      %add3A_626 = vector.broadcast %add3A_625 : i32 to vector<16xi32>
      %add3A_627 = arith.addi %mul3A_624, %add3A_626 : vector<16xi32>
      %min3A_628 = arith.constant 169 : i32
      %min3A_629 = vector.broadcast %min3A_628 : i32 to vector<16xi32>
      %min3A_630 = arith.minsi %add3A_627, %min3A_629 : vector<16xi32>
      %add3A_631 = vector.broadcast %mul3A_10 : i32 to vector<16xi32>
      %add3A_632 = arith.addi %add3A_631, %min3A_630 : vector<16xi32>
      %gather3A_633 = tpu.vector_load_idx %arg8[%add3A_632] : memref<680xi32, #tpu.memory_space<vmem>>[vector<16xi32>], vector<16xi32>,
      %eq3A_634 = arith.constant 1 : i32
      %eq3A_635 = vector.broadcast %eq3A_634 : i32 to vector<16xi32>
      %eq3A_636 = arith.cmpi eq, %gather3A_633, %eq3A_635 : vector<16xi32>
      %and3A_637 = arith.andi %lt3A_527, %eq3A_636 : vector<16xi1>
      %jit3A_638 = arith.constant 0.000000e+00 : f32
      %jit3A_639 = arith.constant 1.000000e+09 : f32
      %broadcast_in_dim3A_640 = vector.broadcast %jit3A_638 : f32 to vector<16xf32>
      %broadcast_in_dim3A_641 = vector.broadcast %jit3A_639 : f32 to vector<16xf32>
      %select_n3A_642 = arith.select %and3A_637, %broadcast_in_dim3A_640, %broadcast_in_dim3A_641 : vector<16xi1>, vector<16xf32>
      %mul3A_643 = arith.constant 8 : i32
      %mul3A_644 = vector.broadcast %mul3A_643 : i32 to vector<16xi32>
      %mul3A_645 = arith.muli %mul3A_644, %get3A_525 : vector<16xi32>
      %add3A_646 = arith.constant 4 : i32
      %add3A_647 = vector.broadcast %add3A_646 : i32 to vector<16xi32>
      %add3A_648 = arith.addi %mul3A_645, %add3A_647 : vector<16xi32>
      %gather3A_649 = tpu.vector_load_idx %arg9[%add3A_648] : memref<680xf32, #tpu.memory_space<vmem>>[vector<16xi32>], vector<16xf32>,
      %add3A_650 = arith.constant 1 : i32
      %add3A_651 = vector.broadcast %add3A_650 : i32 to vector<16xi32>
      %add3A_652 = arith.addi %add3A_648, %add3A_651 : vector<16xi32>
      %gather3A_653 = tpu.vector_load_idx %arg9[%add3A_652] : memref<680xf32, #tpu.memory_space<vmem>>[vector<16xi32>], vector<16xf32>,
      %add3A_654 = arith.constant 2 : i32
      %add3A_655 = vector.broadcast %add3A_654 : i32 to vector<16xi32>
      %add3A_656 = arith.addi %add3A_648, %add3A_655 : vector<16xi32>
      %gather3A_657 = tpu.vector_load_idx %arg9[%add3A_656] : memref<680xf32, #tpu.memory_space<vmem>>[vector<16xi32>], vector<16xf32>,
      %add3A_658 = arith.constant 9.99999974E-6 : f32
      %add3A_659 = vector.broadcast %add3A_658 : f32 to vector<16xf32>
      %add3A_660 = arith.addf %gather3A_657, %add3A_659 : vector<16xf32>
      %div3A_661 = arith.constant 1.000000e+00 : f32
      %div3A_662 = vector.broadcast %div3A_661 : f32 to vector<16xf32>
      %div3A_663 = arith.divf %div3A_662, %add3A_660 : vector<16xf32>
      %add3A_664 = arith.constant 3 : i32
      %add3A_665 = vector.broadcast %add3A_664 : i32 to vector<16xi32>
      %add3A_666 = arith.addi %add3A_648, %add3A_665 : vector<16xi32>
      %gather3A_667 = tpu.vector_load_idx %arg9[%add3A_666] : memref<680xf32, #tpu.memory_space<vmem>>[vector<16xi32>], vector<16xf32>,
      %add3A_668 = arith.constant 9.99999974E-6 : f32
      %add3A_669 = vector.broadcast %add3A_668 : f32 to vector<16xf32>
      %add3A_670 = arith.addf %gather3A_667, %add3A_669 : vector<16xf32>
      %div3A_671 = arith.constant 1.000000e+00 : f32
      %div3A_672 = vector.broadcast %div3A_671 : f32 to vector<16xf32>
      %div3A_673 = arith.divf %div3A_672, %add3A_670 : vector<16xf32>
      %mul3A_674 = arith.constant 0 : i32
      %mul3A_675 = vector.broadcast %mul3A_674 : i32 to vector<16xi32>
      %mul3A_676 = arith.muli %iota3A, %mul3A_675 : vector<16xi32>
      %add3A_677 = arith.constant 5 : i32
      %add3A_678 = vector.broadcast %add3A_677 : i32 to vector<16xi32>
      %add3A_679 = arith.addi %mul3A_676, %add3A_678 : vector<16xi32>
      tpu.vector_store_idx %arg11[%add3A_49, %add3A_679], %gather3A_649 : memref<96x12xf32, #tpu.memory_space<vmem>>[vector<16xi32>, vector<16xi32>], vector<16xf32>,
      %mul3A_680 = arith.constant 0 : i32
      %mul3A_681 = vector.broadcast %mul3A_680 : i32 to vector<16xi32>
      %mul3A_682 = arith.muli %iota3A, %mul3A_681 : vector<16xi32>
      %add3A_683 = arith.constant 6 : i32
      %add3A_684 = vector.broadcast %add3A_683 : i32 to vector<16xi32>
      %add3A_685 = arith.addi %mul3A_682, %add3A_684 : vector<16xi32>
      tpu.vector_store_idx %arg11[%add3A_49, %add3A_685], %gather3A_653 : memref<96x12xf32, #tpu.memory_space<vmem>>[vector<16xi32>, vector<16xi32>], vector<16xf32>,
      %mul3A_686 = arith.constant 0 : i32
      %mul3A_687 = vector.broadcast %mul3A_686 : i32 to vector<16xi32>
      %mul3A_688 = arith.muli %iota3A, %mul3A_687 : vector<16xi32>
      %add3A_689 = arith.constant 7 : i32
      %add3A_690 = vector.broadcast %add3A_689 : i32 to vector<16xi32>
      %add3A_691 = arith.addi %mul3A_688, %add3A_690 : vector<16xi32>
      tpu.vector_store_idx %arg11[%add3A_49, %add3A_691], %div3A_663 : memref<96x12xf32, #tpu.memory_space<vmem>>[vector<16xi32>, vector<16xi32>], vector<16xf32>,
      %mul3A_692 = arith.constant 0 : i32
      %mul3A_693 = vector.broadcast %mul3A_692 : i32 to vector<16xi32>
      %mul3A_694 = arith.muli %iota3A, %mul3A_693 : vector<16xi32>
      %add3A_695 = arith.constant 8 : i32
      %add3A_696 = vector.broadcast %add3A_695 : i32 to vector<16xi32>
      %add3A_697 = arith.addi %mul3A_694, %add3A_696 : vector<16xi32>
      tpu.vector_store_idx %arg11[%add3A_49, %add3A_697], %div3A_673 : memref<96x12xf32, #tpu.memory_space<vmem>>[vector<16xi32>, vector<16xi32>], vector<16xf32>,
      %mul3A_698 = arith.constant 0 : i32
      %mul3A_699 = vector.broadcast %mul3A_698 : i32 to vector<16xi32>
      %mul3A_700 = arith.muli %iota3A, %mul3A_699 : vector<16xi32>
      %add3A_701 = arith.constant 9 : i32
      %add3A_702 = vector.broadcast %add3A_701 : i32 to vector<16xi32>
      %add3A_703 = arith.addi %mul3A_700, %add3A_702 : vector<16xi32>
      tpu.vector_store_idx %arg11[%add3A_49, %add3A_703], %select_n3A_642 : memref<96x12xf32, #tpu.memory_space<vmem>>[vector<16xi32>, vector<16xi32>], vector<16xf32>,
      %get3A_704 = arith.constant 32 : index
      %get3A_705 = tpu.vector_load %arg10[%get3A_704] {strides = array<i32>} : memref<96xi32, #tpu.memory_space<vmem>>, vector<16xi32>,
      %lt3A_706 = vector.broadcast %add3A_329 : i32 to vector<16xi32>
      %lt3A_707 = arith.cmpi slt, %add3A_95, %lt3A_706 : vector<16xi32>
      %mul3A_708 = arith.constant 0 : i32
      %mul3A_709 = vector.broadcast %mul3A_708 : i32 to vector<16xi32>
      %mul3A_710 = arith.muli %iota3A, %mul3A_709 : vector<16xi32>
      %add3A_711 = arith.constant 10 : i32
      %add3A_712 = vector.broadcast %add3A_711 : i32 to vector<16xi32>
      %add3A_713 = arith.addi %mul3A_710, %add3A_712 : vector<16xi32>
      tpu.vector_store_idx %arg11[%add3A_95, %add3A_713], %broadcast_in_dim3A_344 : memref<96x12xf32, #tpu.memory_space<vmem>>[vector<16xi32>, vector<16xi32>], vector<16xf32>,
      %mul3A_714 = arith.constant 0 : i32
      %mul3A_715 = vector.broadcast %mul3A_714 : i32 to vector<16xi32>
      %mul3A_716 = arith.muli %iota3A, %mul3A_715 : vector<16xi32>
      %add3A_717 = arith.constant 11 : i32
      %add3A_718 = vector.broadcast %add3A_717 : i32 to vector<16xi32>
      %add3A_719 = arith.addi %mul3A_716, %add3A_718 : vector<16xi32>
      tpu.vector_store_idx %arg11[%add3A_95, %add3A_719], %broadcast_in_dim3A_344 : memref<96x12xf32, #tpu.memory_space<vmem>>[vector<16xi32>, vector<16xi32>], vector<16xf32>,
      %mul3A_720 = arith.constant 2 : i32
      %mul3A_721 = vector.broadcast %mul3A_720 : i32 to vector<16xi32>
      %mul3A_722 = arith.muli %mul3A_721, %get3A_705 : vector<16xi32>
      %add3A_723 = arith.constant 0 : i32
      %add3A_724 = vector.broadcast %add3A_723 : i32 to vector<16xi32>
      %add3A_725 = arith.addi %mul3A_722, %add3A_724 : vector<16xi32>
      %min3A_726 = arith.constant 169 : i32
      %min3A_727 = vector.broadcast %min3A_726 : i32 to vector<16xi32>
      %min3A_728 = arith.minsi %add3A_725, %min3A_727 : vector<16xi32>
      %add3A_729 = vector.broadcast %mul3A_10 : i32 to vector<16xi32>
      %add3A_730 = arith.addi %add3A_729, %min3A_728 : vector<16xi32>
      %gather3A_731 = tpu.vector_load_idx %arg8[%add3A_730] : memref<680xi32, #tpu.memory_space<vmem>>[vector<16xi32>], vector<16xi32>,
      %eq3A_732 = arith.constant 1 : i32
      %eq3A_733 = vector.broadcast %eq3A_732 : i32 to vector<16xi32>
      %eq3A_734 = arith.cmpi eq, %gather3A_731, %eq3A_733 : vector<16xi32>
      %and3A_735 = arith.andi %lt3A_707, %eq3A_734 : vector<16xi1>
      %jit3A_736 = arith.constant 0.000000e+00 : f32
      %jit3A_737 = arith.constant 1.000000e+09 : f32
      %broadcast_in_dim3A_738 = vector.broadcast %jit3A_736 : f32 to vector<16xf32>
      %broadcast_in_dim3A_739 = vector.broadcast %jit3A_737 : f32 to vector<16xf32>
      %select_n3A_740 = arith.select %and3A_735, %broadcast_in_dim3A_738, %broadcast_in_dim3A_739 : vector<16xi1>, vector<16xf32>
      %mul3A_741 = arith.constant 8 : i32
      %mul3A_742 = vector.broadcast %mul3A_741 : i32 to vector<16xi32>
      %mul3A_743 = arith.muli %mul3A_742, %get3A_705 : vector<16xi32>
      %add3A_744 = arith.constant 0 : i32
      %add3A_745 = vector.broadcast %add3A_744 : i32 to vector<16xi32>
      %add3A_746 = arith.addi %mul3A_743, %add3A_745 : vector<16xi32>
      %gather3A_747 = tpu.vector_load_idx %arg9[%add3A_746] : memref<680xf32, #tpu.memory_space<vmem>>[vector<16xi32>], vector<16xf32>,
      %add3A_748 = arith.constant 1 : i32
      %add3A_749 = vector.broadcast %add3A_748 : i32 to vector<16xi32>
      %add3A_750 = arith.addi %add3A_746, %add3A_749 : vector<16xi32>
      %gather3A_751 = tpu.vector_load_idx %arg9[%add3A_750] : memref<680xf32, #tpu.memory_space<vmem>>[vector<16xi32>], vector<16xf32>,
      %add3A_752 = arith.constant 2 : i32
      %add3A_753 = vector.broadcast %add3A_752 : i32 to vector<16xi32>
      %add3A_754 = arith.addi %add3A_746, %add3A_753 : vector<16xi32>
      %gather3A_755 = tpu.vector_load_idx %arg9[%add3A_754] : memref<680xf32, #tpu.memory_space<vmem>>[vector<16xi32>], vector<16xf32>,
      %add3A_756 = arith.constant 9.99999974E-6 : f32
      %add3A_757 = vector.broadcast %add3A_756 : f32 to vector<16xf32>
      %add3A_758 = arith.addf %gather3A_755, %add3A_757 : vector<16xf32>
      %div3A_759 = arith.constant 1.000000e+00 : f32
      %div3A_760 = vector.broadcast %div3A_759 : f32 to vector<16xf32>
      %div3A_761 = arith.divf %div3A_760, %add3A_758 : vector<16xf32>
      %add3A_762 = arith.constant 3 : i32
      %add3A_763 = vector.broadcast %add3A_762 : i32 to vector<16xi32>
      %add3A_764 = arith.addi %add3A_746, %add3A_763 : vector<16xi32>
      %gather3A_765 = tpu.vector_load_idx %arg9[%add3A_764] : memref<680xf32, #tpu.memory_space<vmem>>[vector<16xi32>], vector<16xf32>,
      %add3A_766 = arith.constant 9.99999974E-6 : f32
      %add3A_767 = vector.broadcast %add3A_766 : f32 to vector<16xf32>
      %add3A_768 = arith.addf %gather3A_765, %add3A_767 : vector<16xf32>
      %div3A_769 = arith.constant 1.000000e+00 : f32
      %div3A_770 = vector.broadcast %div3A_769 : f32 to vector<16xf32>
      %div3A_771 = arith.divf %div3A_770, %add3A_768 : vector<16xf32>
      %mul3A_772 = arith.constant 0 : i32
      %mul3A_773 = vector.broadcast %mul3A_772 : i32 to vector<16xi32>
      %mul3A_774 = arith.muli %iota3A, %mul3A_773 : vector<16xi32>
      %add3A_775 = arith.constant 0 : i32
      %add3A_776 = vector.broadcast %add3A_775 : i32 to vector<16xi32>
      %add3A_777 = arith.addi %mul3A_774, %add3A_776 : vector<16xi32>
      tpu.vector_store_idx %arg11[%add3A_95, %add3A_777], %gather3A_747 : memref<96x12xf32, #tpu.memory_space<vmem>>[vector<16xi32>, vector<16xi32>], vector<16xf32>,
      %mul3A_778 = arith.constant 0 : i32
      %mul3A_779 = vector.broadcast %mul3A_778 : i32 to vector<16xi32>
      %mul3A_780 = arith.muli %iota3A, %mul3A_779 : vector<16xi32>
      %add3A_781 = arith.constant 1 : i32
      %add3A_782 = vector.broadcast %add3A_781 : i32 to vector<16xi32>
      %add3A_783 = arith.addi %mul3A_780, %add3A_782 : vector<16xi32>
      tpu.vector_store_idx %arg11[%add3A_95, %add3A_783], %gather3A_751 : memref<96x12xf32, #tpu.memory_space<vmem>>[vector<16xi32>, vector<16xi32>], vector<16xf32>,
      %mul3A_784 = arith.constant 0 : i32
      %mul3A_785 = vector.broadcast %mul3A_784 : i32 to vector<16xi32>
      %mul3A_786 = arith.muli %iota3A, %mul3A_785 : vector<16xi32>
      %add3A_787 = arith.constant 2 : i32
      %add3A_788 = vector.broadcast %add3A_787 : i32 to vector<16xi32>
      %add3A_789 = arith.addi %mul3A_786, %add3A_788 : vector<16xi32>
      tpu.vector_store_idx %arg11[%add3A_95, %add3A_789], %div3A_761 : memref<96x12xf32, #tpu.memory_space<vmem>>[vector<16xi32>, vector<16xi32>], vector<16xf32>,
      %mul3A_790 = arith.constant 0 : i32
      %mul3A_791 = vector.broadcast %mul3A_790 : i32 to vector<16xi32>
      %mul3A_792 = arith.muli %iota3A, %mul3A_791 : vector<16xi32>
      %add3A_793 = arith.constant 3 : i32
      %add3A_794 = vector.broadcast %add3A_793 : i32 to vector<16xi32>
      %add3A_795 = arith.addi %mul3A_792, %add3A_794 : vector<16xi32>
      tpu.vector_store_idx %arg11[%add3A_95, %add3A_795], %div3A_771 : memref<96x12xf32, #tpu.memory_space<vmem>>[vector<16xi32>, vector<16xi32>], vector<16xf32>,
      %mul3A_796 = arith.constant 0 : i32
      %mul3A_797 = vector.broadcast %mul3A_796 : i32 to vector<16xi32>
      %mul3A_798 = arith.muli %iota3A, %mul3A_797 : vector<16xi32>
      %add3A_799 = arith.constant 4 : i32
      %add3A_800 = vector.broadcast %add3A_799 : i32 to vector<16xi32>
      %add3A_801 = arith.addi %mul3A_798, %add3A_800 : vector<16xi32>
      tpu.vector_store_idx %arg11[%add3A_95, %add3A_801], %select_n3A_740 : memref<96x12xf32, #tpu.memory_space<vmem>>[vector<16xi32>, vector<16xi32>], vector<16xf32>,
      %mul3A_802 = arith.constant 2 : i32
      %mul3A_803 = vector.broadcast %mul3A_802 : i32 to vector<16xi32>
      %mul3A_804 = arith.muli %mul3A_803, %get3A_705 : vector<16xi32>
      %add3A_805 = arith.constant 1 : i32
      %add3A_806 = vector.broadcast %add3A_805 : i32 to vector<16xi32>
      %add3A_807 = arith.addi %mul3A_804, %add3A_806 : vector<16xi32>
      %min3A_808 = arith.constant 169 : i32
      %min3A_809 = vector.broadcast %min3A_808 : i32 to vector<16xi32>
      %min3A_810 = arith.minsi %add3A_807, %min3A_809 : vector<16xi32>
      %add3A_811 = vector.broadcast %mul3A_10 : i32 to vector<16xi32>
      %add3A_812 = arith.addi %add3A_811, %min3A_810 : vector<16xi32>
      %gather3A_813 = tpu.vector_load_idx %arg8[%add3A_812] : memref<680xi32, #tpu.memory_space<vmem>>[vector<16xi32>], vector<16xi32>,
      %eq3A_814 = arith.constant 1 : i32
      %eq3A_815 = vector.broadcast %eq3A_814 : i32 to vector<16xi32>
      %eq3A_816 = arith.cmpi eq, %gather3A_813, %eq3A_815 : vector<16xi32>
      %and3A_817 = arith.andi %lt3A_707, %eq3A_816 : vector<16xi1>
      %jit3A_818 = arith.constant 0.000000e+00 : f32
      %jit3A_819 = arith.constant 1.000000e+09 : f32
      %broadcast_in_dim3A_820 = vector.broadcast %jit3A_818 : f32 to vector<16xf32>
      %broadcast_in_dim3A_821 = vector.broadcast %jit3A_819 : f32 to vector<16xf32>
      %select_n3A_822 = arith.select %and3A_817, %broadcast_in_dim3A_820, %broadcast_in_dim3A_821 : vector<16xi1>, vector<16xf32>
      %mul3A_823 = arith.constant 8 : i32
      %mul3A_824 = vector.broadcast %mul3A_823 : i32 to vector<16xi32>
      %mul3A_825 = arith.muli %mul3A_824, %get3A_705 : vector<16xi32>
      %add3A_826 = arith.constant 4 : i32
      %add3A_827 = vector.broadcast %add3A_826 : i32 to vector<16xi32>
      %add3A_828 = arith.addi %mul3A_825, %add3A_827 : vector<16xi32>
      %gather3A_829 = tpu.vector_load_idx %arg9[%add3A_828] : memref<680xf32, #tpu.memory_space<vmem>>[vector<16xi32>], vector<16xf32>,
      %add3A_830 = arith.constant 1 : i32
      %add3A_831 = vector.broadcast %add3A_830 : i32 to vector<16xi32>
      %add3A_832 = arith.addi %add3A_828, %add3A_831 : vector<16xi32>
      %gather3A_833 = tpu.vector_load_idx %arg9[%add3A_832] : memref<680xf32, #tpu.memory_space<vmem>>[vector<16xi32>], vector<16xf32>,
      %add3A_834 = arith.constant 2 : i32
      %add3A_835 = vector.broadcast %add3A_834 : i32 to vector<16xi32>
      %add3A_836 = arith.addi %add3A_828, %add3A_835 : vector<16xi32>
      %gather3A_837 = tpu.vector_load_idx %arg9[%add3A_836] : memref<680xf32, #tpu.memory_space<vmem>>[vector<16xi32>], vector<16xf32>,
      %add3A_838 = arith.constant 9.99999974E-6 : f32
      %add3A_839 = vector.broadcast %add3A_838 : f32 to vector<16xf32>
      %add3A_840 = arith.addf %gather3A_837, %add3A_839 : vector<16xf32>
      %div3A_841 = arith.constant 1.000000e+00 : f32
      %div3A_842 = vector.broadcast %div3A_841 : f32 to vector<16xf32>
      %div3A_843 = arith.divf %div3A_842, %add3A_840 : vector<16xf32>
      %add3A_844 = arith.constant 3 : i32
      %add3A_845 = vector.broadcast %add3A_844 : i32 to vector<16xi32>
      %add3A_846 = arith.addi %add3A_828, %add3A_845 : vector<16xi32>
      %gather3A_847 = tpu.vector_load_idx %arg9[%add3A_846] : memref<680xf32, #tpu.memory_space<vmem>>[vector<16xi32>], vector<16xf32>,
      %add3A_848 = arith.constant 9.99999974E-6 : f32
      %add3A_849 = vector.broadcast %add3A_848 : f32 to vector<16xf32>
      %add3A_850 = arith.addf %gather3A_847, %add3A_849 : vector<16xf32>
      %div3A_851 = arith.constant 1.000000e+00 : f32
      %div3A_852 = vector.broadcast %div3A_851 : f32 to vector<16xf32>
      %div3A_853 = arith.divf %div3A_852, %add3A_850 : vector<16xf32>
      %mul3A_854 = arith.constant 0 : i32
      %mul3A_855 = vector.broadcast %mul3A_854 : i32 to vector<16xi32>
      %mul3A_856 = arith.muli %iota3A, %mul3A_855 : vector<16xi32>
      %add3A_857 = arith.constant 5 : i32
      %add3A_858 = vector.broadcast %add3A_857 : i32 to vector<16xi32>
      %add3A_859 = arith.addi %mul3A_856, %add3A_858 : vector<16xi32>
      tpu.vector_store_idx %arg11[%add3A_95, %add3A_859], %gather3A_829 : memref<96x12xf32, #tpu.memory_space<vmem>>[vector<16xi32>, vector<16xi32>], vector<16xf32>,
      %mul3A_860 = arith.constant 0 : i32
      %mul3A_861 = vector.broadcast %mul3A_860 : i32 to vector<16xi32>
      %mul3A_862 = arith.muli %iota3A, %mul3A_861 : vector<16xi32>
      %add3A_863 = arith.constant 6 : i32
      %add3A_864 = vector.broadcast %add3A_863 : i32 to vector<16xi32>
      %add3A_865 = arith.addi %mul3A_862, %add3A_864 : vector<16xi32>
      tpu.vector_store_idx %arg11[%add3A_95, %add3A_865], %gather3A_833 : memref<96x12xf32, #tpu.memory_space<vmem>>[vector<16xi32>, vector<16xi32>], vector<16xf32>,
      %mul3A_866 = arith.constant 0 : i32
      %mul3A_867 = vector.broadcast %mul3A_866 : i32 to vector<16xi32>
      %mul3A_868 = arith.muli %iota3A, %mul3A_867 : vector<16xi32>
      %add3A_869 = arith.constant 7 : i32
      %add3A_870 = vector.broadcast %add3A_869 : i32 to vector<16xi32>
      %add3A_871 = arith.addi %mul3A_868, %add3A_870 : vector<16xi32>
      tpu.vector_store_idx %arg11[%add3A_95, %add3A_871], %div3A_843 : memref<96x12xf32, #tpu.memory_space<vmem>>[vector<16xi32>, vector<16xi32>], vector<16xf32>,
      %mul3A_872 = arith.constant 0 : i32
      %mul3A_873 = vector.broadcast %mul3A_872 : i32 to vector<16xi32>
      %mul3A_874 = arith.muli %iota3A, %mul3A_873 : vector<16xi32>
      %add3A_875 = arith.constant 8 : i32
      %add3A_876 = vector.broadcast %add3A_875 : i32 to vector<16xi32>
      %add3A_877 = arith.addi %mul3A_874, %add3A_876 : vector<16xi32>
      tpu.vector_store_idx %arg11[%add3A_95, %add3A_877], %div3A_853 : memref<96x12xf32, #tpu.memory_space<vmem>>[vector<16xi32>, vector<16xi32>], vector<16xf32>,
      %mul3A_878 = arith.constant 0 : i32
      %mul3A_879 = vector.broadcast %mul3A_878 : i32 to vector<16xi32>
      %mul3A_880 = arith.muli %iota3A, %mul3A_879 : vector<16xi32>
      %add3A_881 = arith.constant 9 : i32
      %add3A_882 = vector.broadcast %add3A_881 : i32 to vector<16xi32>
      %add3A_883 = arith.addi %mul3A_880, %add3A_882 : vector<16xi32>
      tpu.vector_store_idx %arg11[%add3A_95, %add3A_883], %select_n3A_822 : memref<96x12xf32, #tpu.memory_space<vmem>>[vector<16xi32>, vector<16xi32>], vector<16xf32>,
      %get3A_884 = arith.constant 48 : index
      %get3A_885 = tpu.vector_load %arg10[%get3A_884] {strides = array<i32>} : memref<96xi32, #tpu.memory_space<vmem>>, vector<16xi32>,
      %lt3A_886 = vector.broadcast %add3A_329 : i32 to vector<16xi32>
      %lt3A_887 = arith.cmpi slt, %add3A_141, %lt3A_886 : vector<16xi32>
      %mul3A_888 = arith.constant 0 : i32
      %mul3A_889 = vector.broadcast %mul3A_888 : i32 to vector<16xi32>
      %mul3A_890 = arith.muli %iota3A, %mul3A_889 : vector<16xi32>
      %add3A_891 = arith.constant 10 : i32
      %add3A_892 = vector.broadcast %add3A_891 : i32 to vector<16xi32>
      %add3A_893 = arith.addi %mul3A_890, %add3A_892 : vector<16xi32>
      tpu.vector_store_idx %arg11[%add3A_141, %add3A_893], %broadcast_in_dim3A_344 : memref<96x12xf32, #tpu.memory_space<vmem>>[vector<16xi32>, vector<16xi32>], vector<16xf32>,
      %mul3A_894 = arith.constant 0 : i32
      %mul3A_895 = vector.broadcast %mul3A_894 : i32 to vector<16xi32>
      %mul3A_896 = arith.muli %iota3A, %mul3A_895 : vector<16xi32>
      %add3A_897 = arith.constant 11 : i32
      %add3A_898 = vector.broadcast %add3A_897 : i32 to vector<16xi32>
      %add3A_899 = arith.addi %mul3A_896, %add3A_898 : vector<16xi32>
      tpu.vector_store_idx %arg11[%add3A_141, %add3A_899], %broadcast_in_dim3A_344 : memref<96x12xf32, #tpu.memory_space<vmem>>[vector<16xi32>, vector<16xi32>], vector<16xf32>,
      %mul3A_900 = arith.constant 2 : i32
      %mul3A_901 = vector.broadcast %mul3A_900 : i32 to vector<16xi32>
      %mul3A_902 = arith.muli %mul3A_901, %get3A_885 : vector<16xi32>
      %add3A_903 = arith.constant 0 : i32
      %add3A_904 = vector.broadcast %add3A_903 : i32 to vector<16xi32>
      %add3A_905 = arith.addi %mul3A_902, %add3A_904 : vector<16xi32>
      %min3A_906 = arith.constant 169 : i32
      %min3A_907 = vector.broadcast %min3A_906 : i32 to vector<16xi32>
      %min3A_908 = arith.minsi %add3A_905, %min3A_907 : vector<16xi32>
      %add3A_909 = vector.broadcast %mul3A_10 : i32 to vector<16xi32>
      %add3A_910 = arith.addi %add3A_909, %min3A_908 : vector<16xi32>
      %gather3A_911 = tpu.vector_load_idx %arg8[%add3A_910] : memref<680xi32, #tpu.memory_space<vmem>>[vector<16xi32>], vector<16xi32>,
      %eq3A_912 = arith.constant 1 : i32
      %eq3A_913 = vector.broadcast %eq3A_912 : i32 to vector<16xi32>
      %eq3A_914 = arith.cmpi eq, %gather3A_911, %eq3A_913 : vector<16xi32>
      %and3A_915 = arith.andi %lt3A_887, %eq3A_914 : vector<16xi1>
      %jit3A_916 = arith.constant 0.000000e+00 : f32
      %jit3A_917 = arith.constant 1.000000e+09 : f32
      %broadcast_in_dim3A_918 = vector.broadcast %jit3A_916 : f32 to vector<16xf32>
      %broadcast_in_dim3A_919 = vector.broadcast %jit3A_917 : f32 to vector<16xf32>
      %select_n3A_920 = arith.select %and3A_915, %broadcast_in_dim3A_918, %broadcast_in_dim3A_919 : vector<16xi1>, vector<16xf32>
      %mul3A_921 = arith.constant 8 : i32
      %mul3A_922 = vector.broadcast %mul3A_921 : i32 to vector<16xi32>
      %mul3A_923 = arith.muli %mul3A_922, %get3A_885 : vector<16xi32>
      %add3A_924 = arith.constant 0 : i32
      %add3A_925 = vector.broadcast %add3A_924 : i32 to vector<16xi32>
      %add3A_926 = arith.addi %mul3A_923, %add3A_925 : vector<16xi32>
      %gather3A_927 = tpu.vector_load_idx %arg9[%add3A_926] : memref<680xf32, #tpu.memory_space<vmem>>[vector<16xi32>], vector<16xf32>,
      %add3A_928 = arith.constant 1 : i32
      %add3A_929 = vector.broadcast %add3A_928 : i32 to vector<16xi32>
      %add3A_930 = arith.addi %add3A_926, %add3A_929 : vector<16xi32>
      %gather3A_931 = tpu.vector_load_idx %arg9[%add3A_930] : memref<680xf32, #tpu.memory_space<vmem>>[vector<16xi32>], vector<16xf32>,
      %add3A_932 = arith.constant 2 : i32
      %add3A_933 = vector.broadcast %add3A_932 : i32 to vector<16xi32>
      %add3A_934 = arith.addi %add3A_926, %add3A_933 : vector<16xi32>
      %gather3A_935 = tpu.vector_load_idx %arg9[%add3A_934] : memref<680xf32, #tpu.memory_space<vmem>>[vector<16xi32>], vector<16xf32>,
      %add3A_936 = arith.constant 9.99999974E-6 : f32
      %add3A_937 = vector.broadcast %add3A_936 : f32 to vector<16xf32>
      %add3A_938 = arith.addf %gather3A_935, %add3A_937 : vector<16xf32>
      %div3A_939 = arith.constant 1.000000e+00 : f32
      %div3A_940 = vector.broadcast %div3A_939 : f32 to vector<16xf32>
      %div3A_941 = arith.divf %div3A_940, %add3A_938 : vector<16xf32>
      %add3A_942 = arith.constant 3 : i32
      %add3A_943 = vector.broadcast %add3A_942 : i32 to vector<16xi32>
      %add3A_944 = arith.addi %add3A_926, %add3A_943 : vector<16xi32>
      %gather3A_945 = tpu.vector_load_idx %arg9[%add3A_944] : memref<680xf32, #tpu.memory_space<vmem>>[vector<16xi32>], vector<16xf32>,
      %add3A_946 = arith.constant 9.99999974E-6 : f32
      %add3A_947 = vector.broadcast %add3A_946 : f32 to vector<16xf32>
      %add3A_948 = arith.addf %gather3A_945, %add3A_947 : vector<16xf32>
      %div3A_949 = arith.constant 1.000000e+00 : f32
      %div3A_950 = vector.broadcast %div3A_949 : f32 to vector<16xf32>
      %div3A_951 = arith.divf %div3A_950, %add3A_948 : vector<16xf32>
      %mul3A_952 = arith.constant 0 : i32
      %mul3A_953 = vector.broadcast %mul3A_952 : i32 to vector<16xi32>
      %mul3A_954 = arith.muli %iota3A, %mul3A_953 : vector<16xi32>
      %add3A_955 = arith.constant 0 : i32
      %add3A_956 = vector.broadcast %add3A_955 : i32 to vector<16xi32>
      %add3A_957 = arith.addi %mul3A_954, %add3A_956 : vector<16xi32>
      tpu.vector_store_idx %arg11[%add3A_141, %add3A_957], %gather3A_927 : memref<96x12xf32, #tpu.memory_space<vmem>>[vector<16xi32>, vector<16xi32>], vector<16xf32>,
      %mul3A_958 = arith.constant 0 : i32
      %mul3A_959 = vector.broadcast %mul3A_958 : i32 to vector<16xi32>
      %mul3A_960 = arith.muli %iota3A, %mul3A_959 : vector<16xi32>
      %add3A_961 = arith.constant 1 : i32
      %add3A_962 = vector.broadcast %add3A_961 : i32 to vector<16xi32>
      %add3A_963 = arith.addi %mul3A_960, %add3A_962 : vector<16xi32>
      tpu.vector_store_idx %arg11[%add3A_141, %add3A_963], %gather3A_931 : memref<96x12xf32, #tpu.memory_space<vmem>>[vector<16xi32>, vector<16xi32>], vector<16xf32>,
      %mul3A_964 = arith.constant 0 : i32
      %mul3A_965 = vector.broadcast %mul3A_964 : i32 to vector<16xi32>
      %mul3A_966 = arith.muli %iota3A, %mul3A_965 : vector<16xi32>
      %add3A_967 = arith.constant 2 : i32
      %add3A_968 = vector.broadcast %add3A_967 : i32 to vector<16xi32>
      %add3A_969 = arith.addi %mul3A_966, %add3A_968 : vector<16xi32>
      tpu.vector_store_idx %arg11[%add3A_141, %add3A_969], %div3A_941 : memref<96x12xf32, #tpu.memory_space<vmem>>[vector<16xi32>, vector<16xi32>], vector<16xf32>,
      %mul3A_970 = arith.constant 0 : i32
      %mul3A_971 = vector.broadcast %mul3A_970 : i32 to vector<16xi32>
      %mul3A_972 = arith.muli %iota3A, %mul3A_971 : vector<16xi32>
      %add3A_973 = arith.constant 3 : i32
      %add3A_974 = vector.broadcast %add3A_973 : i32 to vector<16xi32>
      %add3A_975 = arith.addi %mul3A_972, %add3A_974 : vector<16xi32>
      tpu.vector_store_idx %arg11[%add3A_141, %add3A_975], %div3A_951 : memref<96x12xf32, #tpu.memory_space<vmem>>[vector<16xi32>, vector<16xi32>], vector<16xf32>,
      %mul3A_976 = arith.constant 0 : i32
      %mul3A_977 = vector.broadcast %mul3A_976 : i32 to vector<16xi32>
      %mul3A_978 = arith.muli %iota3A, %mul3A_977 : vector<16xi32>
      %add3A_979 = arith.constant 4 : i32
      %add3A_980 = vector.broadcast %add3A_979 : i32 to vector<16xi32>
      %add3A_981 = arith.addi %mul3A_978, %add3A_980 : vector<16xi32>
      tpu.vector_store_idx %arg11[%add3A_141, %add3A_981], %select_n3A_920 : memref<96x12xf32, #tpu.memory_space<vmem>>[vector<16xi32>, vector<16xi32>], vector<16xf32>,
      %mul3A_982 = arith.constant 2 : i32
      %mul3A_983 = vector.broadcast %mul3A_982 : i32 to vector<16xi32>
      %mul3A_984 = arith.muli %mul3A_983, %get3A_885 : vector<16xi32>
      %add3A_985 = arith.constant 1 : i32
      %add3A_986 = vector.broadcast %add3A_985 : i32 to vector<16xi32>
      %add3A_987 = arith.addi %mul3A_984, %add3A_986 : vector<16xi32>
      %min3A_988 = arith.constant 169 : i32
      %min3A_989 = vector.broadcast %min3A_988 : i32 to vector<16xi32>
      %min3A_990 = arith.minsi %add3A_987, %min3A_989 : vector<16xi32>
      %add3A_991 = vector.broadcast %mul3A_10 : i32 to vector<16xi32>
      %add3A_992 = arith.addi %add3A_991, %min3A_990 : vector<16xi32>
      %gather3A_993 = tpu.vector_load_idx %arg8[%add3A_992] : memref<680xi32, #tpu.memory_space<vmem>>[vector<16xi32>], vector<16xi32>,
      %eq3A_994 = arith.constant 1 : i32
      %eq3A_995 = vector.broadcast %eq3A_994 : i32 to vector<16xi32>
      %eq3A_996 = arith.cmpi eq, %gather3A_993, %eq3A_995 : vector<16xi32>
      %and3A_997 = arith.andi %lt3A_887, %eq3A_996 : vector<16xi1>
      %jit3A_998 = arith.constant 0.000000e+00 : f32
      %jit3A_999 = arith.constant 1.000000e+09 : f32
      %broadcast_in_dim3A_1000 = vector.broadcast %jit3A_998 : f32 to vector<16xf32>
      %broadcast_in_dim3A_1001 = vector.broadcast %jit3A_999 : f32 to vector<16xf32>
      %select_n3A_1002 = arith.select %and3A_997, %broadcast_in_dim3A_1000, %broadcast_in_dim3A_1001 : vector<16xi1>, vector<16xf32>
      %mul3A_1003 = arith.constant 8 : i32
      %mul3A_1004 = vector.broadcast %mul3A_1003 : i32 to vector<16xi32>
      %mul3A_1005 = arith.muli %mul3A_1004, %get3A_885 : vector<16xi32>
      %add3A_1006 = arith.constant 4 : i32
      %add3A_1007 = vector.broadcast %add3A_1006 : i32 to vector<16xi32>
      %add3A_1008 = arith.addi %mul3A_1005, %add3A_1007 : vector<16xi32>
      %gather3A_1009 = tpu.vector_load_idx %arg9[%add3A_1008] : memref<680xf32, #tpu.memory_space<vmem>>[vector<16xi32>], vector<16xf32>,
      %add3A_1010 = arith.constant 1 : i32
      %add3A_1011 = vector.broadcast %add3A_1010 : i32 to vector<16xi32>
      %add3A_1012 = arith.addi %add3A_1008, %add3A_1011 : vector<16xi32>
      %gather3A_1013 = tpu.vector_load_idx %arg9[%add3A_1012] : memref<680xf32, #tpu.memory_space<vmem>>[vector<16xi32>], vector<16xf32>,
      %add3A_1014 = arith.constant 2 : i32
      %add3A_1015 = vector.broadcast %add3A_1014 : i32 to vector<16xi32>
      %add3A_1016 = arith.addi %add3A_1008, %add3A_1015 : vector<16xi32>
      %gather3A_1017 = tpu.vector_load_idx %arg9[%add3A_1016] : memref<680xf32, #tpu.memory_space<vmem>>[vector<16xi32>], vector<16xf32>,
      %add3A_1018 = arith.constant 9.99999974E-6 : f32
      %add3A_1019 = vector.broadcast %add3A_1018 : f32 to vector<16xf32>
      %add3A_1020 = arith.addf %gather3A_1017, %add3A_1019 : vector<16xf32>
      %div3A_1021 = arith.constant 1.000000e+00 : f32
      %div3A_1022 = vector.broadcast %div3A_1021 : f32 to vector<16xf32>
      %div3A_1023 = arith.divf %div3A_1022, %add3A_1020 : vector<16xf32>
      %add3A_1024 = arith.constant 3 : i32
      %add3A_1025 = vector.broadcast %add3A_1024 : i32 to vector<16xi32>
      %add3A_1026 = arith.addi %add3A_1008, %add3A_1025 : vector<16xi32>
      %gather3A_1027 = tpu.vector_load_idx %arg9[%add3A_1026] : memref<680xf32, #tpu.memory_space<vmem>>[vector<16xi32>], vector<16xf32>,
      %add3A_1028 = arith.constant 9.99999974E-6 : f32
      %add3A_1029 = vector.broadcast %add3A_1028 : f32 to vector<16xf32>
      %add3A_1030 = arith.addf %gather3A_1027, %add3A_1029 : vector<16xf32>
      %div3A_1031 = arith.constant 1.000000e+00 : f32
      %div3A_1032 = vector.broadcast %div3A_1031 : f32 to vector<16xf32>
      %div3A_1033 = arith.divf %div3A_1032, %add3A_1030 : vector<16xf32>
      %mul3A_1034 = arith.constant 0 : i32
      %mul3A_1035 = vector.broadcast %mul3A_1034 : i32 to vector<16xi32>
      %mul3A_1036 = arith.muli %iota3A, %mul3A_1035 : vector<16xi32>
      %add3A_1037 = arith.constant 5 : i32
      %add3A_1038 = vector.broadcast %add3A_1037 : i32 to vector<16xi32>
      %add3A_1039 = arith.addi %mul3A_1036, %add3A_1038 : vector<16xi32>
      tpu.vector_store_idx %arg11[%add3A_141, %add3A_1039], %gather3A_1009 : memref<96x12xf32, #tpu.memory_space<vmem>>[vector<16xi32>, vector<16xi32>], vector<16xf32>,
      %mul3A_1040 = arith.constant 0 : i32
      %mul3A_1041 = vector.broadcast %mul3A_1040 : i32 to vector<16xi32>
      %mul3A_1042 = arith.muli %iota3A, %mul3A_1041 : vector<16xi32>
      %add3A_1043 = arith.constant 6 : i32
      %add3A_1044 = vector.broadcast %add3A_1043 : i32 to vector<16xi32>
      %add3A_1045 = arith.addi %mul3A_1042, %add3A_1044 : vector<16xi32>
      tpu.vector_store_idx %arg11[%add3A_141, %add3A_1045], %gather3A_1013 : memref<96x12xf32, #tpu.memory_space<vmem>>[vector<16xi32>, vector<16xi32>], vector<16xf32>,
      %mul3A_1046 = arith.constant 0 : i32
      %mul3A_1047 = vector.broadcast %mul3A_1046 : i32 to vector<16xi32>
      %mul3A_1048 = arith.muli %iota3A, %mul3A_1047 : vector<16xi32>
      %add3A_1049 = arith.constant 7 : i32
      %add3A_1050 = vector.broadcast %add3A_1049 : i32 to vector<16xi32>
      %add3A_1051 = arith.addi %mul3A_1048, %add3A_1050 : vector<16xi32>
      tpu.vector_store_idx %arg11[%add3A_141, %add3A_1051], %div3A_1023 : memref<96x12xf32, #tpu.memory_space<vmem>>[vector<16xi32>, vector<16xi32>], vector<16xf32>,
      %mul3A_1052 = arith.constant 0 : i32
      %mul3A_1053 = vector.broadcast %mul3A_1052 : i32 to vector<16xi32>
      %mul3A_1054 = arith.muli %iota3A, %mul3A_1053 : vector<16xi32>
      %add3A_1055 = arith.constant 8 : i32
      %add3A_1056 = vector.broadcast %add3A_1055 : i32 to vector<16xi32>
      %add3A_1057 = arith.addi %mul3A_1054, %add3A_1056 : vector<16xi32>
      tpu.vector_store_idx %arg11[%add3A_141, %add3A_1057], %div3A_1033 : memref<96x12xf32, #tpu.memory_space<vmem>>[vector<16xi32>, vector<16xi32>], vector<16xf32>,
      %mul3A_1058 = arith.constant 0 : i32
      %mul3A_1059 = vector.broadcast %mul3A_1058 : i32 to vector<16xi32>
      %mul3A_1060 = arith.muli %iota3A, %mul3A_1059 : vector<16xi32>
      %add3A_1061 = arith.constant 9 : i32
      %add3A_1062 = vector.broadcast %add3A_1061 : i32 to vector<16xi32>
      %add3A_1063 = arith.addi %mul3A_1060, %add3A_1062 : vector<16xi32>
      tpu.vector_store_idx %arg11[%add3A_141, %add3A_1063], %select_n3A_1002 : memref<96x12xf32, #tpu.memory_space<vmem>>[vector<16xi32>, vector<16xi32>], vector<16xf32>,
      %get3A_1064 = arith.constant 64 : index
      %get3A_1065 = tpu.vector_load %arg10[%get3A_1064] {strides = array<i32>} : memref<96xi32, #tpu.memory_space<vmem>>, vector<16xi32>,
      %lt3A_1066 = vector.broadcast %add3A_329 : i32 to vector<16xi32>
      %lt3A_1067 = arith.cmpi slt, %add3A_187, %lt3A_1066 : vector<16xi32>
      %mul3A_1068 = arith.constant 0 : i32
      %mul3A_1069 = vector.broadcast %mul3A_1068 : i32 to vector<16xi32>
      %mul3A_1070 = arith.muli %iota3A, %mul3A_1069 : vector<16xi32>
      %add3A_1071 = arith.constant 10 : i32
      %add3A_1072 = vector.broadcast %add3A_1071 : i32 to vector<16xi32>
      %add3A_1073 = arith.addi %mul3A_1070, %add3A_1072 : vector<16xi32>
      tpu.vector_store_idx %arg11[%add3A_187, %add3A_1073], %broadcast_in_dim3A_344 : memref<96x12xf32, #tpu.memory_space<vmem>>[vector<16xi32>, vector<16xi32>], vector<16xf32>,
      %mul3A_1074 = arith.constant 0 : i32
      %mul3A_1075 = vector.broadcast %mul3A_1074 : i32 to vector<16xi32>
      %mul3A_1076 = arith.muli %iota3A, %mul3A_1075 : vector<16xi32>
      %add3A_1077 = arith.constant 11 : i32
      %add3A_1078 = vector.broadcast %add3A_1077 : i32 to vector<16xi32>
      %add3A_1079 = arith.addi %mul3A_1076, %add3A_1078 : vector<16xi32>
      tpu.vector_store_idx %arg11[%add3A_187, %add3A_1079], %broadcast_in_dim3A_344 : memref<96x12xf32, #tpu.memory_space<vmem>>[vector<16xi32>, vector<16xi32>], vector<16xf32>,
      %mul3A_1080 = arith.constant 2 : i32
      %mul3A_1081 = vector.broadcast %mul3A_1080 : i32 to vector<16xi32>
      %mul3A_1082 = arith.muli %mul3A_1081, %get3A_1065 : vector<16xi32>
      %add3A_1083 = arith.constant 0 : i32
      %add3A_1084 = vector.broadcast %add3A_1083 : i32 to vector<16xi32>
      %add3A_1085 = arith.addi %mul3A_1082, %add3A_1084 : vector<16xi32>
      %min3A_1086 = arith.constant 169 : i32
      %min3A_1087 = vector.broadcast %min3A_1086 : i32 to vector<16xi32>
      %min3A_1088 = arith.minsi %add3A_1085, %min3A_1087 : vector<16xi32>
      %add3A_1089 = vector.broadcast %mul3A_10 : i32 to vector<16xi32>
      %add3A_1090 = arith.addi %add3A_1089, %min3A_1088 : vector<16xi32>
      %gather3A_1091 = tpu.vector_load_idx %arg8[%add3A_1090] : memref<680xi32, #tpu.memory_space<vmem>>[vector<16xi32>], vector<16xi32>,
      %eq3A_1092 = arith.constant 1 : i32
      %eq3A_1093 = vector.broadcast %eq3A_1092 : i32 to vector<16xi32>
      %eq3A_1094 = arith.cmpi eq, %gather3A_1091, %eq3A_1093 : vector<16xi32>
      %and3A_1095 = arith.andi %lt3A_1067, %eq3A_1094 : vector<16xi1>
      %jit3A_1096 = arith.constant 0.000000e+00 : f32
      %jit3A_1097 = arith.constant 1.000000e+09 : f32
      %broadcast_in_dim3A_1098 = vector.broadcast %jit3A_1096 : f32 to vector<16xf32>
      %broadcast_in_dim3A_1099 = vector.broadcast %jit3A_1097 : f32 to vector<16xf32>
      %select_n3A_1100 = arith.select %and3A_1095, %broadcast_in_dim3A_1098, %broadcast_in_dim3A_1099 : vector<16xi1>, vector<16xf32>
      %mul3A_1101 = arith.constant 8 : i32
      %mul3A_1102 = vector.broadcast %mul3A_1101 : i32 to vector<16xi32>
      %mul3A_1103 = arith.muli %mul3A_1102, %get3A_1065 : vector<16xi32>
      %add3A_1104 = arith.constant 0 : i32
      %add3A_1105 = vector.broadcast %add3A_1104 : i32 to vector<16xi32>
      %add3A_1106 = arith.addi %mul3A_1103, %add3A_1105 : vector<16xi32>
      %gather3A_1107 = tpu.vector_load_idx %arg9[%add3A_1106] : memref<680xf32, #tpu.memory_space<vmem>>[vector<16xi32>], vector<16xf32>,
      %add3A_1108 = arith.constant 1 : i32
      %add3A_1109 = vector.broadcast %add3A_1108 : i32 to vector<16xi32>
      %add3A_1110 = arith.addi %add3A_1106, %add3A_1109 : vector<16xi32>
      %gather3A_1111 = tpu.vector_load_idx %arg9[%add3A_1110] : memref<680xf32, #tpu.memory_space<vmem>>[vector<16xi32>], vector<16xf32>,
      %add3A_1112 = arith.constant 2 : i32
      %add3A_1113 = vector.broadcast %add3A_1112 : i32 to vector<16xi32>
      %add3A_1114 = arith.addi %add3A_1106, %add3A_1113 : vector<16xi32>
      %gather3A_1115 = tpu.vector_load_idx %arg9[%add3A_1114] : memref<680xf32, #tpu.memory_space<vmem>>[vector<16xi32>], vector<16xf32>,
      %add3A_1116 = arith.constant 9.99999974E-6 : f32
      %add3A_1117 = vector.broadcast %add3A_1116 : f32 to vector<16xf32>
      %add3A_1118 = arith.addf %gather3A_1115, %add3A_1117 : vector<16xf32>
      %div3A_1119 = arith.constant 1.000000e+00 : f32
      %div3A_1120 = vector.broadcast %div3A_1119 : f32 to vector<16xf32>
      %div3A_1121 = arith.divf %div3A_1120, %add3A_1118 : vector<16xf32>
      %add3A_1122 = arith.constant 3 : i32
      %add3A_1123 = vector.broadcast %add3A_1122 : i32 to vector<16xi32>
      %add3A_1124 = arith.addi %add3A_1106, %add3A_1123 : vector<16xi32>
      %gather3A_1125 = tpu.vector_load_idx %arg9[%add3A_1124] : memref<680xf32, #tpu.memory_space<vmem>>[vector<16xi32>], vector<16xf32>,
      %add3A_1126 = arith.constant 9.99999974E-6 : f32
      %add3A_1127 = vector.broadcast %add3A_1126 : f32 to vector<16xf32>
      %add3A_1128 = arith.addf %gather3A_1125, %add3A_1127 : vector<16xf32>
      %div3A_1129 = arith.constant 1.000000e+00 : f32
      %div3A_1130 = vector.broadcast %div3A_1129 : f32 to vector<16xf32>
      %div3A_1131 = arith.divf %div3A_1130, %add3A_1128 : vector<16xf32>
      %mul3A_1132 = arith.constant 0 : i32
      %mul3A_1133 = vector.broadcast %mul3A_1132 : i32 to vector<16xi32>
      %mul3A_1134 = arith.muli %iota3A, %mul3A_1133 : vector<16xi32>
      %add3A_1135 = arith.constant 0 : i32
      %add3A_1136 = vector.broadcast %add3A_1135 : i32 to vector<16xi32>
      %add3A_1137 = arith.addi %mul3A_1134, %add3A_1136 : vector<16xi32>
      tpu.vector_store_idx %arg11[%add3A_187, %add3A_1137], %gather3A_1107 : memref<96x12xf32, #tpu.memory_space<vmem>>[vector<16xi32>, vector<16xi32>], vector<16xf32>,
      %mul3A_1138 = arith.constant 0 : i32
      %mul3A_1139 = vector.broadcast %mul3A_1138 : i32 to vector<16xi32>
      %mul3A_1140 = arith.muli %iota3A, %mul3A_1139 : vector<16xi32>
      %add3A_1141 = arith.constant 1 : i32
      %add3A_1142 = vector.broadcast %add3A_1141 : i32 to vector<16xi32>
      %add3A_1143 = arith.addi %mul3A_1140, %add3A_1142 : vector<16xi32>
      tpu.vector_store_idx %arg11[%add3A_187, %add3A_1143], %gather3A_1111 : memref<96x12xf32, #tpu.memory_space<vmem>>[vector<16xi32>, vector<16xi32>], vector<16xf32>,
      %mul3A_1144 = arith.constant 0 : i32
      %mul3A_1145 = vector.broadcast %mul3A_1144 : i32 to vector<16xi32>
      %mul3A_1146 = arith.muli %iota3A, %mul3A_1145 : vector<16xi32>
      %add3A_1147 = arith.constant 2 : i32
      %add3A_1148 = vector.broadcast %add3A_1147 : i32 to vector<16xi32>
      %add3A_1149 = arith.addi %mul3A_1146, %add3A_1148 : vector<16xi32>
      tpu.vector_store_idx %arg11[%add3A_187, %add3A_1149], %div3A_1121 : memref<96x12xf32, #tpu.memory_space<vmem>>[vector<16xi32>, vector<16xi32>], vector<16xf32>,
      %mul3A_1150 = arith.constant 0 : i32
      %mul3A_1151 = vector.broadcast %mul3A_1150 : i32 to vector<16xi32>
      %mul3A_1152 = arith.muli %iota3A, %mul3A_1151 : vector<16xi32>
      %add3A_1153 = arith.constant 3 : i32
      %add3A_1154 = vector.broadcast %add3A_1153 : i32 to vector<16xi32>
      %add3A_1155 = arith.addi %mul3A_1152, %add3A_1154 : vector<16xi32>
      tpu.vector_store_idx %arg11[%add3A_187, %add3A_1155], %div3A_1131 : memref<96x12xf32, #tpu.memory_space<vmem>>[vector<16xi32>, vector<16xi32>], vector<16xf32>,
      %mul3A_1156 = arith.constant 0 : i32
      %mul3A_1157 = vector.broadcast %mul3A_1156 : i32 to vector<16xi32>
      %mul3A_1158 = arith.muli %iota3A, %mul3A_1157 : vector<16xi32>
      %add3A_1159 = arith.constant 4 : i32
      %add3A_1160 = vector.broadcast %add3A_1159 : i32 to vector<16xi32>
      %add3A_1161 = arith.addi %mul3A_1158, %add3A_1160 : vector<16xi32>
      tpu.vector_store_idx %arg11[%add3A_187, %add3A_1161], %select_n3A_1100 : memref<96x12xf32, #tpu.memory_space<vmem>>[vector<16xi32>, vector<16xi32>], vector<16xf32>,
      %mul3A_1162 = arith.constant 2 : i32
      %mul3A_1163 = vector.broadcast %mul3A_1162 : i32 to vector<16xi32>
      %mul3A_1164 = arith.muli %mul3A_1163, %get3A_1065 : vector<16xi32>
      %add3A_1165 = arith.constant 1 : i32
      %add3A_1166 = vector.broadcast %add3A_1165 : i32 to vector<16xi32>
      %add3A_1167 = arith.addi %mul3A_1164, %add3A_1166 : vector<16xi32>
      %min3A_1168 = arith.constant 169 : i32
      %min3A_1169 = vector.broadcast %min3A_1168 : i32 to vector<16xi32>
      %min3A_1170 = arith.minsi %add3A_1167, %min3A_1169 : vector<16xi32>
      %add3A_1171 = vector.broadcast %mul3A_10 : i32 to vector<16xi32>
      %add3A_1172 = arith.addi %add3A_1171, %min3A_1170 : vector<16xi32>
      %gather3A_1173 = tpu.vector_load_idx %arg8[%add3A_1172] : memref<680xi32, #tpu.memory_space<vmem>>[vector<16xi32>], vector<16xi32>,
      %eq3A_1174 = arith.constant 1 : i32
      %eq3A_1175 = vector.broadcast %eq3A_1174 : i32 to vector<16xi32>
      %eq3A_1176 = arith.cmpi eq, %gather3A_1173, %eq3A_1175 : vector<16xi32>
      %and3A_1177 = arith.andi %lt3A_1067, %eq3A_1176 : vector<16xi1>
      %jit3A_1178 = arith.constant 0.000000e+00 : f32
      %jit3A_1179 = arith.constant 1.000000e+09 : f32
      %broadcast_in_dim3A_1180 = vector.broadcast %jit3A_1178 : f32 to vector<16xf32>
      %broadcast_in_dim3A_1181 = vector.broadcast %jit3A_1179 : f32 to vector<16xf32>
      %select_n3A_1182 = arith.select %and3A_1177, %broadcast_in_dim3A_1180, %broadcast_in_dim3A_1181 : vector<16xi1>, vector<16xf32>
      %mul3A_1183 = arith.constant 8 : i32
      %mul3A_1184 = vector.broadcast %mul3A_1183 : i32 to vector<16xi32>
      %mul3A_1185 = arith.muli %mul3A_1184, %get3A_1065 : vector<16xi32>
      %add3A_1186 = arith.constant 4 : i32
      %add3A_1187 = vector.broadcast %add3A_1186 : i32 to vector<16xi32>
      %add3A_1188 = arith.addi %mul3A_1185, %add3A_1187 : vector<16xi32>
      %gather3A_1189 = tpu.vector_load_idx %arg9[%add3A_1188] : memref<680xf32, #tpu.memory_space<vmem>>[vector<16xi32>], vector<16xf32>,
      %add3A_1190 = arith.constant 1 : i32
      %add3A_1191 = vector.broadcast %add3A_1190 : i32 to vector<16xi32>
      %add3A_1192 = arith.addi %add3A_1188, %add3A_1191 : vector<16xi32>
      %gather3A_1193 = tpu.vector_load_idx %arg9[%add3A_1192] : memref<680xf32, #tpu.memory_space<vmem>>[vector<16xi32>], vector<16xf32>,
      %add3A_1194 = arith.constant 2 : i32
      %add3A_1195 = vector.broadcast %add3A_1194 : i32 to vector<16xi32>
      %add3A_1196 = arith.addi %add3A_1188, %add3A_1195 : vector<16xi32>
      %gather3A_1197 = tpu.vector_load_idx %arg9[%add3A_1196] : memref<680xf32, #tpu.memory_space<vmem>>[vector<16xi32>], vector<16xf32>,
      %add3A_1198 = arith.constant 9.99999974E-6 : f32
      %add3A_1199 = vector.broadcast %add3A_1198 : f32 to vector<16xf32>
      %add3A_1200 = arith.addf %gather3A_1197, %add3A_1199 : vector<16xf32>
      %div3A_1201 = arith.constant 1.000000e+00 : f32
      %div3A_1202 = vector.broadcast %div3A_1201 : f32 to vector<16xf32>
      %div3A_1203 = arith.divf %div3A_1202, %add3A_1200 : vector<16xf32>
      %add3A_1204 = arith.constant 3 : i32
      %add3A_1205 = vector.broadcast %add3A_1204 : i32 to vector<16xi32>
      %add3A_1206 = arith.addi %add3A_1188, %add3A_1205 : vector<16xi32>
      %gather3A_1207 = tpu.vector_load_idx %arg9[%add3A_1206] : memref<680xf32, #tpu.memory_space<vmem>>[vector<16xi32>], vector<16xf32>,
      %add3A_1208 = arith.constant 9.99999974E-6 : f32
      %add3A_1209 = vector.broadcast %add3A_1208 : f32 to vector<16xf32>
      %add3A_1210 = arith.addf %gather3A_1207, %add3A_1209 : vector<16xf32>
      %div3A_1211 = arith.constant 1.000000e+00 : f32
      %div3A_1212 = vector.broadcast %div3A_1211 : f32 to vector<16xf32>
      %div3A_1213 = arith.divf %div3A_1212, %add3A_1210 : vector<16xf32>
      %mul3A_1214 = arith.constant 0 : i32
      %mul3A_1215 = vector.broadcast %mul3A_1214 : i32 to vector<16xi32>
      %mul3A_1216 = arith.muli %iota3A, %mul3A_1215 : vector<16xi32>
      %add3A_1217 = arith.constant 5 : i32
      %add3A_1218 = vector.broadcast %add3A_1217 : i32 to vector<16xi32>
      %add3A_1219 = arith.addi %mul3A_1216, %add3A_1218 : vector<16xi32>
      tpu.vector_store_idx %arg11[%add3A_187, %add3A_1219], %gather3A_1189 : memref<96x12xf32, #tpu.memory_space<vmem>>[vector<16xi32>, vector<16xi32>], vector<16xf32>,
      %mul3A_1220 = arith.constant 0 : i32
      %mul3A_1221 = vector.broadcast %mul3A_1220 : i32 to vector<16xi32>
      %mul3A_1222 = arith.muli %iota3A, %mul3A_1221 : vector<16xi32>
      %add3A_1223 = arith.constant 6 : i32
      %add3A_1224 = vector.broadcast %add3A_1223 : i32 to vector<16xi32>
      %add3A_1225 = arith.addi %mul3A_1222, %add3A_1224 : vector<16xi32>
      tpu.vector_store_idx %arg11[%add3A_187, %add3A_1225], %gather3A_1193 : memref<96x12xf32, #tpu.memory_space<vmem>>[vector<16xi32>, vector<16xi32>], vector<16xf32>,
      %mul3A_1226 = arith.constant 0 : i32
      %mul3A_1227 = vector.broadcast %mul3A_1226 : i32 to vector<16xi32>
      %mul3A_1228 = arith.muli %iota3A, %mul3A_1227 : vector<16xi32>
      %add3A_1229 = arith.constant 7 : i32
      %add3A_1230 = vector.broadcast %add3A_1229 : i32 to vector<16xi32>
      %add3A_1231 = arith.addi %mul3A_1228, %add3A_1230 : vector<16xi32>
      tpu.vector_store_idx %arg11[%add3A_187, %add3A_1231], %div3A_1203 : memref<96x12xf32, #tpu.memory_space<vmem>>[vector<16xi32>, vector<16xi32>], vector<16xf32>,
      %mul3A_1232 = arith.constant 0 : i32
      %mul3A_1233 = vector.broadcast %mul3A_1232 : i32 to vector<16xi32>
      %mul3A_1234 = arith.muli %iota3A, %mul3A_1233 : vector<16xi32>
      %add3A_1235 = arith.constant 8 : i32
      %add3A_1236 = vector.broadcast %add3A_1235 : i32 to vector<16xi32>
      %add3A_1237 = arith.addi %mul3A_1234, %add3A_1236 : vector<16xi32>
      tpu.vector_store_idx %arg11[%add3A_187, %add3A_1237], %div3A_1213 : memref<96x12xf32, #tpu.memory_space<vmem>>[vector<16xi32>, vector<16xi32>], vector<16xf32>,
      %mul3A_1238 = arith.constant 0 : i32
      %mul3A_1239 = vector.broadcast %mul3A_1238 : i32 to vector<16xi32>
      %mul3A_1240 = arith.muli %iota3A, %mul3A_1239 : vector<16xi32>
      %add3A_1241 = arith.constant 9 : i32
      %add3A_1242 = vector.broadcast %add3A_1241 : i32 to vector<16xi32>
      %add3A_1243 = arith.addi %mul3A_1240, %add3A_1242 : vector<16xi32>
      tpu.vector_store_idx %arg11[%add3A_187, %add3A_1243], %select_n3A_1182 : memref<96x12xf32, #tpu.memory_space<vmem>>[vector<16xi32>, vector<16xi32>], vector<16xf32>,
      %get3A_1244 = arith.constant 80 : index
      %get3A_1245 = tpu.vector_load %arg10[%get3A_1244] {strides = array<i32>} : memref<96xi32, #tpu.memory_space<vmem>>, vector<16xi32>,
      %lt3A_1246 = vector.broadcast %add3A_329 : i32 to vector<16xi32>
      %lt3A_1247 = arith.cmpi slt, %add3A_233, %lt3A_1246 : vector<16xi32>
      %mul3A_1248 = arith.constant 0 : i32
      %mul3A_1249 = vector.broadcast %mul3A_1248 : i32 to vector<16xi32>
      %mul3A_1250 = arith.muli %iota3A, %mul3A_1249 : vector<16xi32>
      %add3A_1251 = arith.constant 10 : i32
      %add3A_1252 = vector.broadcast %add3A_1251 : i32 to vector<16xi32>
      %add3A_1253 = arith.addi %mul3A_1250, %add3A_1252 : vector<16xi32>
      tpu.vector_store_idx %arg11[%add3A_233, %add3A_1253], %broadcast_in_dim3A_344 : memref<96x12xf32, #tpu.memory_space<vmem>>[vector<16xi32>, vector<16xi32>], vector<16xf32>,
      %mul3A_1254 = arith.constant 0 : i32
      %mul3A_1255 = vector.broadcast %mul3A_1254 : i32 to vector<16xi32>
      %mul3A_1256 = arith.muli %iota3A, %mul3A_1255 : vector<16xi32>
      %add3A_1257 = arith.constant 11 : i32
      %add3A_1258 = vector.broadcast %add3A_1257 : i32 to vector<16xi32>
      %add3A_1259 = arith.addi %mul3A_1256, %add3A_1258 : vector<16xi32>
      tpu.vector_store_idx %arg11[%add3A_233, %add3A_1259], %broadcast_in_dim3A_344 : memref<96x12xf32, #tpu.memory_space<vmem>>[vector<16xi32>, vector<16xi32>], vector<16xf32>,
      %mul3A_1260 = arith.constant 2 : i32
      %mul3A_1261 = vector.broadcast %mul3A_1260 : i32 to vector<16xi32>
      %mul3A_1262 = arith.muli %mul3A_1261, %get3A_1245 : vector<16xi32>
      %add3A_1263 = arith.constant 0 : i32
      %add3A_1264 = vector.broadcast %add3A_1263 : i32 to vector<16xi32>
      %add3A_1265 = arith.addi %mul3A_1262, %add3A_1264 : vector<16xi32>
      %min3A_1266 = arith.constant 169 : i32
      %min3A_1267 = vector.broadcast %min3A_1266 : i32 to vector<16xi32>
      %min3A_1268 = arith.minsi %add3A_1265, %min3A_1267 : vector<16xi32>
      %add3A_1269 = vector.broadcast %mul3A_10 : i32 to vector<16xi32>
      %add3A_1270 = arith.addi %add3A_1269, %min3A_1268 : vector<16xi32>
      %gather3A_1271 = tpu.vector_load_idx %arg8[%add3A_1270] : memref<680xi32, #tpu.memory_space<vmem>>[vector<16xi32>], vector<16xi32>,
      %eq3A_1272 = arith.constant 1 : i32
      %eq3A_1273 = vector.broadcast %eq3A_1272 : i32 to vector<16xi32>
      %eq3A_1274 = arith.cmpi eq, %gather3A_1271, %eq3A_1273 : vector<16xi32>
      %and3A_1275 = arith.andi %lt3A_1247, %eq3A_1274 : vector<16xi1>
      %jit3A_1276 = arith.constant 0.000000e+00 : f32
      %jit3A_1277 = arith.constant 1.000000e+09 : f32
      %broadcast_in_dim3A_1278 = vector.broadcast %jit3A_1276 : f32 to vector<16xf32>
      %broadcast_in_dim3A_1279 = vector.broadcast %jit3A_1277 : f32 to vector<16xf32>
      %select_n3A_1280 = arith.select %and3A_1275, %broadcast_in_dim3A_1278, %broadcast_in_dim3A_1279 : vector<16xi1>, vector<16xf32>
      %mul3A_1281 = arith.constant 8 : i32
      %mul3A_1282 = vector.broadcast %mul3A_1281 : i32 to vector<16xi32>
      %mul3A_1283 = arith.muli %mul3A_1282, %get3A_1245 : vector<16xi32>
      %add3A_1284 = arith.constant 0 : i32
      %add3A_1285 = vector.broadcast %add3A_1284 : i32 to vector<16xi32>
      %add3A_1286 = arith.addi %mul3A_1283, %add3A_1285 : vector<16xi32>
      %gather3A_1287 = tpu.vector_load_idx %arg9[%add3A_1286] : memref<680xf32, #tpu.memory_space<vmem>>[vector<16xi32>], vector<16xf32>,
      %add3A_1288 = arith.constant 1 : i32
      %add3A_1289 = vector.broadcast %add3A_1288 : i32 to vector<16xi32>
      %add3A_1290 = arith.addi %add3A_1286, %add3A_1289 : vector<16xi32>
      %gather3A_1291 = tpu.vector_load_idx %arg9[%add3A_1290] : memref<680xf32, #tpu.memory_space<vmem>>[vector<16xi32>], vector<16xf32>,
      %add3A_1292 = arith.constant 2 : i32
      %add3A_1293 = vector.broadcast %add3A_1292 : i32 to vector<16xi32>
      %add3A_1294 = arith.addi %add3A_1286, %add3A_1293 : vector<16xi32>
      %gather3A_1295 = tpu.vector_load_idx %arg9[%add3A_1294] : memref<680xf32, #tpu.memory_space<vmem>>[vector<16xi32>], vector<16xf32>,
      %add3A_1296 = arith.constant 9.99999974E-6 : f32
      %add3A_1297 = vector.broadcast %add3A_1296 : f32 to vector<16xf32>
      %add3A_1298 = arith.addf %gather3A_1295, %add3A_1297 : vector<16xf32>
      %div3A_1299 = arith.constant 1.000000e+00 : f32
      %div3A_1300 = vector.broadcast %div3A_1299 : f32 to vector<16xf32>
      %div3A_1301 = arith.divf %div3A_1300, %add3A_1298 : vector<16xf32>
      %add3A_1302 = arith.constant 3 : i32
      %add3A_1303 = vector.broadcast %add3A_1302 : i32 to vector<16xi32>
      %add3A_1304 = arith.addi %add3A_1286, %add3A_1303 : vector<16xi32>
      %gather3A_1305 = tpu.vector_load_idx %arg9[%add3A_1304] : memref<680xf32, #tpu.memory_space<vmem>>[vector<16xi32>], vector<16xf32>,
      %add3A_1306 = arith.constant 9.99999974E-6 : f32
      %add3A_1307 = vector.broadcast %add3A_1306 : f32 to vector<16xf32>
      %add3A_1308 = arith.addf %gather3A_1305, %add3A_1307 : vector<16xf32>
      %div3A_1309 = arith.constant 1.000000e+00 : f32
      %div3A_1310 = vector.broadcast %div3A_1309 : f32 to vector<16xf32>
      %div3A_1311 = arith.divf %div3A_1310, %add3A_1308 : vector<16xf32>
      %mul3A_1312 = arith.constant 0 : i32
      %mul3A_1313 = vector.broadcast %mul3A_1312 : i32 to vector<16xi32>
      %mul3A_1314 = arith.muli %iota3A, %mul3A_1313 : vector<16xi32>
      %add3A_1315 = arith.constant 0 : i32
      %add3A_1316 = vector.broadcast %add3A_1315 : i32 to vector<16xi32>
      %add3A_1317 = arith.addi %mul3A_1314, %add3A_1316 : vector<16xi32>
      tpu.vector_store_idx %arg11[%add3A_233, %add3A_1317], %gather3A_1287 : memref<96x12xf32, #tpu.memory_space<vmem>>[vector<16xi32>, vector<16xi32>], vector<16xf32>,
      %mul3A_1318 = arith.constant 0 : i32
      %mul3A_1319 = vector.broadcast %mul3A_1318 : i32 to vector<16xi32>
      %mul3A_1320 = arith.muli %iota3A, %mul3A_1319 : vector<16xi32>
      %add3A_1321 = arith.constant 1 : i32
      %add3A_1322 = vector.broadcast %add3A_1321 : i32 to vector<16xi32>
      %add3A_1323 = arith.addi %mul3A_1320, %add3A_1322 : vector<16xi32>
      tpu.vector_store_idx %arg11[%add3A_233, %add3A_1323], %gather3A_1291 : memref<96x12xf32, #tpu.memory_space<vmem>>[vector<16xi32>, vector<16xi32>], vector<16xf32>,
      %mul3A_1324 = arith.constant 0 : i32
      %mul3A_1325 = vector.broadcast %mul3A_1324 : i32 to vector<16xi32>
      %mul3A_1326 = arith.muli %iota3A, %mul3A_1325 : vector<16xi32>
      %add3A_1327 = arith.constant 2 : i32
      %add3A_1328 = vector.broadcast %add3A_1327 : i32 to vector<16xi32>
      %add3A_1329 = arith.addi %mul3A_1326, %add3A_1328 : vector<16xi32>
      tpu.vector_store_idx %arg11[%add3A_233, %add3A_1329], %div3A_1301 : memref<96x12xf32, #tpu.memory_space<vmem>>[vector<16xi32>, vector<16xi32>], vector<16xf32>,
      %mul3A_1330 = arith.constant 0 : i32
      %mul3A_1331 = vector.broadcast %mul3A_1330 : i32 to vector<16xi32>
      %mul3A_1332 = arith.muli %iota3A, %mul3A_1331 : vector<16xi32>
      %add3A_1333 = arith.constant 3 : i32
      %add3A_1334 = vector.broadcast %add3A_1333 : i32 to vector<16xi32>
      %add3A_1335 = arith.addi %mul3A_1332, %add3A_1334 : vector<16xi32>
      tpu.vector_store_idx %arg11[%add3A_233, %add3A_1335], %div3A_1311 : memref<96x12xf32, #tpu.memory_space<vmem>>[vector<16xi32>, vector<16xi32>], vector<16xf32>,
      %mul3A_1336 = arith.constant 0 : i32
      %mul3A_1337 = vector.broadcast %mul3A_1336 : i32 to vector<16xi32>
      %mul3A_1338 = arith.muli %iota3A, %mul3A_1337 : vector<16xi32>
      %add3A_1339 = arith.constant 4 : i32
      %add3A_1340 = vector.broadcast %add3A_1339 : i32 to vector<16xi32>
      %add3A_1341 = arith.addi %mul3A_1338, %add3A_1340 : vector<16xi32>
      tpu.vector_store_idx %arg11[%add3A_233, %add3A_1341], %select_n3A_1280 : memref<96x12xf32, #tpu.memory_space<vmem>>[vector<16xi32>, vector<16xi32>], vector<16xf32>,
      %mul3A_1342 = arith.constant 2 : i32
      %mul3A_1343 = vector.broadcast %mul3A_1342 : i32 to vector<16xi32>
      %mul3A_1344 = arith.muli %mul3A_1343, %get3A_1245 : vector<16xi32>
      %add3A_1345 = arith.constant 1 : i32
      %add3A_1346 = vector.broadcast %add3A_1345 : i32 to vector<16xi32>
      %add3A_1347 = arith.addi %mul3A_1344, %add3A_1346 : vector<16xi32>
      %min3A_1348 = arith.constant 169 : i32
      %min3A_1349 = vector.broadcast %min3A_1348 : i32 to vector<16xi32>
      %min3A_1350 = arith.minsi %add3A_1347, %min3A_1349 : vector<16xi32>
      %add3A_1351 = vector.broadcast %mul3A_10 : i32 to vector<16xi32>
      %add3A_1352 = arith.addi %add3A_1351, %min3A_1350 : vector<16xi32>
      %gather3A_1353 = tpu.vector_load_idx %arg8[%add3A_1352] : memref<680xi32, #tpu.memory_space<vmem>>[vector<16xi32>], vector<16xi32>,
      %eq3A_1354 = arith.constant 1 : i32
      %eq3A_1355 = vector.broadcast %eq3A_1354 : i32 to vector<16xi32>
      %eq3A_1356 = arith.cmpi eq, %gather3A_1353, %eq3A_1355 : vector<16xi32>
      %and3A_1357 = arith.andi %lt3A_1247, %eq3A_1356 : vector<16xi1>
      %jit3A_1358 = arith.constant 0.000000e+00 : f32
      %jit3A_1359 = arith.constant 1.000000e+09 : f32
      %broadcast_in_dim3A_1360 = vector.broadcast %jit3A_1358 : f32 to vector<16xf32>
      %broadcast_in_dim3A_1361 = vector.broadcast %jit3A_1359 : f32 to vector<16xf32>
      %select_n3A_1362 = arith.select %and3A_1357, %broadcast_in_dim3A_1360, %broadcast_in_dim3A_1361 : vector<16xi1>, vector<16xf32>
      %mul3A_1363 = arith.constant 8 : i32
      %mul3A_1364 = vector.broadcast %mul3A_1363 : i32 to vector<16xi32>
      %mul3A_1365 = arith.muli %mul3A_1364, %get3A_1245 : vector<16xi32>
      %add3A_1366 = arith.constant 4 : i32
      %add3A_1367 = vector.broadcast %add3A_1366 : i32 to vector<16xi32>
      %add3A_1368 = arith.addi %mul3A_1365, %add3A_1367 : vector<16xi32>
      %gather3A_1369 = tpu.vector_load_idx %arg9[%add3A_1368] : memref<680xf32, #tpu.memory_space<vmem>>[vector<16xi32>], vector<16xf32>,
      %add3A_1370 = arith.constant 1 : i32
      %add3A_1371 = vector.broadcast %add3A_1370 : i32 to vector<16xi32>
      %add3A_1372 = arith.addi %add3A_1368, %add3A_1371 : vector<16xi32>
      %gather3A_1373 = tpu.vector_load_idx %arg9[%add3A_1372] : memref<680xf32, #tpu.memory_space<vmem>>[vector<16xi32>], vector<16xf32>,
      %add3A_1374 = arith.constant 2 : i32
      %add3A_1375 = vector.broadcast %add3A_1374 : i32 to vector<16xi32>
      %add3A_1376 = arith.addi %add3A_1368, %add3A_1375 : vector<16xi32>
      %gather3A_1377 = tpu.vector_load_idx %arg9[%add3A_1376] : memref<680xf32, #tpu.memory_space<vmem>>[vector<16xi32>], vector<16xf32>,
      %add3A_1378 = arith.constant 9.99999974E-6 : f32
      %add3A_1379 = vector.broadcast %add3A_1378 : f32 to vector<16xf32>
      %add3A_1380 = arith.addf %gather3A_1377, %add3A_1379 : vector<16xf32>
      %div3A_1381 = arith.constant 1.000000e+00 : f32
      %div3A_1382 = vector.broadcast %div3A_1381 : f32 to vector<16xf32>
      %div3A_1383 = arith.divf %div3A_1382, %add3A_1380 : vector<16xf32>
      %add3A_1384 = arith.constant 3 : i32
      %add3A_1385 = vector.broadcast %add3A_1384 : i32 to vector<16xi32>
      %add3A_1386 = arith.addi %add3A_1368, %add3A_1385 : vector<16xi32>
      %gather3A_1387 = tpu.vector_load_idx %arg9[%add3A_1386] : memref<680xf32, #tpu.memory_space<vmem>>[vector<16xi32>], vector<16xf32>,
      %add3A_1388 = arith.constant 9.99999974E-6 : f32
      %add3A_1389 = vector.broadcast %add3A_1388 : f32 to vector<16xf32>
      %add3A_1390 = arith.addf %gather3A_1387, %add3A_1389 : vector<16xf32>
      %div3A_1391 = arith.constant 1.000000e+00 : f32
      %div3A_1392 = vector.broadcast %div3A_1391 : f32 to vector<16xf32>
      %div3A_1393 = arith.divf %div3A_1392, %add3A_1390 : vector<16xf32>
      %mul3A_1394 = arith.constant 0 : i32
      %mul3A_1395 = vector.broadcast %mul3A_1394 : i32 to vector<16xi32>
      %mul3A_1396 = arith.muli %iota3A, %mul3A_1395 : vector<16xi32>
      %add3A_1397 = arith.constant 5 : i32
      %add3A_1398 = vector.broadcast %add3A_1397 : i32 to vector<16xi32>
      %add3A_1399 = arith.addi %mul3A_1396, %add3A_1398 : vector<16xi32>
      tpu.vector_store_idx %arg11[%add3A_233, %add3A_1399], %gather3A_1369 : memref<96x12xf32, #tpu.memory_space<vmem>>[vector<16xi32>, vector<16xi32>], vector<16xf32>,
      %mul3A_1400 = arith.constant 0 : i32
      %mul3A_1401 = vector.broadcast %mul3A_1400 : i32 to vector<16xi32>
      %mul3A_1402 = arith.muli %iota3A, %mul3A_1401 : vector<16xi32>
      %add3A_1403 = arith.constant 6 : i32
      %add3A_1404 = vector.broadcast %add3A_1403 : i32 to vector<16xi32>
      %add3A_1405 = arith.addi %mul3A_1402, %add3A_1404 : vector<16xi32>
      tpu.vector_store_idx %arg11[%add3A_233, %add3A_1405], %gather3A_1373 : memref<96x12xf32, #tpu.memory_space<vmem>>[vector<16xi32>, vector<16xi32>], vector<16xf32>,
      %mul3A_1406 = arith.constant 0 : i32
      %mul3A_1407 = vector.broadcast %mul3A_1406 : i32 to vector<16xi32>
      %mul3A_1408 = arith.muli %iota3A, %mul3A_1407 : vector<16xi32>
      %add3A_1409 = arith.constant 7 : i32
      %add3A_1410 = vector.broadcast %add3A_1409 : i32 to vector<16xi32>
      %add3A_1411 = arith.addi %mul3A_1408, %add3A_1410 : vector<16xi32>
      tpu.vector_store_idx %arg11[%add3A_233, %add3A_1411], %div3A_1383 : memref<96x12xf32, #tpu.memory_space<vmem>>[vector<16xi32>, vector<16xi32>], vector<16xf32>,
      %mul3A_1412 = arith.constant 0 : i32
      %mul3A_1413 = vector.broadcast %mul3A_1412 : i32 to vector<16xi32>
      %mul3A_1414 = arith.muli %iota3A, %mul3A_1413 : vector<16xi32>
      %add3A_1415 = arith.constant 8 : i32
      %add3A_1416 = vector.broadcast %add3A_1415 : i32 to vector<16xi32>
      %add3A_1417 = arith.addi %mul3A_1414, %add3A_1416 : vector<16xi32>
      tpu.vector_store_idx %arg11[%add3A_233, %add3A_1417], %div3A_1393 : memref<96x12xf32, #tpu.memory_space<vmem>>[vector<16xi32>, vector<16xi32>], vector<16xf32>,
      %mul3A_1418 = arith.constant 0 : i32
      %mul3A_1419 = vector.broadcast %mul3A_1418 : i32 to vector<16xi32>
      %mul3A_1420 = arith.muli %iota3A, %mul3A_1419 : vector<16xi32>
      %add3A_1421 = arith.constant 9 : i32
      %add3A_1422 = vector.broadcast %add3A_1421 : i32 to vector<16xi32>
      %add3A_1423 = arith.addi %mul3A_1420, %add3A_1422 : vector<16xi32>
      tpu.vector_store_idx %arg11[%add3A_233, %add3A_1423], %select_n3A_1362 : memref<96x12xf32, #tpu.memory_space<vmem>>[vector<16xi32>, vector<16xi32>], vector<16xf32>,
      "tpu.region"() ({
        %run_scoped3A = tpu.sem_alloc : memref<!tpu.dma_semaphore, #tpu.memory_space<semaphore_mem>>
        %dma_start3A = arith.constant 0 : i32
        %dma_start3A_1424 = tpu.memref_slice %arg5[%add3A, %dma_start3A] : memref<4x96xi32, #tpu.memory_space<hbm>> -> memref<1x96xi32, #tpu.memory_space<hbm>>
        %dma_start3A_1425 = tpu.memref_squeeze %dma_start3A_1424 : memref<1x96xi32, #tpu.memory_space<hbm>> -> memref<96xi32, #tpu.memory_space<hbm>>
        %dma_start3A_1426 = arith.constant 0 : i32
        %dma_start3A_1427 = tpu.memref_slice %arg5[%add3A, %dma_start3A_1426] : memref<4x96xi32, #tpu.memory_space<hbm>> -> memref<1x96xi32, #tpu.memory_space<hbm>>
        %dma_start3A_1428 = tpu.memref_squeeze %dma_start3A_1427 : memref<1x96xi32, #tpu.memory_space<hbm>> -> memref<96xi32, #tpu.memory_space<hbm>>
        tpu.enqueue_dma source(%arg10 : memref<96xi32, #tpu.memory_space<vmem>>) target(%dma_start3A_1428 : memref<96xi32, #tpu.memory_space<hbm>>) target_semaphore(%run_scoped3A : memref<!tpu.dma_semaphore, #tpu.memory_space<semaphore_mem>>)
        %dma_wait3A = arith.constant 0 : i32
        %dma_wait3A_1429 = tpu.memref_slice %arg5[%add3A, %dma_wait3A] : memref<4x96xi32, #tpu.memory_space<hbm>> -> memref<1x96xi32, #tpu.memory_space<hbm>>
        %dma_wait3A_1430 = tpu.memref_squeeze %dma_wait3A_1429 : memref<1x96xi32, #tpu.memory_space<hbm>> -> memref<96xi32, #tpu.memory_space<hbm>>
        %dma_wait3A_1431 = arith.constant 0 : i32
        %dma_wait3A_1432 = tpu.memref_slice %arg5[%add3A, %dma_wait3A_1431] : memref<4x96xi32, #tpu.memory_space<hbm>> -> memref<1x96xi32, #tpu.memory_space<hbm>>
        %dma_wait3A_1433 = tpu.memref_squeeze %dma_wait3A_1432 : memref<1x96xi32, #tpu.memory_space<hbm>> -> memref<96xi32, #tpu.memory_space<hbm>>
        tpu.wait_dma2 semaphore(%run_scoped3A : memref<!tpu.dma_semaphore, #tpu.memory_space<semaphore_mem>>) src(%arg10 : memref<96xi32, #tpu.memory_space<vmem>>) dst(%dma_wait3A_1433 : memref<96xi32, #tpu.memory_space<hbm>>)
        tpu.yield
      }) : () -> ()
      "tpu.region"() ({
        %run_scoped3A = tpu.sem_alloc : memref<!tpu.dma_semaphore, #tpu.memory_space<semaphore_mem>>
        %dma_start3A = arith.constant 0 : i32
        %dma_start3A_1424 = arith.constant 0 : i32
        %dma_start3A_1425 = tpu.memref_slice %arg6[%add3A, %dma_start3A, %dma_start3A_1424] : memref<4x96x12xf32, #tpu.memory_space<hbm>> -> memref<1x96x12xf32, #tpu.memory_space<hbm>>
        %dma_start3A_1426 = tpu.memref_squeeze %dma_start3A_1425 : memref<1x96x12xf32, #tpu.memory_space<hbm>> -> memref<96x12xf32, #tpu.memory_space<hbm>>
        %dma_start3A_1427 = arith.constant 0 : i32
        %dma_start3A_1428 = arith.constant 0 : i32
        %dma_start3A_1429 = tpu.memref_slice %arg6[%add3A, %dma_start3A_1427, %dma_start3A_1428] : memref<4x96x12xf32, #tpu.memory_space<hbm>> -> memref<1x96x12xf32, #tpu.memory_space<hbm>>
        %dma_start3A_1430 = tpu.memref_squeeze %dma_start3A_1429 : memref<1x96x12xf32, #tpu.memory_space<hbm>> -> memref<96x12xf32, #tpu.memory_space<hbm>>
        tpu.enqueue_dma source(%arg11 : memref<96x12xf32, #tpu.memory_space<vmem>>) target(%dma_start3A_1430 : memref<96x12xf32, #tpu.memory_space<hbm>>) target_semaphore(%run_scoped3A : memref<!tpu.dma_semaphore, #tpu.memory_space<semaphore_mem>>)
        %dma_wait3A = arith.constant 0 : i32
        %dma_wait3A_1431 = arith.constant 0 : i32
        %dma_wait3A_1432 = tpu.memref_slice %arg6[%add3A, %dma_wait3A, %dma_wait3A_1431] : memref<4x96x12xf32, #tpu.memory_space<hbm>> -> memref<1x96x12xf32, #tpu.memory_space<hbm>>
        %dma_wait3A_1433 = tpu.memref_squeeze %dma_wait3A_1432 : memref<1x96x12xf32, #tpu.memory_space<hbm>> -> memref<96x12xf32, #tpu.memory_space<hbm>>
        %dma_wait3A_1434 = arith.constant 0 : i32
        %dma_wait3A_1435 = arith.constant 0 : i32
        %dma_wait3A_1436 = tpu.memref_slice %arg6[%add3A, %dma_wait3A_1434, %dma_wait3A_1435] : memref<4x96x12xf32, #tpu.memory_space<hbm>> -> memref<1x96x12xf32, #tpu.memory_space<hbm>>
        %dma_wait3A_1437 = tpu.memref_squeeze %dma_wait3A_1436 : memref<1x96x12xf32, #tpu.memory_space<hbm>> -> memref<96x12xf32, #tpu.memory_space<hbm>>
        tpu.wait_dma2 semaphore(%run_scoped3A : memref<!tpu.dma_semaphore, #tpu.memory_space<semaphore_mem>>) src(%arg11 : memref<96x12xf32, #tpu.memory_space<vmem>>) dst(%dma_wait3A_1437 : memref<96x12xf32, #tpu.memory_space<hbm>>)
        tpu.yield
      }) : () -> ()
    } else {
    }
    return
  }
}

module attributes {stable_mosaic.version = 14 : i64} {
  func.func @_decode_body(%arg0: memref<340x64xf32, #tpu.memory_space<vmem>>, %arg1: memref<64x3072xf32, #tpu.memory_space<vmem>>, %arg2: memref<3072xf32, #tpu.memory_space<vmem>>, %arg3: memref<340x3072xf32, #tpu.memory_space<vmem>>) attributes {dimension_semantics = [], scalar_prefetch = 0 : i64, scratch_operands = 0 : i64, tpu.core_type = #tpu.core_type<tc>} {
    %get3A = arith.constant 0 : index
    %get3A_0 = arith.constant 0 : index
    %get3A_1 = vector.load %arg0[%get3A, %get3A_0] : memref<340x64xf32, #tpu.memory_space<vmem>>, vector<340x64xf32>
    %get3A_2 = arith.constant 0 : index
    %get3A_3 = arith.constant 0 : index
    %get3A_4 = vector.load %arg1[%get3A_2, %get3A_3] : memref<64x3072xf32, #tpu.memory_space<vmem>>, vector<64x3072xf32>
    %dot_general3A = arith.constant dense<0.000000e+00> : vector<340x3072xf32>
    %dot_general3A_5 = tpu.matmul %get3A_1, %get3A_4, %dot_general3A {dimension_numbers = #tpu.dot_dimension_numbers<[1], [0], [0], [1], [0, 0, 1, 1], [], []>, transpose_lhs_hint = false} : vector<340x64xf32>, vector<64x3072xf32>, vector<340x3072xf32> -> vector<340x3072xf32>
    %get3A_6 = arith.constant 0 : index
    %get3A_7 = vector.load %arg2[%get3A_6] : memref<3072xf32, #tpu.memory_space<vmem>>, vector<3072xf32>
    %broadcast_in_dim3A = vector.shape_cast %get3A_7 : vector<3072xf32> to vector<1x3072xf32>
    %add3A = vector.broadcast %broadcast_in_dim3A : vector<1x3072xf32> to vector<340x3072xf32>
    %add3A_8 = arith.addf %dot_general3A_5, %add3A : vector<340x3072xf32>
    %logistic3A = arith.negf %add3A_8 : vector<340x3072xf32>
    %logistic3A_9 = math.exp %logistic3A : vector<340x3072xf32>
    %logistic3A_10 = arith.constant 1.000000e+00 : f32
    %logistic3A_11 = vector.broadcast %logistic3A_10 : f32 to vector<340x3072xf32>
    %logistic3A_12 = arith.addf %logistic3A_11, %logistic3A_9 : vector<340x3072xf32>
    %logistic3A_13 = arith.divf %logistic3A_11, %logistic3A_12 : vector<340x3072xf32>
    %swap3A = arith.constant 0 : index
    %swap3A_14 = arith.constant 0 : index
    %swap3A_15 = vector.load %arg3[%swap3A, %swap3A_14] : memref<340x3072xf32, #tpu.memory_space<vmem>>, vector<340x3072xf32>
    tpu.vector_store %arg3[%swap3A, %swap3A_14], %logistic3A_13 {strides = array<i32>} : memref<340x3072xf32, #tpu.memory_space<vmem>>, vector<340x3072xf32>,
    return
  }
}

module attributes {stable_mosaic.version = 14 : i64} {
  func.func @_render_body(%arg0: i32, %arg1: memref<1x85x96x32xf32, #tpu.memory_space<vmem>>, %arg2: memref<4x96xi32, #tpu.memory_space<smem>>, %arg3: memref<1x96x12xf32, #tpu.memory_space<vmem>>, %arg4: memref<1x3x64x64xf32, #tpu.memory_space<vmem>>, %arg5: memref<3x64x128xf32, #tpu.memory_space<vmem>>, %arg6: memref<64x128xf32, #tpu.memory_space<vmem>>, %arg7: memref<1xi32, #tpu.memory_space<smem>>, %arg8: memref<96x128xf32, #tpu.memory_space<vmem>>, %arg9: memref<96x64xf32, #tpu.memory_space<vmem>>, %arg10: memref<96x64xf32, #tpu.memory_space<vmem>>) attributes {dimension_semantics = [#tpu.dimension_semantics<arbitrary>], iteration_bounds = array<i64: 4>, scalar_prefetch = 0 : i64, scratch_operands = 6 : i64, tpu.core_type = #tpu.core_type<tc>, window_params = [{transform_indices = @transform_0, window_bounds = array<i64: 1, 85, 96, 32>}, {transform_indices = @transform_1, window_bounds = array<i64: 4, 96>}, {transform_indices = @transform_2, window_bounds = array<i64: 1, 96, 12>}, {transform_indices = @transform_3, window_bounds = array<i64: 1, 3, 64, 64>}]} {
    %broadcast_in_dim3A = arith.constant 0.000000e+00 : f32
    %broadcast_in_dim3A_0 = vector.broadcast %broadcast_in_dim3A : f32 to vector<3x64x128xf32>
    %swap3A = arith.constant 0 : index
    %swap3A_1 = arith.constant 0 : index
    %swap3A_2 = arith.constant 0 : index
    %swap3A_3 = vector.load %arg5[%swap3A, %swap3A_1, %swap3A_2] : memref<3x64x128xf32, #tpu.memory_space<vmem>>, vector<3x64x128xf32>
    tpu.vector_store %arg5[%swap3A, %swap3A_1, %swap3A_2], %broadcast_in_dim3A_0 {strides = array<i32>} : memref<3x64x128xf32, #tpu.memory_space<vmem>>, vector<3x64x128xf32>,
    %broadcast_in_dim3A_4 = arith.constant 0x7F800000 : f32
    %broadcast_in_dim3A_5 = vector.broadcast %broadcast_in_dim3A_4 : f32 to vector<64x128xf32>
    %swap3A_6 = arith.constant 0 : index
    %swap3A_7 = arith.constant 0 : index
    %swap3A_8 = vector.load %arg6[%swap3A_6, %swap3A_7] : memref<64x128xf32, #tpu.memory_space<vmem>>, vector<64x128xf32>
    tpu.vector_store %arg6[%swap3A_6, %swap3A_7], %broadcast_in_dim3A_5 {strides = array<i32>} : memref<64x128xf32, #tpu.memory_space<vmem>>, vector<64x128xf32>,
    %swap3A_9 = arith.constant 0 : i32
    %swap3A_10 = arith.constant 0 : index
    %swap3A_11 = memref.load %arg7[%swap3A_10] : memref<1xi32, #tpu.memory_space<smem>>
    memref.store %swap3A_9, %arg7[%swap3A_10] : memref<1xi32, #tpu.memory_space<smem>>
    %get3A = arith.index_cast %arg0 : i32 to index
    %get3A_12 = arith.constant 88 : index
    %get3A_13 = memref.load %arg2[%get3A, %get3A_12] : memref<4x96xi32, #tpu.memory_space<smem>>
    %iota3A = tpu.iota {dimensions = array<i32: 1>} : vector<1x128xi32>
    %jit3A = arith.constant 64 : i32
    %eq3A = arith.constant 0 : i32
    %eq3A_14 = arith.cmpi eq, %jit3A, %eq3A : i32
    %jit3A_15 = arith.constant 1 : i32
    %select_n3A = arith.select %eq3A_14, %jit3A_15, %jit3A : i32
    %rem3A = vector.broadcast %select_n3A : i32 to vector<1x128xi32>
    %rem3A_16 = arith.remsi %iota3A, %rem3A : vector<1x128xi32>
    %ne3A = arith.constant 0 : i32
    %ne3A_17 = vector.broadcast %ne3A : i32 to vector<1x128xi32>
    %ne3A_18 = arith.cmpi ne, %rem3A_16, %ne3A_17 : vector<1x128xi32>
    %lt3A = arith.constant 0 : i32
    %lt3A_19 = vector.broadcast %lt3A : i32 to vector<1x128xi32>
    %lt3A_20 = arith.cmpi slt, %rem3A_16, %lt3A_19 : vector<1x128xi32>
    %lt3A_21 = arith.constant 0 : i32
    %lt3A_22 = arith.cmpi slt, %select_n3A, %lt3A_21 : i32
    %ne3A_23 = vector.broadcast %lt3A_22 : i1 to vector<1x128xi1>
    %ne3A_24 = vector.broadcast %ne3A_23 : vector<1x128xi1> to vector<1x128xi1>
    %ne3A_25 = arith.xori %lt3A_20, %ne3A_24 : vector<1x128xi1>
    %and3A = arith.andi %ne3A_25, %ne3A_18 : vector<1x128xi1>
    %add3A = vector.broadcast %select_n3A : i32 to vector<1x128xi32>
    %add3A_26 = arith.addi %rem3A_16, %add3A : vector<1x128xi32>
    %select_n3A_27 = arith.select %and3A, %add3A_26, %rem3A_16 : vector<1x128xi1>, vector<1x128xi32>
    %convert_element_type3A = arith.sitofp %select_n3A_27 : vector<1x128xi32> to vector<1x128xf32>
    %mul3A = arith.constant 0.0317460336 : f32
    %mul3A_28 = vector.broadcast %mul3A : f32 to vector<1x128xf32>
    %mul3A_29 = arith.mulf %convert_element_type3A, %mul3A_28 : vector<1x128xf32>
    %sub3A = arith.constant 1.000000e+00 : f32
    %sub3A_30 = vector.broadcast %sub3A : f32 to vector<1x128xf32>
    %sub3A_31 = arith.subf %mul3A_29, %sub3A_30 : vector<1x128xf32>
    %lt3A_32 = arith.constant 64 : i32
    %lt3A_33 = vector.broadcast %lt3A_32 : i32 to vector<1x128xi32>
    %lt3A_34 = arith.cmpi slt, %iota3A, %lt3A_33 : vector<1x128xi32>
    %iota3A_35 = tpu.iota {dimensions = array<i32: 1>} : vector<1x64xi32>
    %convert_element_type3A_36 = arith.sitofp %iota3A_35 : vector<1x64xi32> to vector<1x64xf32>
    %mul3A_37 = arith.constant 0.0317460336 : f32
    %mul3A_38 = vector.broadcast %mul3A_37 : f32 to vector<1x64xf32>
    %mul3A_39 = arith.mulf %convert_element_type3A_36, %mul3A_38 : vector<1x64xf32>
    %sub3A_40 = arith.constant 1.000000e+00 : f32
    %sub3A_41 = vector.broadcast %sub3A_40 : f32 to vector<1x64xf32>
    %sub3A_42 = arith.subf %mul3A_39, %sub3A_41 : vector<1x64xf32>
    %iota3A_43 = tpu.iota {dimensions = array<i32: 0>} : vector<32x1xi32>
    %convert_element_type3A_44 = arith.sitofp %iota3A_43 : vector<32x1xi32> to vector<32x1xf32>
    %iota3A_45 = tpu.iota {dimensions = array<i32: 0>} : vector<64x1xi32>
    %lt3A_46 = arith.constant 32 : i32
    %lt3A_47 = vector.broadcast %lt3A_46 : i32 to vector<64x1xi32>
    %lt3A_48 = arith.cmpi slt, %iota3A_45, %lt3A_47 : vector<64x1xi32>
    %jit3A_49 = arith.constant 32 : i32
    %eq3A_50 = arith.constant 0 : i32
    %eq3A_51 = arith.cmpi eq, %jit3A_49, %eq3A_50 : i32
    %jit3A_52 = arith.constant 1 : i32
    %select_n3A_53 = arith.select %eq3A_51, %jit3A_52, %jit3A_49 : i32
    %rem3A_54 = vector.broadcast %select_n3A_53 : i32 to vector<64x1xi32>
    %rem3A_55 = arith.remsi %iota3A_45, %rem3A_54 : vector<64x1xi32>
    %ne3A_56 = arith.constant 0 : i32
    %ne3A_57 = vector.broadcast %ne3A_56 : i32 to vector<64x1xi32>
    %ne3A_58 = arith.cmpi ne, %rem3A_55, %ne3A_57 : vector<64x1xi32>
    %lt3A_59 = arith.constant 0 : i32
    %lt3A_60 = vector.broadcast %lt3A_59 : i32 to vector<64x1xi32>
    %lt3A_61 = arith.cmpi slt, %rem3A_55, %lt3A_60 : vector<64x1xi32>
    %lt3A_62 = arith.constant 0 : i32
    %lt3A_63 = arith.cmpi slt, %select_n3A_53, %lt3A_62 : i32
    %ne3A_64 = vector.broadcast %lt3A_63 : i1 to vector<64x1xi1>
    %ne3A_65 = vector.broadcast %ne3A_64 : vector<64x1xi1> to vector<64x1xi1>
    %ne3A_66 = arith.xori %lt3A_61, %ne3A_65 : vector<64x1xi1>
    %and3A_67 = arith.andi %ne3A_66, %ne3A_58 : vector<64x1xi1>
    %add3A_68 = vector.broadcast %select_n3A_53 : i32 to vector<64x1xi32>
    %add3A_69 = arith.addi %rem3A_55, %add3A_68 : vector<64x1xi32>
    %select_n3A_70 = arith.select %and3A_67, %add3A_69, %rem3A_55 : vector<64x1xi1>, vector<64x1xi32>
    %convert_element_type3A_71 = arith.sitofp %select_n3A_70 : vector<64x1xi32> to vector<64x1xf32>
    %convert_element_type3A_72 = arith.extui %lt3A_34 : vector<1x128xi1> to vector<1x128xi32>
    %convert_element_type3A_73 = arith.sitofp %convert_element_type3A_72 : vector<1x128xi32> to vector<1x128xf32>
    %broadcast_in_dim3A_74 = arith.constant 1.000000e+00 : f32
    %broadcast_in_dim3A_75 = vector.broadcast %broadcast_in_dim3A_74 : f32 to vector<32x1xf32>
    %mul3A_76 = vector.broadcast %convert_element_type3A_73 : vector<1x128xf32> to vector<32x128xf32>
    %mul3A_77 = vector.broadcast %broadcast_in_dim3A_75 : vector<32x1xf32> to vector<32x128xf32>
    %mul3A_78 = arith.mulf %mul3A_76, %mul3A_77 : vector<32x128xf32>
    %sub3A_79 = arith.constant 1.000000e+00 : f32
    %sub3A_80 = vector.broadcast %sub3A_79 : f32 to vector<32x128xf32>
    %sub3A_81 = arith.subf %sub3A_80, %mul3A_78 : vector<32x128xf32>
    %broadcast_in_dim3A_82 = vector.shape_cast %lt3A_34 : vector<1x128xi1> to vector<1x128xi1>
    %broadcast_in_dim3A_83 = vector.broadcast %broadcast_in_dim3A_82 : vector<1x128xi1> to vector<64x128xi1>
    %get3A_84 = arith.constant 0 : index
    %get3A_85 = arith.constant 0 : index
    %get3A_86 = arith.constant 0 : index
    %get3A_87 = vector.load %arg3[%get3A_84, %get3A_85, %get3A_86] : memref<1x96x12xf32, #tpu.memory_space<vmem>>, vector<1x96x12xf32>
    %get3A_88 = vector.shape_cast %get3A_87 : vector<1x96x12xf32> to vector<96x12xf32>
    %slice3A = vector.extract_strided_slice %get3A_88 {offsets = [0, 0], sizes = [96, 1], strides = [1, 1]} : vector<96x12xf32> to vector<96x1xf32>
    %slice3A_89 = vector.extract_strided_slice %get3A_88 {offsets = [0, 1], sizes = [96, 1], strides = [1, 1]} : vector<96x12xf32> to vector<96x1xf32>
    %slice3A_90 = vector.extract_strided_slice %get3A_88 {offsets = [0, 2], sizes = [96, 1], strides = [1, 1]} : vector<96x12xf32> to vector<96x1xf32>
    %slice3A_91 = vector.extract_strided_slice %get3A_88 {offsets = [0, 3], sizes = [96, 1], strides = [1, 1]} : vector<96x12xf32> to vector<96x1xf32>
    %slice3A_92 = vector.extract_strided_slice %get3A_88 {offsets = [0, 4], sizes = [96, 1], strides = [1, 1]} : vector<96x12xf32> to vector<96x1xf32>
    %slice3A_93 = vector.extract_strided_slice %get3A_88 {offsets = [0, 5], sizes = [96, 1], strides = [1, 1]} : vector<96x12xf32> to vector<96x1xf32>
    %slice3A_94 = vector.extract_strided_slice %get3A_88 {offsets = [0, 6], sizes = [96, 1], strides = [1, 1]} : vector<96x12xf32> to vector<96x1xf32>
    %slice3A_95 = vector.extract_strided_slice %get3A_88 {offsets = [0, 7], sizes = [96, 1], strides = [1, 1]} : vector<96x12xf32> to vector<96x1xf32>
    %slice3A_96 = vector.extract_strided_slice %get3A_88 {offsets = [0, 8], sizes = [96, 1], strides = [1, 1]} : vector<96x12xf32> to vector<96x1xf32>
    %slice3A_97 = vector.extract_strided_slice %get3A_88 {offsets = [0, 9], sizes = [96, 1], strides = [1, 1]} : vector<96x12xf32> to vector<96x1xf32>
    %mul3A_98 = arith.constant 2.000000e+00 : f32
    %mul3A_99 = vector.broadcast %mul3A_98 : f32 to vector<96x1xf32>
    %mul3A_100 = arith.mulf %mul3A_99, %slice3A : vector<96x1xf32>
    %sub3A_101 = arith.constant 1.000000e+00 : f32
    %sub3A_102 = vector.broadcast %sub3A_101 : f32 to vector<96x1xf32>
    %sub3A_103 = arith.subf %mul3A_100, %sub3A_102 : vector<96x1xf32>
    %sub3A_104 = vector.broadcast %sub3A_31 : vector<1x128xf32> to vector<96x128xf32>
    %sub3A_105 = vector.broadcast %sub3A_103 : vector<96x1xf32> to vector<96x128xf32>
    %sub3A_106 = arith.subf %sub3A_104, %sub3A_105 : vector<96x128xf32>
    %mul3A_107 = vector.broadcast %slice3A_90 : vector<96x1xf32> to vector<96x128xf32>
    %mul3A_108 = arith.mulf %sub3A_106, %mul3A_107 : vector<96x128xf32>
    %add3A_109 = arith.constant 1.000000e+00 : f32
    %add3A_110 = vector.broadcast %add3A_109 : f32 to vector<96x128xf32>
    %add3A_111 = arith.addf %mul3A_108, %add3A_110 : vector<96x128xf32>
    %mul3A_112 = arith.constant 1.550000e+01 : f32
    %mul3A_113 = vector.broadcast %mul3A_112 : f32 to vector<96x128xf32>
    %mul3A_114 = arith.mulf %add3A_111, %mul3A_113 : vector<96x128xf32>
    %add3A_115 = vector.broadcast %slice3A_92 : vector<96x1xf32> to vector<96x128xf32>
    %add3A_116 = arith.addf %mul3A_114, %add3A_115 : vector<96x128xf32>
    %mul3A_117 = arith.constant 2.000000e+00 : f32
    %mul3A_118 = vector.broadcast %mul3A_117 : f32 to vector<96x1xf32>
    %mul3A_119 = arith.mulf %mul3A_118, %slice3A_93 : vector<96x1xf32>
    %sub3A_120 = arith.constant 1.000000e+00 : f32
    %sub3A_121 = vector.broadcast %sub3A_120 : f32 to vector<96x1xf32>
    %sub3A_122 = arith.subf %mul3A_119, %sub3A_121 : vector<96x1xf32>
    %sub3A_123 = vector.broadcast %sub3A_31 : vector<1x128xf32> to vector<96x128xf32>
    %sub3A_124 = vector.broadcast %sub3A_122 : vector<96x1xf32> to vector<96x128xf32>
    %sub3A_125 = arith.subf %sub3A_123, %sub3A_124 : vector<96x128xf32>
    %mul3A_126 = vector.broadcast %slice3A_95 : vector<96x1xf32> to vector<96x128xf32>
    %mul3A_127 = arith.mulf %sub3A_125, %mul3A_126 : vector<96x128xf32>
    %add3A_128 = arith.constant 1.000000e+00 : f32
    %add3A_129 = vector.broadcast %add3A_128 : f32 to vector<96x128xf32>
    %add3A_130 = arith.addf %mul3A_127, %add3A_129 : vector<96x128xf32>
    %mul3A_131 = arith.constant 1.550000e+01 : f32
    %mul3A_132 = vector.broadcast %mul3A_131 : f32 to vector<96x128xf32>
    %mul3A_133 = arith.mulf %add3A_130, %mul3A_132 : vector<96x128xf32>
    %add3A_134 = vector.broadcast %slice3A_97 : vector<96x1xf32> to vector<96x128xf32>
    %add3A_135 = arith.addf %mul3A_133, %add3A_134 : vector<96x128xf32>
    %broadcast_in_dim3A_136 = vector.shape_cast %lt3A_34 : vector<1x128xi1> to vector<1x128xi1>
    %broadcast_in_dim3A_137 = vector.broadcast %broadcast_in_dim3A_136 : vector<1x128xi1> to vector<96x128xi1>
    %select_n3A_138 = arith.select %broadcast_in_dim3A_137, %add3A_116, %add3A_135 : vector<96x128xi1>, vector<96x128xf32>
    %swap3A_139 = arith.constant 0 : index
    %swap3A_140 = arith.constant 0 : index
    %swap3A_141 = vector.load %arg8[%swap3A_139, %swap3A_140] : memref<96x128xf32, #tpu.memory_space<vmem>>, vector<96x128xf32>
    tpu.vector_store %arg8[%swap3A_139, %swap3A_140], %select_n3A_138 {strides = array<i32>} : memref<96x128xf32, #tpu.memory_space<vmem>>, vector<96x128xf32>,
    %mul3A_142 = arith.constant 2.000000e+00 : f32
    %mul3A_143 = vector.broadcast %mul3A_142 : f32 to vector<96x1xf32>
    %mul3A_144 = arith.mulf %mul3A_143, %slice3A_89 : vector<96x1xf32>
    %sub3A_145 = arith.constant 1.000000e+00 : f32
    %sub3A_146 = vector.broadcast %sub3A_145 : f32 to vector<96x1xf32>
    %sub3A_147 = arith.subf %mul3A_144, %sub3A_146 : vector<96x1xf32>
    %sub3A_148 = vector.broadcast %sub3A_42 : vector<1x64xf32> to vector<96x64xf32>
    %sub3A_149 = vector.broadcast %sub3A_147 : vector<96x1xf32> to vector<96x64xf32>
    %sub3A_150 = arith.subf %sub3A_148, %sub3A_149 : vector<96x64xf32>
    %mul3A_151 = vector.broadcast %slice3A_91 : vector<96x1xf32> to vector<96x64xf32>
    %mul3A_152 = arith.mulf %sub3A_150, %mul3A_151 : vector<96x64xf32>
    %add3A_153 = arith.constant 1.000000e+00 : f32
    %add3A_154 = vector.broadcast %add3A_153 : f32 to vector<96x64xf32>
    %add3A_155 = arith.addf %mul3A_152, %add3A_154 : vector<96x64xf32>
    %mul3A_156 = arith.constant 1.550000e+01 : f32
    %mul3A_157 = vector.broadcast %mul3A_156 : f32 to vector<96x64xf32>
    %mul3A_158 = arith.mulf %add3A_155, %mul3A_157 : vector<96x64xf32>
    %add3A_159 = vector.broadcast %slice3A_92 : vector<96x1xf32> to vector<96x64xf32>
    %add3A_160 = arith.addf %mul3A_158, %add3A_159 : vector<96x64xf32>
    %swap3A_161 = arith.constant 0 : index
    %swap3A_162 = arith.constant 0 : index
    %swap3A_163 = vector.load %arg9[%swap3A_161, %swap3A_162] : memref<96x64xf32, #tpu.memory_space<vmem>>, vector<96x64xf32>
    tpu.vector_store %arg9[%swap3A_161, %swap3A_162], %add3A_160 {strides = array<i32>} : memref<96x64xf32, #tpu.memory_space<vmem>>, vector<96x64xf32>,
    %mul3A_164 = arith.constant 2.000000e+00 : f32
    %mul3A_165 = vector.broadcast %mul3A_164 : f32 to vector<96x1xf32>
    %mul3A_166 = arith.mulf %mul3A_165, %slice3A_94 : vector<96x1xf32>
    %sub3A_167 = arith.constant 1.000000e+00 : f32
    %sub3A_168 = vector.broadcast %sub3A_167 : f32 to vector<96x1xf32>
    %sub3A_169 = arith.subf %mul3A_166, %sub3A_168 : vector<96x1xf32>
    %sub3A_170 = vector.broadcast %sub3A_42 : vector<1x64xf32> to vector<96x64xf32>
    %sub3A_171 = vector.broadcast %sub3A_169 : vector<96x1xf32> to vector<96x64xf32>
    %sub3A_172 = arith.subf %sub3A_170, %sub3A_171 : vector<96x64xf32>
    %mul3A_173 = vector.broadcast %slice3A_96 : vector<96x1xf32> to vector<96x64xf32>
    %mul3A_174 = arith.mulf %sub3A_172, %mul3A_173 : vector<96x64xf32>
    %add3A_175 = arith.constant 1.000000e+00 : f32
    %add3A_176 = vector.broadcast %add3A_175 : f32 to vector<96x64xf32>
    %add3A_177 = arith.addf %mul3A_174, %add3A_176 : vector<96x64xf32>
    %mul3A_178 = arith.constant 1.550000e+01 : f32
    %mul3A_179 = vector.broadcast %mul3A_178 : f32 to vector<96x64xf32>
    %mul3A_180 = arith.mulf %add3A_177, %mul3A_179 : vector<96x64xf32>
    %add3A_181 = vector.broadcast %slice3A_97 : vector<96x1xf32> to vector<96x64xf32>
    %add3A_182 = arith.addf %mul3A_180, %add3A_181 : vector<96x64xf32>
    %swap3A_183 = arith.constant 0 : index
    %swap3A_184 = arith.constant 0 : index
    %swap3A_185 = vector.load %arg10[%swap3A_183, %swap3A_184] : memref<96x64xf32, #tpu.memory_space<vmem>>, vector<96x64xf32>
    tpu.vector_store %arg10[%swap3A_183, %swap3A_184], %add3A_182 {strides = array<i32>} : memref<96x64xf32, #tpu.memory_space<vmem>>, vector<96x64xf32>,
    %scan3A = arith.constant 0 : i32
    %scan3A_186 = arith.constant 11 : i32
    %scan3A_187 = arith.addi %scan3A, %scan3A_186 : i32
    %scan3A_188 = arith.constant 1 : i32
    scf.for %scan3A_241 = %scan3A to %scan3A_187 step %scan3A_188  : i32 {
      %mul3A_242 = arith.constant 8 : i32
      %mul3A_243 = arith.muli %scan3A_241, %mul3A_242 : i32
      %lt3A_244 = arith.cmpi slt, %mul3A_243, %get3A_13 : i32
      %get3A_245 = arith.constant 0 : index
      %get3A_246 = memref.load %arg7[%get3A_245] : memref<1xi32, #tpu.memory_space<smem>>
      %eq3A_247 = arith.constant 0 : i32
      %eq3A_248 = arith.cmpi eq, %get3A_246, %eq3A_247 : i32
      %and3A_249 = arith.andi %lt3A_244, %eq3A_248 : i1
      %convert_element_type3A_250 = arith.extui %and3A_249 : i1 to i32
      %cond3A = arith.constant 0 : i32
      %cond3A_251 = arith.cmpi ne, %convert_element_type3A_250, %cond3A : i32
      scf.if %cond3A_251 {
        %get3A_252 = arith.constant 0 : index
        %get3A_253 = arith.constant 0 : index
        %get3A_254 = vector.load %arg6[%get3A_252, %get3A_253] : memref<64x128xf32, #tpu.memory_space<vmem>>, vector<64x128xf32>
        %get3A_255 = arith.constant 0 : index
        %get3A_256 = arith.constant 0 : index
        %get3A_257 = arith.constant 0 : index
        %get3A_258 = vector.load %arg5[%get3A_255, %get3A_256, %get3A_257] : memref<3x64x128xf32, #tpu.memory_space<vmem>>, vector<1x64x128xf32>
        %get3A_259 = vector.shape_cast %get3A_258 : vector<1x64x128xf32> to vector<64x128xf32>
        %get3A_260 = arith.constant 1 : index
        %get3A_261 = arith.constant 0 : index
        %get3A_262 = arith.constant 0 : index
        %get3A_263 = vector.load %arg5[%get3A_260, %get3A_261, %get3A_262] : memref<3x64x128xf32, #tpu.memory_space<vmem>>, vector<1x64x128xf32>
        %get3A_264 = vector.shape_cast %get3A_263 : vector<1x64x128xf32> to vector<64x128xf32>
        %get3A_265 = arith.constant 2 : index
        %get3A_266 = arith.constant 0 : index
        %get3A_267 = arith.constant 0 : index
        %get3A_268 = vector.load %arg5[%get3A_265, %get3A_266, %get3A_267] : memref<3x64x128xf32, #tpu.memory_space<vmem>>, vector<1x64x128xf32>
        %get3A_269 = vector.shape_cast %get3A_268 : vector<1x64x128xf32> to vector<64x128xf32>
        %mul3A_270 = arith.constant 8 : i32
        %mul3A_271 = arith.muli %scan3A_241, %mul3A_270 : i32
        %add3A_272 = arith.constant 0 : i32
        %add3A_273 = arith.addi %mul3A_271, %add3A_272 : i32
        %get3A_274 = arith.index_cast %arg0 : i32 to index
        %get3A_275 = arith.index_cast %add3A_273 : i32 to index
        %get3A_276 = memref.load %arg2[%get3A_274, %get3A_275] : memref<4x96xi32, #tpu.memory_space<smem>>
        %get3A_277 = arith.index_cast %add3A_273 : i32 to index
        %get3A_278 = arith.constant 0 : index
        %get3A_279 = vector.load %arg8[%get3A_277, %get3A_278] : memref<96x128xf32, #tpu.memory_space<vmem>>, vector<1x128xf32>
        %sub3A_280 = vector.broadcast %get3A_279 : vector<1x128xf32> to vector<32x128xf32>
        %sub3A_281 = vector.broadcast %convert_element_type3A_44 : vector<32x1xf32> to vector<32x128xf32>
        %sub3A_282 = arith.subf %sub3A_280, %sub3A_281 : vector<32x128xf32>
        %abs3A = math.absf %sub3A_282 : vector<32x128xf32>
        %sub3A_283 = arith.constant 1.000000e+00 : f32
        %sub3A_284 = vector.broadcast %sub3A_283 : f32 to vector<32x128xf32>
        %sub3A_285 = arith.subf %sub3A_284, %abs3A : vector<32x128xf32>
        %max3A = arith.constant 0.000000e+00 : f32
        %max3A_286 = vector.broadcast %max3A : f32 to vector<32x128xf32>
        %max3A_287 = arith.maximumf %max3A_286, %sub3A_285 : vector<32x128xf32>
        %get3A_288 = arith.index_cast %add3A_273 : i32 to index
        %get3A_289 = arith.constant 0 : index
        %get3A_290 = vector.load %arg9[%get3A_288, %get3A_289] : memref<96x64xf32, #tpu.memory_space<vmem>>, vector<1x64xf32>
        %get3A_291 = arith.index_cast %add3A_273 : i32 to index
        %get3A_292 = arith.constant 0 : index
        %get3A_293 = vector.load %arg10[%get3A_291, %get3A_292] : memref<96x64xf32, #tpu.memory_space<vmem>>, vector<1x64xf32>
        %broadcast_in_dim3A_294 = vector.shape_cast %lt3A_48 : vector<64x1xi1> to vector<64x1xi1>
        %broadcast_in_dim3A_295 = vector.broadcast %broadcast_in_dim3A_294 : vector<64x1xi1> to vector<64x64xi1>
        %broadcast_in_dim3A_296 = vector.shape_cast %get3A_290 : vector<1x64xf32> to vector<1x64xf32>
        %broadcast_in_dim3A_297 = vector.broadcast %broadcast_in_dim3A_296 : vector<1x64xf32> to vector<64x64xf32>
        %broadcast_in_dim3A_298 = vector.shape_cast %get3A_293 : vector<1x64xf32> to vector<1x64xf32>
        %broadcast_in_dim3A_299 = vector.broadcast %broadcast_in_dim3A_298 : vector<1x64xf32> to vector<64x64xf32>
        %select_n3A_300 = arith.select %broadcast_in_dim3A_295, %broadcast_in_dim3A_297, %broadcast_in_dim3A_299 : vector<64x64xi1>, vector<64x64xf32>
        %sub3A_301 = vector.broadcast %convert_element_type3A_71 : vector<64x1xf32> to vector<64x64xf32>
        %sub3A_302 = arith.subf %select_n3A_300, %sub3A_301 : vector<64x64xf32>
        %abs3A_303 = math.absf %sub3A_302 : vector<64x64xf32>
        %sub3A_304 = arith.constant 1.000000e+00 : f32
        %sub3A_305 = vector.broadcast %sub3A_304 : f32 to vector<64x64xf32>
        %sub3A_306 = arith.subf %sub3A_305, %abs3A_303 : vector<64x64xf32>
        %max3A_307 = arith.constant 0.000000e+00 : f32
        %max3A_308 = vector.broadcast %max3A_307 : f32 to vector<64x64xf32>
        %max3A_309 = arith.maximumf %max3A_308, %sub3A_306 : vector<64x64xf32>
        %get3A_310 = arith.constant 0 : index
        %get3A_311 = arith.index_cast %get3A_276 : i32 to index
        %get3A_312 = arith.constant 0 : index
        %get3A_313 = arith.constant 0 : index
        %get3A_314 = vector.load %arg1[%get3A_310, %get3A_311, %get3A_312, %get3A_313] : memref<1x85x96x32xf32, #tpu.memory_space<vmem>>, vector<1x1x96x32xf32>
        %get3A_315 = vector.shape_cast %get3A_314 : vector<1x1x96x32xf32> to vector<96x32xf32>
        %dot_general3A = arith.constant dense<0.000000e+00> : vector<96x128xf32>
        %dot_general3A_316 = tpu.matmul %get3A_315, %max3A_287, %dot_general3A {dimension_numbers = #tpu.dot_dimension_numbers<[1], [0], [0], [1], [0, 0, 1, 1], [], []>, transpose_lhs_hint = false} : vector<96x32xf32>, vector<32x128xf32>, vector<96x128xf32> -> vector<96x128xf32>
        %slice3A_317 = vector.extract_strided_slice %dot_general3A_316 {offsets = [0, 0], sizes = [32, 128], strides = [1, 1]} : vector<96x128xf32> to vector<32x128xf32>
        %mul3A_318 = arith.mulf %slice3A_317, %mul3A_78 : vector<32x128xf32>
        %mul3A_319 = arith.mulf %slice3A_317, %sub3A_81 : vector<32x128xf32>
        %concatenate3A = tpu.concatenate %mul3A_318, %mul3A_319 in 0 : vector<32x128xf32>, vector<32x128xf32> -> vector<64x128xf32>
        %dot_general3A_320 = arith.constant dense<0.000000e+00> : vector<64x128xf32>
        %dot_general3A_321 = tpu.matmul %max3A_309, %concatenate3A, %dot_general3A_320 {dimension_numbers = #tpu.dot_dimension_numbers<[0], [0], [1], [1], [0, 1, 1, 1], [], []>, transpose_lhs_hint = false} : vector<64x64xf32>, vector<64x128xf32>, vector<64x128xf32> -> vector<64x128xf32>
        %slice3A_322 = vector.extract_strided_slice %dot_general3A_316 {offsets = [32, 0], sizes = [32, 128], strides = [1, 1]} : vector<96x128xf32> to vector<32x128xf32>
        %mul3A_323 = arith.mulf %slice3A_322, %mul3A_78 : vector<32x128xf32>
        %mul3A_324 = arith.mulf %slice3A_322, %sub3A_81 : vector<32x128xf32>
        %concatenate3A_325 = tpu.concatenate %mul3A_323, %mul3A_324 in 0 : vector<32x128xf32>, vector<32x128xf32> -> vector<64x128xf32>
        %dot_general3A_326 = arith.constant dense<0.000000e+00> : vector<64x128xf32>
        %dot_general3A_327 = tpu.matmul %max3A_309, %concatenate3A_325, %dot_general3A_326 {dimension_numbers = #tpu.dot_dimension_numbers<[0], [0], [1], [1], [0, 1, 1, 1], [], []>, transpose_lhs_hint = false} : vector<64x64xf32>, vector<64x128xf32>, vector<64x128xf32> -> vector<64x128xf32>
        %slice3A_328 = vector.extract_strided_slice %dot_general3A_316 {offsets = [64, 0], sizes = [32, 128], strides = [1, 1]} : vector<96x128xf32> to vector<32x128xf32>
        %mul3A_329 = arith.mulf %slice3A_328, %mul3A_78 : vector<32x128xf32>
        %mul3A_330 = arith.mulf %slice3A_328, %sub3A_81 : vector<32x128xf32>
        %concatenate3A_331 = tpu.concatenate %mul3A_329, %mul3A_330 in 0 : vector<32x128xf32>, vector<32x128xf32> -> vector<64x128xf32>
        %dot_general3A_332 = arith.constant dense<0.000000e+00> : vector<64x128xf32>
        %dot_general3A_333 = tpu.matmul %max3A_309, %concatenate3A_331, %dot_general3A_332 {dimension_numbers = #tpu.dot_dimension_numbers<[0], [0], [1], [1], [0, 1, 1, 1], [], []>, transpose_lhs_hint = false} : vector<64x64xf32>, vector<64x128xf32>, vector<64x128xf32> -> vector<64x128xf32>
        %ne3A_334 = arith.constant 0.000000e+00 : f32
        %ne3A_335 = vector.broadcast %ne3A_334 : f32 to vector<64x128xf32>
        %ne3A_336 = arith.cmpf one, %dot_general3A_321, %ne3A_335 : vector<64x128xf32>
        %eq3A_337 = arith.constant 0x7F800000 : f32
        %eq3A_338 = vector.broadcast %eq3A_337 : f32 to vector<64x128xf32>
        %eq3A_339 = arith.cmpf oeq, %get3A_254, %eq3A_338 : vector<64x128xf32>
        %and3A_340 = arith.andi %ne3A_336, %eq3A_339 : vector<64x128xi1>
        %select_n3A_341 = arith.select %and3A_340, %dot_general3A_321, %get3A_259 : vector<64x128xi1>, vector<64x128xf32>
        %select_n3A_342 = arith.select %and3A_340, %dot_general3A_327, %get3A_264 : vector<64x128xi1>, vector<64x128xf32>
        %select_n3A_343 = arith.select %and3A_340, %dot_general3A_333, %get3A_269 : vector<64x128xi1>, vector<64x128xf32>
        %convert_element_type3A_344 = arith.sitofp %add3A_273 : i32 to f32
        %broadcast_in_dim3A_345 = vector.broadcast %convert_element_type3A_344 : f32 to vector<64x128xf32>
        %select_n3A_346 = arith.select %and3A_340, %broadcast_in_dim3A_345, %get3A_254 : vector<64x128xi1>, vector<64x128xf32>
        %mul3A_347 = arith.constant 8 : i32
        %mul3A_348 = arith.muli %scan3A_241, %mul3A_347 : i32
        %add3A_349 = arith.constant 1 : i32
        %add3A_350 = arith.addi %mul3A_348, %add3A_349 : i32
        %get3A_351 = arith.index_cast %arg0 : i32 to index
        %get3A_352 = arith.index_cast %add3A_350 : i32 to index
        %get3A_353 = memref.load %arg2[%get3A_351, %get3A_352] : memref<4x96xi32, #tpu.memory_space<smem>>
        %get3A_354 = arith.index_cast %add3A_350 : i32 to index
        %get3A_355 = arith.constant 0 : index
        %get3A_356 = vector.load %arg8[%get3A_354, %get3A_355] : memref<96x128xf32, #tpu.memory_space<vmem>>, vector<1x128xf32>
        %sub3A_357 = vector.broadcast %get3A_356 : vector<1x128xf32> to vector<32x128xf32>
        %sub3A_358 = vector.broadcast %convert_element_type3A_44 : vector<32x1xf32> to vector<32x128xf32>
        %sub3A_359 = arith.subf %sub3A_357, %sub3A_358 : vector<32x128xf32>
        %abs3A_360 = math.absf %sub3A_359 : vector<32x128xf32>
        %sub3A_361 = arith.constant 1.000000e+00 : f32
        %sub3A_362 = vector.broadcast %sub3A_361 : f32 to vector<32x128xf32>
        %sub3A_363 = arith.subf %sub3A_362, %abs3A_360 : vector<32x128xf32>
        %max3A_364 = arith.constant 0.000000e+00 : f32
        %max3A_365 = vector.broadcast %max3A_364 : f32 to vector<32x128xf32>
        %max3A_366 = arith.maximumf %max3A_365, %sub3A_363 : vector<32x128xf32>
        %get3A_367 = arith.index_cast %add3A_350 : i32 to index
        %get3A_368 = arith.constant 0 : index
        %get3A_369 = vector.load %arg9[%get3A_367, %get3A_368] : memref<96x64xf32, #tpu.memory_space<vmem>>, vector<1x64xf32>
        %get3A_370 = arith.index_cast %add3A_350 : i32 to index
        %get3A_371 = arith.constant 0 : index
        %get3A_372 = vector.load %arg10[%get3A_370, %get3A_371] : memref<96x64xf32, #tpu.memory_space<vmem>>, vector<1x64xf32>
        %broadcast_in_dim3A_373 = vector.shape_cast %lt3A_48 : vector<64x1xi1> to vector<64x1xi1>
        %broadcast_in_dim3A_374 = vector.broadcast %broadcast_in_dim3A_373 : vector<64x1xi1> to vector<64x64xi1>
        %broadcast_in_dim3A_375 = vector.shape_cast %get3A_369 : vector<1x64xf32> to vector<1x64xf32>
        %broadcast_in_dim3A_376 = vector.broadcast %broadcast_in_dim3A_375 : vector<1x64xf32> to vector<64x64xf32>
        %broadcast_in_dim3A_377 = vector.shape_cast %get3A_372 : vector<1x64xf32> to vector<1x64xf32>
        %broadcast_in_dim3A_378 = vector.broadcast %broadcast_in_dim3A_377 : vector<1x64xf32> to vector<64x64xf32>
        %select_n3A_379 = arith.select %broadcast_in_dim3A_374, %broadcast_in_dim3A_376, %broadcast_in_dim3A_378 : vector<64x64xi1>, vector<64x64xf32>
        %sub3A_380 = vector.broadcast %convert_element_type3A_71 : vector<64x1xf32> to vector<64x64xf32>
        %sub3A_381 = arith.subf %select_n3A_379, %sub3A_380 : vector<64x64xf32>
        %abs3A_382 = math.absf %sub3A_381 : vector<64x64xf32>
        %sub3A_383 = arith.constant 1.000000e+00 : f32
        %sub3A_384 = vector.broadcast %sub3A_383 : f32 to vector<64x64xf32>
        %sub3A_385 = arith.subf %sub3A_384, %abs3A_382 : vector<64x64xf32>
        %max3A_386 = arith.constant 0.000000e+00 : f32
        %max3A_387 = vector.broadcast %max3A_386 : f32 to vector<64x64xf32>
        %max3A_388 = arith.maximumf %max3A_387, %sub3A_385 : vector<64x64xf32>
        %get3A_389 = arith.constant 0 : index
        %get3A_390 = arith.index_cast %get3A_353 : i32 to index
        %get3A_391 = arith.constant 0 : index
        %get3A_392 = arith.constant 0 : index
        %get3A_393 = vector.load %arg1[%get3A_389, %get3A_390, %get3A_391, %get3A_392] : memref<1x85x96x32xf32, #tpu.memory_space<vmem>>, vector<1x1x96x32xf32>
        %get3A_394 = vector.shape_cast %get3A_393 : vector<1x1x96x32xf32> to vector<96x32xf32>
        %dot_general3A_395 = arith.constant dense<0.000000e+00> : vector<96x128xf32>
        %dot_general3A_396 = tpu.matmul %get3A_394, %max3A_366, %dot_general3A_395 {dimension_numbers = #tpu.dot_dimension_numbers<[1], [0], [0], [1], [0, 0, 1, 1], [], []>, transpose_lhs_hint = false} : vector<96x32xf32>, vector<32x128xf32>, vector<96x128xf32> -> vector<96x128xf32>
        %slice3A_397 = vector.extract_strided_slice %dot_general3A_396 {offsets = [0, 0], sizes = [32, 128], strides = [1, 1]} : vector<96x128xf32> to vector<32x128xf32>
        %mul3A_398 = arith.mulf %slice3A_397, %mul3A_78 : vector<32x128xf32>
        %mul3A_399 = arith.mulf %slice3A_397, %sub3A_81 : vector<32x128xf32>
        %concatenate3A_400 = tpu.concatenate %mul3A_398, %mul3A_399 in 0 : vector<32x128xf32>, vector<32x128xf32> -> vector<64x128xf32>
        %dot_general3A_401 = arith.constant dense<0.000000e+00> : vector<64x128xf32>
        %dot_general3A_402 = tpu.matmul %max3A_388, %concatenate3A_400, %dot_general3A_401 {dimension_numbers = #tpu.dot_dimension_numbers<[0], [0], [1], [1], [0, 1, 1, 1], [], []>, transpose_lhs_hint = false} : vector<64x64xf32>, vector<64x128xf32>, vector<64x128xf32> -> vector<64x128xf32>
        %slice3A_403 = vector.extract_strided_slice %dot_general3A_396 {offsets = [32, 0], sizes = [32, 128], strides = [1, 1]} : vector<96x128xf32> to vector<32x128xf32>
        %mul3A_404 = arith.mulf %slice3A_403, %mul3A_78 : vector<32x128xf32>
        %mul3A_405 = arith.mulf %slice3A_403, %sub3A_81 : vector<32x128xf32>
        %concatenate3A_406 = tpu.concatenate %mul3A_404, %mul3A_405 in 0 : vector<32x128xf32>, vector<32x128xf32> -> vector<64x128xf32>
        %dot_general3A_407 = arith.constant dense<0.000000e+00> : vector<64x128xf32>
        %dot_general3A_408 = tpu.matmul %max3A_388, %concatenate3A_406, %dot_general3A_407 {dimension_numbers = #tpu.dot_dimension_numbers<[0], [0], [1], [1], [0, 1, 1, 1], [], []>, transpose_lhs_hint = false} : vector<64x64xf32>, vector<64x128xf32>, vector<64x128xf32> -> vector<64x128xf32>
        %slice3A_409 = vector.extract_strided_slice %dot_general3A_396 {offsets = [64, 0], sizes = [32, 128], strides = [1, 1]} : vector<96x128xf32> to vector<32x128xf32>
        %mul3A_410 = arith.mulf %slice3A_409, %mul3A_78 : vector<32x128xf32>
        %mul3A_411 = arith.mulf %slice3A_409, %sub3A_81 : vector<32x128xf32>
        %concatenate3A_412 = tpu.concatenate %mul3A_410, %mul3A_411 in 0 : vector<32x128xf32>, vector<32x128xf32> -> vector<64x128xf32>
        %dot_general3A_413 = arith.constant dense<0.000000e+00> : vector<64x128xf32>
        %dot_general3A_414 = tpu.matmul %max3A_388, %concatenate3A_412, %dot_general3A_413 {dimension_numbers = #tpu.dot_dimension_numbers<[0], [0], [1], [1], [0, 1, 1, 1], [], []>, transpose_lhs_hint = false} : vector<64x64xf32>, vector<64x128xf32>, vector<64x128xf32> -> vector<64x128xf32>
        %ne3A_415 = arith.constant 0.000000e+00 : f32
        %ne3A_416 = vector.broadcast %ne3A_415 : f32 to vector<64x128xf32>
        %ne3A_417 = arith.cmpf one, %dot_general3A_402, %ne3A_416 : vector<64x128xf32>
        %eq3A_418 = arith.constant 0x7F800000 : f32
        %eq3A_419 = vector.broadcast %eq3A_418 : f32 to vector<64x128xf32>
        %eq3A_420 = arith.cmpf oeq, %select_n3A_346, %eq3A_419 : vector<64x128xf32>
        %and3A_421 = arith.andi %ne3A_417, %eq3A_420 : vector<64x128xi1>
        %select_n3A_422 = arith.select %and3A_421, %dot_general3A_402, %select_n3A_341 : vector<64x128xi1>, vector<64x128xf32>
        %select_n3A_423 = arith.select %and3A_421, %dot_general3A_408, %select_n3A_342 : vector<64x128xi1>, vector<64x128xf32>
        %select_n3A_424 = arith.select %and3A_421, %dot_general3A_414, %select_n3A_343 : vector<64x128xi1>, vector<64x128xf32>
        %convert_element_type3A_425 = arith.sitofp %add3A_350 : i32 to f32
        %broadcast_in_dim3A_426 = vector.broadcast %convert_element_type3A_425 : f32 to vector<64x128xf32>
        %select_n3A_427 = arith.select %and3A_421, %broadcast_in_dim3A_426, %select_n3A_346 : vector<64x128xi1>, vector<64x128xf32>
        %mul3A_428 = arith.constant 8 : i32
        %mul3A_429 = arith.muli %scan3A_241, %mul3A_428 : i32
        %add3A_430 = arith.constant 2 : i32
        %add3A_431 = arith.addi %mul3A_429, %add3A_430 : i32
        %get3A_432 = arith.index_cast %arg0 : i32 to index
        %get3A_433 = arith.index_cast %add3A_431 : i32 to index
        %get3A_434 = memref.load %arg2[%get3A_432, %get3A_433] : memref<4x96xi32, #tpu.memory_space<smem>>
        %get3A_435 = arith.index_cast %add3A_431 : i32 to index
        %get3A_436 = arith.constant 0 : index
        %get3A_437 = vector.load %arg8[%get3A_435, %get3A_436] : memref<96x128xf32, #tpu.memory_space<vmem>>, vector<1x128xf32>
        %sub3A_438 = vector.broadcast %get3A_437 : vector<1x128xf32> to vector<32x128xf32>
        %sub3A_439 = vector.broadcast %convert_element_type3A_44 : vector<32x1xf32> to vector<32x128xf32>
        %sub3A_440 = arith.subf %sub3A_438, %sub3A_439 : vector<32x128xf32>
        %abs3A_441 = math.absf %sub3A_440 : vector<32x128xf32>
        %sub3A_442 = arith.constant 1.000000e+00 : f32
        %sub3A_443 = vector.broadcast %sub3A_442 : f32 to vector<32x128xf32>
        %sub3A_444 = arith.subf %sub3A_443, %abs3A_441 : vector<32x128xf32>
        %max3A_445 = arith.constant 0.000000e+00 : f32
        %max3A_446 = vector.broadcast %max3A_445 : f32 to vector<32x128xf32>
        %max3A_447 = arith.maximumf %max3A_446, %sub3A_444 : vector<32x128xf32>
        %get3A_448 = arith.index_cast %add3A_431 : i32 to index
        %get3A_449 = arith.constant 0 : index
        %get3A_450 = vector.load %arg9[%get3A_448, %get3A_449] : memref<96x64xf32, #tpu.memory_space<vmem>>, vector<1x64xf32>
        %get3A_451 = arith.index_cast %add3A_431 : i32 to index
        %get3A_452 = arith.constant 0 : index
        %get3A_453 = vector.load %arg10[%get3A_451, %get3A_452] : memref<96x64xf32, #tpu.memory_space<vmem>>, vector<1x64xf32>
        %broadcast_in_dim3A_454 = vector.shape_cast %lt3A_48 : vector<64x1xi1> to vector<64x1xi1>
        %broadcast_in_dim3A_455 = vector.broadcast %broadcast_in_dim3A_454 : vector<64x1xi1> to vector<64x64xi1>
        %broadcast_in_dim3A_456 = vector.shape_cast %get3A_450 : vector<1x64xf32> to vector<1x64xf32>
        %broadcast_in_dim3A_457 = vector.broadcast %broadcast_in_dim3A_456 : vector<1x64xf32> to vector<64x64xf32>
        %broadcast_in_dim3A_458 = vector.shape_cast %get3A_453 : vector<1x64xf32> to vector<1x64xf32>
        %broadcast_in_dim3A_459 = vector.broadcast %broadcast_in_dim3A_458 : vector<1x64xf32> to vector<64x64xf32>
        %select_n3A_460 = arith.select %broadcast_in_dim3A_455, %broadcast_in_dim3A_457, %broadcast_in_dim3A_459 : vector<64x64xi1>, vector<64x64xf32>
        %sub3A_461 = vector.broadcast %convert_element_type3A_71 : vector<64x1xf32> to vector<64x64xf32>
        %sub3A_462 = arith.subf %select_n3A_460, %sub3A_461 : vector<64x64xf32>
        %abs3A_463 = math.absf %sub3A_462 : vector<64x64xf32>
        %sub3A_464 = arith.constant 1.000000e+00 : f32
        %sub3A_465 = vector.broadcast %sub3A_464 : f32 to vector<64x64xf32>
        %sub3A_466 = arith.subf %sub3A_465, %abs3A_463 : vector<64x64xf32>
        %max3A_467 = arith.constant 0.000000e+00 : f32
        %max3A_468 = vector.broadcast %max3A_467 : f32 to vector<64x64xf32>
        %max3A_469 = arith.maximumf %max3A_468, %sub3A_466 : vector<64x64xf32>
        %get3A_470 = arith.constant 0 : index
        %get3A_471 = arith.index_cast %get3A_434 : i32 to index
        %get3A_472 = arith.constant 0 : index
        %get3A_473 = arith.constant 0 : index
        %get3A_474 = vector.load %arg1[%get3A_470, %get3A_471, %get3A_472, %get3A_473] : memref<1x85x96x32xf32, #tpu.memory_space<vmem>>, vector<1x1x96x32xf32>
        %get3A_475 = vector.shape_cast %get3A_474 : vector<1x1x96x32xf32> to vector<96x32xf32>
        %dot_general3A_476 = arith.constant dense<0.000000e+00> : vector<96x128xf32>
        %dot_general3A_477 = tpu.matmul %get3A_475, %max3A_447, %dot_general3A_476 {dimension_numbers = #tpu.dot_dimension_numbers<[1], [0], [0], [1], [0, 0, 1, 1], [], []>, transpose_lhs_hint = false} : vector<96x32xf32>, vector<32x128xf32>, vector<96x128xf32> -> vector<96x128xf32>
        %slice3A_478 = vector.extract_strided_slice %dot_general3A_477 {offsets = [0, 0], sizes = [32, 128], strides = [1, 1]} : vector<96x128xf32> to vector<32x128xf32>
        %mul3A_479 = arith.mulf %slice3A_478, %mul3A_78 : vector<32x128xf32>
        %mul3A_480 = arith.mulf %slice3A_478, %sub3A_81 : vector<32x128xf32>
        %concatenate3A_481 = tpu.concatenate %mul3A_479, %mul3A_480 in 0 : vector<32x128xf32>, vector<32x128xf32> -> vector<64x128xf32>
        %dot_general3A_482 = arith.constant dense<0.000000e+00> : vector<64x128xf32>
        %dot_general3A_483 = tpu.matmul %max3A_469, %concatenate3A_481, %dot_general3A_482 {dimension_numbers = #tpu.dot_dimension_numbers<[0], [0], [1], [1], [0, 1, 1, 1], [], []>, transpose_lhs_hint = false} : vector<64x64xf32>, vector<64x128xf32>, vector<64x128xf32> -> vector<64x128xf32>
        %slice3A_484 = vector.extract_strided_slice %dot_general3A_477 {offsets = [32, 0], sizes = [32, 128], strides = [1, 1]} : vector<96x128xf32> to vector<32x128xf32>
        %mul3A_485 = arith.mulf %slice3A_484, %mul3A_78 : vector<32x128xf32>
        %mul3A_486 = arith.mulf %slice3A_484, %sub3A_81 : vector<32x128xf32>
        %concatenate3A_487 = tpu.concatenate %mul3A_485, %mul3A_486 in 0 : vector<32x128xf32>, vector<32x128xf32> -> vector<64x128xf32>
        %dot_general3A_488 = arith.constant dense<0.000000e+00> : vector<64x128xf32>
        %dot_general3A_489 = tpu.matmul %max3A_469, %concatenate3A_487, %dot_general3A_488 {dimension_numbers = #tpu.dot_dimension_numbers<[0], [0], [1], [1], [0, 1, 1, 1], [], []>, transpose_lhs_hint = false} : vector<64x64xf32>, vector<64x128xf32>, vector<64x128xf32> -> vector<64x128xf32>
        %slice3A_490 = vector.extract_strided_slice %dot_general3A_477 {offsets = [64, 0], sizes = [32, 128], strides = [1, 1]} : vector<96x128xf32> to vector<32x128xf32>
        %mul3A_491 = arith.mulf %slice3A_490, %mul3A_78 : vector<32x128xf32>
        %mul3A_492 = arith.mulf %slice3A_490, %sub3A_81 : vector<32x128xf32>
        %concatenate3A_493 = tpu.concatenate %mul3A_491, %mul3A_492 in 0 : vector<32x128xf32>, vector<32x128xf32> -> vector<64x128xf32>
        %dot_general3A_494 = arith.constant dense<0.000000e+00> : vector<64x128xf32>
        %dot_general3A_495 = tpu.matmul %max3A_469, %concatenate3A_493, %dot_general3A_494 {dimension_numbers = #tpu.dot_dimension_numbers<[0], [0], [1], [1], [0, 1, 1, 1], [], []>, transpose_lhs_hint = false} : vector<64x64xf32>, vector<64x128xf32>, vector<64x128xf32> -> vector<64x128xf32>
        %ne3A_496 = arith.constant 0.000000e+00 : f32
        %ne3A_497 = vector.broadcast %ne3A_496 : f32 to vector<64x128xf32>
        %ne3A_498 = arith.cmpf one, %dot_general3A_483, %ne3A_497 : vector<64x128xf32>
        %eq3A_499 = arith.constant 0x7F800000 : f32
        %eq3A_500 = vector.broadcast %eq3A_499 : f32 to vector<64x128xf32>
        %eq3A_501 = arith.cmpf oeq, %select_n3A_427, %eq3A_500 : vector<64x128xf32>
        %and3A_502 = arith.andi %ne3A_498, %eq3A_501 : vector<64x128xi1>
        %select_n3A_503 = arith.select %and3A_502, %dot_general3A_483, %select_n3A_422 : vector<64x128xi1>, vector<64x128xf32>
        %select_n3A_504 = arith.select %and3A_502, %dot_general3A_489, %select_n3A_423 : vector<64x128xi1>, vector<64x128xf32>
        %select_n3A_505 = arith.select %and3A_502, %dot_general3A_495, %select_n3A_424 : vector<64x128xi1>, vector<64x128xf32>
        %convert_element_type3A_506 = arith.sitofp %add3A_431 : i32 to f32
        %broadcast_in_dim3A_507 = vector.broadcast %convert_element_type3A_506 : f32 to vector<64x128xf32>
        %select_n3A_508 = arith.select %and3A_502, %broadcast_in_dim3A_507, %select_n3A_427 : vector<64x128xi1>, vector<64x128xf32>
        %mul3A_509 = arith.constant 8 : i32
        %mul3A_510 = arith.muli %scan3A_241, %mul3A_509 : i32
        %add3A_511 = arith.constant 3 : i32
        %add3A_512 = arith.addi %mul3A_510, %add3A_511 : i32
        %get3A_513 = arith.index_cast %arg0 : i32 to index
        %get3A_514 = arith.index_cast %add3A_512 : i32 to index
        %get3A_515 = memref.load %arg2[%get3A_513, %get3A_514] : memref<4x96xi32, #tpu.memory_space<smem>>
        %get3A_516 = arith.index_cast %add3A_512 : i32 to index
        %get3A_517 = arith.constant 0 : index
        %get3A_518 = vector.load %arg8[%get3A_516, %get3A_517] : memref<96x128xf32, #tpu.memory_space<vmem>>, vector<1x128xf32>
        %sub3A_519 = vector.broadcast %get3A_518 : vector<1x128xf32> to vector<32x128xf32>
        %sub3A_520 = vector.broadcast %convert_element_type3A_44 : vector<32x1xf32> to vector<32x128xf32>
        %sub3A_521 = arith.subf %sub3A_519, %sub3A_520 : vector<32x128xf32>
        %abs3A_522 = math.absf %sub3A_521 : vector<32x128xf32>
        %sub3A_523 = arith.constant 1.000000e+00 : f32
        %sub3A_524 = vector.broadcast %sub3A_523 : f32 to vector<32x128xf32>
        %sub3A_525 = arith.subf %sub3A_524, %abs3A_522 : vector<32x128xf32>
        %max3A_526 = arith.constant 0.000000e+00 : f32
        %max3A_527 = vector.broadcast %max3A_526 : f32 to vector<32x128xf32>
        %max3A_528 = arith.maximumf %max3A_527, %sub3A_525 : vector<32x128xf32>
        %get3A_529 = arith.index_cast %add3A_512 : i32 to index
        %get3A_530 = arith.constant 0 : index
        %get3A_531 = vector.load %arg9[%get3A_529, %get3A_530] : memref<96x64xf32, #tpu.memory_space<vmem>>, vector<1x64xf32>
        %get3A_532 = arith.index_cast %add3A_512 : i32 to index
        %get3A_533 = arith.constant 0 : index
        %get3A_534 = vector.load %arg10[%get3A_532, %get3A_533] : memref<96x64xf32, #tpu.memory_space<vmem>>, vector<1x64xf32>
        %broadcast_in_dim3A_535 = vector.shape_cast %lt3A_48 : vector<64x1xi1> to vector<64x1xi1>
        %broadcast_in_dim3A_536 = vector.broadcast %broadcast_in_dim3A_535 : vector<64x1xi1> to vector<64x64xi1>
        %broadcast_in_dim3A_537 = vector.shape_cast %get3A_531 : vector<1x64xf32> to vector<1x64xf32>
        %broadcast_in_dim3A_538 = vector.broadcast %broadcast_in_dim3A_537 : vector<1x64xf32> to vector<64x64xf32>
        %broadcast_in_dim3A_539 = vector.shape_cast %get3A_534 : vector<1x64xf32> to vector<1x64xf32>
        %broadcast_in_dim3A_540 = vector.broadcast %broadcast_in_dim3A_539 : vector<1x64xf32> to vector<64x64xf32>
        %select_n3A_541 = arith.select %broadcast_in_dim3A_536, %broadcast_in_dim3A_538, %broadcast_in_dim3A_540 : vector<64x64xi1>, vector<64x64xf32>
        %sub3A_542 = vector.broadcast %convert_element_type3A_71 : vector<64x1xf32> to vector<64x64xf32>
        %sub3A_543 = arith.subf %select_n3A_541, %sub3A_542 : vector<64x64xf32>
        %abs3A_544 = math.absf %sub3A_543 : vector<64x64xf32>
        %sub3A_545 = arith.constant 1.000000e+00 : f32
        %sub3A_546 = vector.broadcast %sub3A_545 : f32 to vector<64x64xf32>
        %sub3A_547 = arith.subf %sub3A_546, %abs3A_544 : vector<64x64xf32>
        %max3A_548 = arith.constant 0.000000e+00 : f32
        %max3A_549 = vector.broadcast %max3A_548 : f32 to vector<64x64xf32>
        %max3A_550 = arith.maximumf %max3A_549, %sub3A_547 : vector<64x64xf32>
        %get3A_551 = arith.constant 0 : index
        %get3A_552 = arith.index_cast %get3A_515 : i32 to index
        %get3A_553 = arith.constant 0 : index
        %get3A_554 = arith.constant 0 : index
        %get3A_555 = vector.load %arg1[%get3A_551, %get3A_552, %get3A_553, %get3A_554] : memref<1x85x96x32xf32, #tpu.memory_space<vmem>>, vector<1x1x96x32xf32>
        %get3A_556 = vector.shape_cast %get3A_555 : vector<1x1x96x32xf32> to vector<96x32xf32>
        %dot_general3A_557 = arith.constant dense<0.000000e+00> : vector<96x128xf32>
        %dot_general3A_558 = tpu.matmul %get3A_556, %max3A_528, %dot_general3A_557 {dimension_numbers = #tpu.dot_dimension_numbers<[1], [0], [0], [1], [0, 0, 1, 1], [], []>, transpose_lhs_hint = false} : vector<96x32xf32>, vector<32x128xf32>, vector<96x128xf32> -> vector<96x128xf32>
        %slice3A_559 = vector.extract_strided_slice %dot_general3A_558 {offsets = [0, 0], sizes = [32, 128], strides = [1, 1]} : vector<96x128xf32> to vector<32x128xf32>
        %mul3A_560 = arith.mulf %slice3A_559, %mul3A_78 : vector<32x128xf32>
        %mul3A_561 = arith.mulf %slice3A_559, %sub3A_81 : vector<32x128xf32>
        %concatenate3A_562 = tpu.concatenate %mul3A_560, %mul3A_561 in 0 : vector<32x128xf32>, vector<32x128xf32> -> vector<64x128xf32>
        %dot_general3A_563 = arith.constant dense<0.000000e+00> : vector<64x128xf32>
        %dot_general3A_564 = tpu.matmul %max3A_550, %concatenate3A_562, %dot_general3A_563 {dimension_numbers = #tpu.dot_dimension_numbers<[0], [0], [1], [1], [0, 1, 1, 1], [], []>, transpose_lhs_hint = false} : vector<64x64xf32>, vector<64x128xf32>, vector<64x128xf32> -> vector<64x128xf32>
        %slice3A_565 = vector.extract_strided_slice %dot_general3A_558 {offsets = [32, 0], sizes = [32, 128], strides = [1, 1]} : vector<96x128xf32> to vector<32x128xf32>
        %mul3A_566 = arith.mulf %slice3A_565, %mul3A_78 : vector<32x128xf32>
        %mul3A_567 = arith.mulf %slice3A_565, %sub3A_81 : vector<32x128xf32>
        %concatenate3A_568 = tpu.concatenate %mul3A_566, %mul3A_567 in 0 : vector<32x128xf32>, vector<32x128xf32> -> vector<64x128xf32>
        %dot_general3A_569 = arith.constant dense<0.000000e+00> : vector<64x128xf32>
        %dot_general3A_570 = tpu.matmul %max3A_550, %concatenate3A_568, %dot_general3A_569 {dimension_numbers = #tpu.dot_dimension_numbers<[0], [0], [1], [1], [0, 1, 1, 1], [], []>, transpose_lhs_hint = false} : vector<64x64xf32>, vector<64x128xf32>, vector<64x128xf32> -> vector<64x128xf32>
        %slice3A_571 = vector.extract_strided_slice %dot_general3A_558 {offsets = [64, 0], sizes = [32, 128], strides = [1, 1]} : vector<96x128xf32> to vector<32x128xf32>
        %mul3A_572 = arith.mulf %slice3A_571, %mul3A_78 : vector<32x128xf32>
        %mul3A_573 = arith.mulf %slice3A_571, %sub3A_81 : vector<32x128xf32>
        %concatenate3A_574 = tpu.concatenate %mul3A_572, %mul3A_573 in 0 : vector<32x128xf32>, vector<32x128xf32> -> vector<64x128xf32>
        %dot_general3A_575 = arith.constant dense<0.000000e+00> : vector<64x128xf32>
        %dot_general3A_576 = tpu.matmul %max3A_550, %concatenate3A_574, %dot_general3A_575 {dimension_numbers = #tpu.dot_dimension_numbers<[0], [0], [1], [1], [0, 1, 1, 1], [], []>, transpose_lhs_hint = false} : vector<64x64xf32>, vector<64x128xf32>, vector<64x128xf32> -> vector<64x128xf32>
        %ne3A_577 = arith.constant 0.000000e+00 : f32
        %ne3A_578 = vector.broadcast %ne3A_577 : f32 to vector<64x128xf32>
        %ne3A_579 = arith.cmpf one, %dot_general3A_564, %ne3A_578 : vector<64x128xf32>
        %eq3A_580 = arith.constant 0x7F800000 : f32
        %eq3A_581 = vector.broadcast %eq3A_580 : f32 to vector<64x128xf32>
        %eq3A_582 = arith.cmpf oeq, %select_n3A_508, %eq3A_581 : vector<64x128xf32>
        %and3A_583 = arith.andi %ne3A_579, %eq3A_582 : vector<64x128xi1>
        %select_n3A_584 = arith.select %and3A_583, %dot_general3A_564, %select_n3A_503 : vector<64x128xi1>, vector<64x128xf32>
        %select_n3A_585 = arith.select %and3A_583, %dot_general3A_570, %select_n3A_504 : vector<64x128xi1>, vector<64x128xf32>
        %select_n3A_586 = arith.select %and3A_583, %dot_general3A_576, %select_n3A_505 : vector<64x128xi1>, vector<64x128xf32>
        %convert_element_type3A_587 = arith.sitofp %add3A_512 : i32 to f32
        %broadcast_in_dim3A_588 = vector.broadcast %convert_element_type3A_587 : f32 to vector<64x128xf32>
        %select_n3A_589 = arith.select %and3A_583, %broadcast_in_dim3A_588, %select_n3A_508 : vector<64x128xi1>, vector<64x128xf32>
        %mul3A_590 = arith.constant 8 : i32
        %mul3A_591 = arith.muli %scan3A_241, %mul3A_590 : i32
        %add3A_592 = arith.constant 4 : i32
        %add3A_593 = arith.addi %mul3A_591, %add3A_592 : i32
        %get3A_594 = arith.index_cast %arg0 : i32 to index
        %get3A_595 = arith.index_cast %add3A_593 : i32 to index
        %get3A_596 = memref.load %arg2[%get3A_594, %get3A_595] : memref<4x96xi32, #tpu.memory_space<smem>>
        %get3A_597 = arith.index_cast %add3A_593 : i32 to index
        %get3A_598 = arith.constant 0 : index
        %get3A_599 = vector.load %arg8[%get3A_597, %get3A_598] : memref<96x128xf32, #tpu.memory_space<vmem>>, vector<1x128xf32>
        %sub3A_600 = vector.broadcast %get3A_599 : vector<1x128xf32> to vector<32x128xf32>
        %sub3A_601 = vector.broadcast %convert_element_type3A_44 : vector<32x1xf32> to vector<32x128xf32>
        %sub3A_602 = arith.subf %sub3A_600, %sub3A_601 : vector<32x128xf32>
        %abs3A_603 = math.absf %sub3A_602 : vector<32x128xf32>
        %sub3A_604 = arith.constant 1.000000e+00 : f32
        %sub3A_605 = vector.broadcast %sub3A_604 : f32 to vector<32x128xf32>
        %sub3A_606 = arith.subf %sub3A_605, %abs3A_603 : vector<32x128xf32>
        %max3A_607 = arith.constant 0.000000e+00 : f32
        %max3A_608 = vector.broadcast %max3A_607 : f32 to vector<32x128xf32>
        %max3A_609 = arith.maximumf %max3A_608, %sub3A_606 : vector<32x128xf32>
        %get3A_610 = arith.index_cast %add3A_593 : i32 to index
        %get3A_611 = arith.constant 0 : index
        %get3A_612 = vector.load %arg9[%get3A_610, %get3A_611] : memref<96x64xf32, #tpu.memory_space<vmem>>, vector<1x64xf32>
        %get3A_613 = arith.index_cast %add3A_593 : i32 to index
        %get3A_614 = arith.constant 0 : index
        %get3A_615 = vector.load %arg10[%get3A_613, %get3A_614] : memref<96x64xf32, #tpu.memory_space<vmem>>, vector<1x64xf32>
        %broadcast_in_dim3A_616 = vector.shape_cast %lt3A_48 : vector<64x1xi1> to vector<64x1xi1>
        %broadcast_in_dim3A_617 = vector.broadcast %broadcast_in_dim3A_616 : vector<64x1xi1> to vector<64x64xi1>
        %broadcast_in_dim3A_618 = vector.shape_cast %get3A_612 : vector<1x64xf32> to vector<1x64xf32>
        %broadcast_in_dim3A_619 = vector.broadcast %broadcast_in_dim3A_618 : vector<1x64xf32> to vector<64x64xf32>
        %broadcast_in_dim3A_620 = vector.shape_cast %get3A_615 : vector<1x64xf32> to vector<1x64xf32>
        %broadcast_in_dim3A_621 = vector.broadcast %broadcast_in_dim3A_620 : vector<1x64xf32> to vector<64x64xf32>
        %select_n3A_622 = arith.select %broadcast_in_dim3A_617, %broadcast_in_dim3A_619, %broadcast_in_dim3A_621 : vector<64x64xi1>, vector<64x64xf32>
        %sub3A_623 = vector.broadcast %convert_element_type3A_71 : vector<64x1xf32> to vector<64x64xf32>
        %sub3A_624 = arith.subf %select_n3A_622, %sub3A_623 : vector<64x64xf32>
        %abs3A_625 = math.absf %sub3A_624 : vector<64x64xf32>
        %sub3A_626 = arith.constant 1.000000e+00 : f32
        %sub3A_627 = vector.broadcast %sub3A_626 : f32 to vector<64x64xf32>
        %sub3A_628 = arith.subf %sub3A_627, %abs3A_625 : vector<64x64xf32>
        %max3A_629 = arith.constant 0.000000e+00 : f32
        %max3A_630 = vector.broadcast %max3A_629 : f32 to vector<64x64xf32>
        %max3A_631 = arith.maximumf %max3A_630, %sub3A_628 : vector<64x64xf32>
        %get3A_632 = arith.constant 0 : index
        %get3A_633 = arith.index_cast %get3A_596 : i32 to index
        %get3A_634 = arith.constant 0 : index
        %get3A_635 = arith.constant 0 : index
        %get3A_636 = vector.load %arg1[%get3A_632, %get3A_633, %get3A_634, %get3A_635] : memref<1x85x96x32xf32, #tpu.memory_space<vmem>>, vector<1x1x96x32xf32>
        %get3A_637 = vector.shape_cast %get3A_636 : vector<1x1x96x32xf32> to vector<96x32xf32>
        %dot_general3A_638 = arith.constant dense<0.000000e+00> : vector<96x128xf32>
        %dot_general3A_639 = tpu.matmul %get3A_637, %max3A_609, %dot_general3A_638 {dimension_numbers = #tpu.dot_dimension_numbers<[1], [0], [0], [1], [0, 0, 1, 1], [], []>, transpose_lhs_hint = false} : vector<96x32xf32>, vector<32x128xf32>, vector<96x128xf32> -> vector<96x128xf32>
        %slice3A_640 = vector.extract_strided_slice %dot_general3A_639 {offsets = [0, 0], sizes = [32, 128], strides = [1, 1]} : vector<96x128xf32> to vector<32x128xf32>
        %mul3A_641 = arith.mulf %slice3A_640, %mul3A_78 : vector<32x128xf32>
        %mul3A_642 = arith.mulf %slice3A_640, %sub3A_81 : vector<32x128xf32>
        %concatenate3A_643 = tpu.concatenate %mul3A_641, %mul3A_642 in 0 : vector<32x128xf32>, vector<32x128xf32> -> vector<64x128xf32>
        %dot_general3A_644 = arith.constant dense<0.000000e+00> : vector<64x128xf32>
        %dot_general3A_645 = tpu.matmul %max3A_631, %concatenate3A_643, %dot_general3A_644 {dimension_numbers = #tpu.dot_dimension_numbers<[0], [0], [1], [1], [0, 1, 1, 1], [], []>, transpose_lhs_hint = false} : vector<64x64xf32>, vector<64x128xf32>, vector<64x128xf32> -> vector<64x128xf32>
        %slice3A_646 = vector.extract_strided_slice %dot_general3A_639 {offsets = [32, 0], sizes = [32, 128], strides = [1, 1]} : vector<96x128xf32> to vector<32x128xf32>
        %mul3A_647 = arith.mulf %slice3A_646, %mul3A_78 : vector<32x128xf32>
        %mul3A_648 = arith.mulf %slice3A_646, %sub3A_81 : vector<32x128xf32>
        %concatenate3A_649 = tpu.concatenate %mul3A_647, %mul3A_648 in 0 : vector<32x128xf32>, vector<32x128xf32> -> vector<64x128xf32>
        %dot_general3A_650 = arith.constant dense<0.000000e+00> : vector<64x128xf32>
        %dot_general3A_651 = tpu.matmul %max3A_631, %concatenate3A_649, %dot_general3A_650 {dimension_numbers = #tpu.dot_dimension_numbers<[0], [0], [1], [1], [0, 1, 1, 1], [], []>, transpose_lhs_hint = false} : vector<64x64xf32>, vector<64x128xf32>, vector<64x128xf32> -> vector<64x128xf32>
        %slice3A_652 = vector.extract_strided_slice %dot_general3A_639 {offsets = [64, 0], sizes = [32, 128], strides = [1, 1]} : vector<96x128xf32> to vector<32x128xf32>
        %mul3A_653 = arith.mulf %slice3A_652, %mul3A_78 : vector<32x128xf32>
        %mul3A_654 = arith.mulf %slice3A_652, %sub3A_81 : vector<32x128xf32>
        %concatenate3A_655 = tpu.concatenate %mul3A_653, %mul3A_654 in 0 : vector<32x128xf32>, vector<32x128xf32> -> vector<64x128xf32>
        %dot_general3A_656 = arith.constant dense<0.000000e+00> : vector<64x128xf32>
        %dot_general3A_657 = tpu.matmul %max3A_631, %concatenate3A_655, %dot_general3A_656 {dimension_numbers = #tpu.dot_dimension_numbers<[0], [0], [1], [1], [0, 1, 1, 1], [], []>, transpose_lhs_hint = false} : vector<64x64xf32>, vector<64x128xf32>, vector<64x128xf32> -> vector<64x128xf32>
        %ne3A_658 = arith.constant 0.000000e+00 : f32
        %ne3A_659 = vector.broadcast %ne3A_658 : f32 to vector<64x128xf32>
        %ne3A_660 = arith.cmpf one, %dot_general3A_645, %ne3A_659 : vector<64x128xf32>
        %eq3A_661 = arith.constant 0x7F800000 : f32
        %eq3A_662 = vector.broadcast %eq3A_661 : f32 to vector<64x128xf32>
        %eq3A_663 = arith.cmpf oeq, %select_n3A_589, %eq3A_662 : vector<64x128xf32>
        %and3A_664 = arith.andi %ne3A_660, %eq3A_663 : vector<64x128xi1>
        %select_n3A_665 = arith.select %and3A_664, %dot_general3A_645, %select_n3A_584 : vector<64x128xi1>, vector<64x128xf32>
        %select_n3A_666 = arith.select %and3A_664, %dot_general3A_651, %select_n3A_585 : vector<64x128xi1>, vector<64x128xf32>
        %select_n3A_667 = arith.select %and3A_664, %dot_general3A_657, %select_n3A_586 : vector<64x128xi1>, vector<64x128xf32>
        %convert_element_type3A_668 = arith.sitofp %add3A_593 : i32 to f32
        %broadcast_in_dim3A_669 = vector.broadcast %convert_element_type3A_668 : f32 to vector<64x128xf32>
        %select_n3A_670 = arith.select %and3A_664, %broadcast_in_dim3A_669, %select_n3A_589 : vector<64x128xi1>, vector<64x128xf32>
        %mul3A_671 = arith.constant 8 : i32
        %mul3A_672 = arith.muli %scan3A_241, %mul3A_671 : i32
        %add3A_673 = arith.constant 5 : i32
        %add3A_674 = arith.addi %mul3A_672, %add3A_673 : i32
        %get3A_675 = arith.index_cast %arg0 : i32 to index
        %get3A_676 = arith.index_cast %add3A_674 : i32 to index
        %get3A_677 = memref.load %arg2[%get3A_675, %get3A_676] : memref<4x96xi32, #tpu.memory_space<smem>>
        %get3A_678 = arith.index_cast %add3A_674 : i32 to index
        %get3A_679 = arith.constant 0 : index
        %get3A_680 = vector.load %arg8[%get3A_678, %get3A_679] : memref<96x128xf32, #tpu.memory_space<vmem>>, vector<1x128xf32>
        %sub3A_681 = vector.broadcast %get3A_680 : vector<1x128xf32> to vector<32x128xf32>
        %sub3A_682 = vector.broadcast %convert_element_type3A_44 : vector<32x1xf32> to vector<32x128xf32>
        %sub3A_683 = arith.subf %sub3A_681, %sub3A_682 : vector<32x128xf32>
        %abs3A_684 = math.absf %sub3A_683 : vector<32x128xf32>
        %sub3A_685 = arith.constant 1.000000e+00 : f32
        %sub3A_686 = vector.broadcast %sub3A_685 : f32 to vector<32x128xf32>
        %sub3A_687 = arith.subf %sub3A_686, %abs3A_684 : vector<32x128xf32>
        %max3A_688 = arith.constant 0.000000e+00 : f32
        %max3A_689 = vector.broadcast %max3A_688 : f32 to vector<32x128xf32>
        %max3A_690 = arith.maximumf %max3A_689, %sub3A_687 : vector<32x128xf32>
        %get3A_691 = arith.index_cast %add3A_674 : i32 to index
        %get3A_692 = arith.constant 0 : index
        %get3A_693 = vector.load %arg9[%get3A_691, %get3A_692] : memref<96x64xf32, #tpu.memory_space<vmem>>, vector<1x64xf32>
        %get3A_694 = arith.index_cast %add3A_674 : i32 to index
        %get3A_695 = arith.constant 0 : index
        %get3A_696 = vector.load %arg10[%get3A_694, %get3A_695] : memref<96x64xf32, #tpu.memory_space<vmem>>, vector<1x64xf32>
        %broadcast_in_dim3A_697 = vector.shape_cast %lt3A_48 : vector<64x1xi1> to vector<64x1xi1>
        %broadcast_in_dim3A_698 = vector.broadcast %broadcast_in_dim3A_697 : vector<64x1xi1> to vector<64x64xi1>
        %broadcast_in_dim3A_699 = vector.shape_cast %get3A_693 : vector<1x64xf32> to vector<1x64xf32>
        %broadcast_in_dim3A_700 = vector.broadcast %broadcast_in_dim3A_699 : vector<1x64xf32> to vector<64x64xf32>
        %broadcast_in_dim3A_701 = vector.shape_cast %get3A_696 : vector<1x64xf32> to vector<1x64xf32>
        %broadcast_in_dim3A_702 = vector.broadcast %broadcast_in_dim3A_701 : vector<1x64xf32> to vector<64x64xf32>
        %select_n3A_703 = arith.select %broadcast_in_dim3A_698, %broadcast_in_dim3A_700, %broadcast_in_dim3A_702 : vector<64x64xi1>, vector<64x64xf32>
        %sub3A_704 = vector.broadcast %convert_element_type3A_71 : vector<64x1xf32> to vector<64x64xf32>
        %sub3A_705 = arith.subf %select_n3A_703, %sub3A_704 : vector<64x64xf32>
        %abs3A_706 = math.absf %sub3A_705 : vector<64x64xf32>
        %sub3A_707 = arith.constant 1.000000e+00 : f32
        %sub3A_708 = vector.broadcast %sub3A_707 : f32 to vector<64x64xf32>
        %sub3A_709 = arith.subf %sub3A_708, %abs3A_706 : vector<64x64xf32>
        %max3A_710 = arith.constant 0.000000e+00 : f32
        %max3A_711 = vector.broadcast %max3A_710 : f32 to vector<64x64xf32>
        %max3A_712 = arith.maximumf %max3A_711, %sub3A_709 : vector<64x64xf32>
        %get3A_713 = arith.constant 0 : index
        %get3A_714 = arith.index_cast %get3A_677 : i32 to index
        %get3A_715 = arith.constant 0 : index
        %get3A_716 = arith.constant 0 : index
        %get3A_717 = vector.load %arg1[%get3A_713, %get3A_714, %get3A_715, %get3A_716] : memref<1x85x96x32xf32, #tpu.memory_space<vmem>>, vector<1x1x96x32xf32>
        %get3A_718 = vector.shape_cast %get3A_717 : vector<1x1x96x32xf32> to vector<96x32xf32>
        %dot_general3A_719 = arith.constant dense<0.000000e+00> : vector<96x128xf32>
        %dot_general3A_720 = tpu.matmul %get3A_718, %max3A_690, %dot_general3A_719 {dimension_numbers = #tpu.dot_dimension_numbers<[1], [0], [0], [1], [0, 0, 1, 1], [], []>, transpose_lhs_hint = false} : vector<96x32xf32>, vector<32x128xf32>, vector<96x128xf32> -> vector<96x128xf32>
        %slice3A_721 = vector.extract_strided_slice %dot_general3A_720 {offsets = [0, 0], sizes = [32, 128], strides = [1, 1]} : vector<96x128xf32> to vector<32x128xf32>
        %mul3A_722 = arith.mulf %slice3A_721, %mul3A_78 : vector<32x128xf32>
        %mul3A_723 = arith.mulf %slice3A_721, %sub3A_81 : vector<32x128xf32>
        %concatenate3A_724 = tpu.concatenate %mul3A_722, %mul3A_723 in 0 : vector<32x128xf32>, vector<32x128xf32> -> vector<64x128xf32>
        %dot_general3A_725 = arith.constant dense<0.000000e+00> : vector<64x128xf32>
        %dot_general3A_726 = tpu.matmul %max3A_712, %concatenate3A_724, %dot_general3A_725 {dimension_numbers = #tpu.dot_dimension_numbers<[0], [0], [1], [1], [0, 1, 1, 1], [], []>, transpose_lhs_hint = false} : vector<64x64xf32>, vector<64x128xf32>, vector<64x128xf32> -> vector<64x128xf32>
        %slice3A_727 = vector.extract_strided_slice %dot_general3A_720 {offsets = [32, 0], sizes = [32, 128], strides = [1, 1]} : vector<96x128xf32> to vector<32x128xf32>
        %mul3A_728 = arith.mulf %slice3A_727, %mul3A_78 : vector<32x128xf32>
        %mul3A_729 = arith.mulf %slice3A_727, %sub3A_81 : vector<32x128xf32>
        %concatenate3A_730 = tpu.concatenate %mul3A_728, %mul3A_729 in 0 : vector<32x128xf32>, vector<32x128xf32> -> vector<64x128xf32>
        %dot_general3A_731 = arith.constant dense<0.000000e+00> : vector<64x128xf32>
        %dot_general3A_732 = tpu.matmul %max3A_712, %concatenate3A_730, %dot_general3A_731 {dimension_numbers = #tpu.dot_dimension_numbers<[0], [0], [1], [1], [0, 1, 1, 1], [], []>, transpose_lhs_hint = false} : vector<64x64xf32>, vector<64x128xf32>, vector<64x128xf32> -> vector<64x128xf32>
        %slice3A_733 = vector.extract_strided_slice %dot_general3A_720 {offsets = [64, 0], sizes = [32, 128], strides = [1, 1]} : vector<96x128xf32> to vector<32x128xf32>
        %mul3A_734 = arith.mulf %slice3A_733, %mul3A_78 : vector<32x128xf32>
        %mul3A_735 = arith.mulf %slice3A_733, %sub3A_81 : vector<32x128xf32>
        %concatenate3A_736 = tpu.concatenate %mul3A_734, %mul3A_735 in 0 : vector<32x128xf32>, vector<32x128xf32> -> vector<64x128xf32>
        %dot_general3A_737 = arith.constant dense<0.000000e+00> : vector<64x128xf32>
        %dot_general3A_738 = tpu.matmul %max3A_712, %concatenate3A_736, %dot_general3A_737 {dimension_numbers = #tpu.dot_dimension_numbers<[0], [0], [1], [1], [0, 1, 1, 1], [], []>, transpose_lhs_hint = false} : vector<64x64xf32>, vector<64x128xf32>, vector<64x128xf32> -> vector<64x128xf32>
        %ne3A_739 = arith.constant 0.000000e+00 : f32
        %ne3A_740 = vector.broadcast %ne3A_739 : f32 to vector<64x128xf32>
        %ne3A_741 = arith.cmpf one, %dot_general3A_726, %ne3A_740 : vector<64x128xf32>
        %eq3A_742 = arith.constant 0x7F800000 : f32
        %eq3A_743 = vector.broadcast %eq3A_742 : f32 to vector<64x128xf32>
        %eq3A_744 = arith.cmpf oeq, %select_n3A_670, %eq3A_743 : vector<64x128xf32>
        %and3A_745 = arith.andi %ne3A_741, %eq3A_744 : vector<64x128xi1>
        %select_n3A_746 = arith.select %and3A_745, %dot_general3A_726, %select_n3A_665 : vector<64x128xi1>, vector<64x128xf32>
        %select_n3A_747 = arith.select %and3A_745, %dot_general3A_732, %select_n3A_666 : vector<64x128xi1>, vector<64x128xf32>
        %select_n3A_748 = arith.select %and3A_745, %dot_general3A_738, %select_n3A_667 : vector<64x128xi1>, vector<64x128xf32>
        %convert_element_type3A_749 = arith.sitofp %add3A_674 : i32 to f32
        %broadcast_in_dim3A_750 = vector.broadcast %convert_element_type3A_749 : f32 to vector<64x128xf32>
        %select_n3A_751 = arith.select %and3A_745, %broadcast_in_dim3A_750, %select_n3A_670 : vector<64x128xi1>, vector<64x128xf32>
        %mul3A_752 = arith.constant 8 : i32
        %mul3A_753 = arith.muli %scan3A_241, %mul3A_752 : i32
        %add3A_754 = arith.constant 6 : i32
        %add3A_755 = arith.addi %mul3A_753, %add3A_754 : i32
        %get3A_756 = arith.index_cast %arg0 : i32 to index
        %get3A_757 = arith.index_cast %add3A_755 : i32 to index
        %get3A_758 = memref.load %arg2[%get3A_756, %get3A_757] : memref<4x96xi32, #tpu.memory_space<smem>>
        %get3A_759 = arith.index_cast %add3A_755 : i32 to index
        %get3A_760 = arith.constant 0 : index
        %get3A_761 = vector.load %arg8[%get3A_759, %get3A_760] : memref<96x128xf32, #tpu.memory_space<vmem>>, vector<1x128xf32>
        %sub3A_762 = vector.broadcast %get3A_761 : vector<1x128xf32> to vector<32x128xf32>
        %sub3A_763 = vector.broadcast %convert_element_type3A_44 : vector<32x1xf32> to vector<32x128xf32>
        %sub3A_764 = arith.subf %sub3A_762, %sub3A_763 : vector<32x128xf32>
        %abs3A_765 = math.absf %sub3A_764 : vector<32x128xf32>
        %sub3A_766 = arith.constant 1.000000e+00 : f32
        %sub3A_767 = vector.broadcast %sub3A_766 : f32 to vector<32x128xf32>
        %sub3A_768 = arith.subf %sub3A_767, %abs3A_765 : vector<32x128xf32>
        %max3A_769 = arith.constant 0.000000e+00 : f32
        %max3A_770 = vector.broadcast %max3A_769 : f32 to vector<32x128xf32>
        %max3A_771 = arith.maximumf %max3A_770, %sub3A_768 : vector<32x128xf32>
        %get3A_772 = arith.index_cast %add3A_755 : i32 to index
        %get3A_773 = arith.constant 0 : index
        %get3A_774 = vector.load %arg9[%get3A_772, %get3A_773] : memref<96x64xf32, #tpu.memory_space<vmem>>, vector<1x64xf32>
        %get3A_775 = arith.index_cast %add3A_755 : i32 to index
        %get3A_776 = arith.constant 0 : index
        %get3A_777 = vector.load %arg10[%get3A_775, %get3A_776] : memref<96x64xf32, #tpu.memory_space<vmem>>, vector<1x64xf32>
        %broadcast_in_dim3A_778 = vector.shape_cast %lt3A_48 : vector<64x1xi1> to vector<64x1xi1>
        %broadcast_in_dim3A_779 = vector.broadcast %broadcast_in_dim3A_778 : vector<64x1xi1> to vector<64x64xi1>
        %broadcast_in_dim3A_780 = vector.shape_cast %get3A_774 : vector<1x64xf32> to vector<1x64xf32>
        %broadcast_in_dim3A_781 = vector.broadcast %broadcast_in_dim3A_780 : vector<1x64xf32> to vector<64x64xf32>
        %broadcast_in_dim3A_782 = vector.shape_cast %get3A_777 : vector<1x64xf32> to vector<1x64xf32>
        %broadcast_in_dim3A_783 = vector.broadcast %broadcast_in_dim3A_782 : vector<1x64xf32> to vector<64x64xf32>
        %select_n3A_784 = arith.select %broadcast_in_dim3A_779, %broadcast_in_dim3A_781, %broadcast_in_dim3A_783 : vector<64x64xi1>, vector<64x64xf32>
        %sub3A_785 = vector.broadcast %convert_element_type3A_71 : vector<64x1xf32> to vector<64x64xf32>
        %sub3A_786 = arith.subf %select_n3A_784, %sub3A_785 : vector<64x64xf32>
        %abs3A_787 = math.absf %sub3A_786 : vector<64x64xf32>
        %sub3A_788 = arith.constant 1.000000e+00 : f32
        %sub3A_789 = vector.broadcast %sub3A_788 : f32 to vector<64x64xf32>
        %sub3A_790 = arith.subf %sub3A_789, %abs3A_787 : vector<64x64xf32>
        %max3A_791 = arith.constant 0.000000e+00 : f32
        %max3A_792 = vector.broadcast %max3A_791 : f32 to vector<64x64xf32>
        %max3A_793 = arith.maximumf %max3A_792, %sub3A_790 : vector<64x64xf32>
        %get3A_794 = arith.constant 0 : index
        %get3A_795 = arith.index_cast %get3A_758 : i32 to index
        %get3A_796 = arith.constant 0 : index
        %get3A_797 = arith.constant 0 : index
        %get3A_798 = vector.load %arg1[%get3A_794, %get3A_795, %get3A_796, %get3A_797] : memref<1x85x96x32xf32, #tpu.memory_space<vmem>>, vector<1x1x96x32xf32>
        %get3A_799 = vector.shape_cast %get3A_798 : vector<1x1x96x32xf32> to vector<96x32xf32>
        %dot_general3A_800 = arith.constant dense<0.000000e+00> : vector<96x128xf32>
        %dot_general3A_801 = tpu.matmul %get3A_799, %max3A_771, %dot_general3A_800 {dimension_numbers = #tpu.dot_dimension_numbers<[1], [0], [0], [1], [0, 0, 1, 1], [], []>, transpose_lhs_hint = false} : vector<96x32xf32>, vector<32x128xf32>, vector<96x128xf32> -> vector<96x128xf32>
        %slice3A_802 = vector.extract_strided_slice %dot_general3A_801 {offsets = [0, 0], sizes = [32, 128], strides = [1, 1]} : vector<96x128xf32> to vector<32x128xf32>
        %mul3A_803 = arith.mulf %slice3A_802, %mul3A_78 : vector<32x128xf32>
        %mul3A_804 = arith.mulf %slice3A_802, %sub3A_81 : vector<32x128xf32>
        %concatenate3A_805 = tpu.concatenate %mul3A_803, %mul3A_804 in 0 : vector<32x128xf32>, vector<32x128xf32> -> vector<64x128xf32>
        %dot_general3A_806 = arith.constant dense<0.000000e+00> : vector<64x128xf32>
        %dot_general3A_807 = tpu.matmul %max3A_793, %concatenate3A_805, %dot_general3A_806 {dimension_numbers = #tpu.dot_dimension_numbers<[0], [0], [1], [1], [0, 1, 1, 1], [], []>, transpose_lhs_hint = false} : vector<64x64xf32>, vector<64x128xf32>, vector<64x128xf32> -> vector<64x128xf32>
        %slice3A_808 = vector.extract_strided_slice %dot_general3A_801 {offsets = [32, 0], sizes = [32, 128], strides = [1, 1]} : vector<96x128xf32> to vector<32x128xf32>
        %mul3A_809 = arith.mulf %slice3A_808, %mul3A_78 : vector<32x128xf32>
        %mul3A_810 = arith.mulf %slice3A_808, %sub3A_81 : vector<32x128xf32>
        %concatenate3A_811 = tpu.concatenate %mul3A_809, %mul3A_810 in 0 : vector<32x128xf32>, vector<32x128xf32> -> vector<64x128xf32>
        %dot_general3A_812 = arith.constant dense<0.000000e+00> : vector<64x128xf32>
        %dot_general3A_813 = tpu.matmul %max3A_793, %concatenate3A_811, %dot_general3A_812 {dimension_numbers = #tpu.dot_dimension_numbers<[0], [0], [1], [1], [0, 1, 1, 1], [], []>, transpose_lhs_hint = false} : vector<64x64xf32>, vector<64x128xf32>, vector<64x128xf32> -> vector<64x128xf32>
        %slice3A_814 = vector.extract_strided_slice %dot_general3A_801 {offsets = [64, 0], sizes = [32, 128], strides = [1, 1]} : vector<96x128xf32> to vector<32x128xf32>
        %mul3A_815 = arith.mulf %slice3A_814, %mul3A_78 : vector<32x128xf32>
        %mul3A_816 = arith.mulf %slice3A_814, %sub3A_81 : vector<32x128xf32>
        %concatenate3A_817 = tpu.concatenate %mul3A_815, %mul3A_816 in 0 : vector<32x128xf32>, vector<32x128xf32> -> vector<64x128xf32>
        %dot_general3A_818 = arith.constant dense<0.000000e+00> : vector<64x128xf32>
        %dot_general3A_819 = tpu.matmul %max3A_793, %concatenate3A_817, %dot_general3A_818 {dimension_numbers = #tpu.dot_dimension_numbers<[0], [0], [1], [1], [0, 1, 1, 1], [], []>, transpose_lhs_hint = false} : vector<64x64xf32>, vector<64x128xf32>, vector<64x128xf32> -> vector<64x128xf32>
        %ne3A_820 = arith.constant 0.000000e+00 : f32
        %ne3A_821 = vector.broadcast %ne3A_820 : f32 to vector<64x128xf32>
        %ne3A_822 = arith.cmpf one, %dot_general3A_807, %ne3A_821 : vector<64x128xf32>
        %eq3A_823 = arith.constant 0x7F800000 : f32
        %eq3A_824 = vector.broadcast %eq3A_823 : f32 to vector<64x128xf32>
        %eq3A_825 = arith.cmpf oeq, %select_n3A_751, %eq3A_824 : vector<64x128xf32>
        %and3A_826 = arith.andi %ne3A_822, %eq3A_825 : vector<64x128xi1>
        %select_n3A_827 = arith.select %and3A_826, %dot_general3A_807, %select_n3A_746 : vector<64x128xi1>, vector<64x128xf32>
        %select_n3A_828 = arith.select %and3A_826, %dot_general3A_813, %select_n3A_747 : vector<64x128xi1>, vector<64x128xf32>
        %select_n3A_829 = arith.select %and3A_826, %dot_general3A_819, %select_n3A_748 : vector<64x128xi1>, vector<64x128xf32>
        %convert_element_type3A_830 = arith.sitofp %add3A_755 : i32 to f32
        %broadcast_in_dim3A_831 = vector.broadcast %convert_element_type3A_830 : f32 to vector<64x128xf32>
        %select_n3A_832 = arith.select %and3A_826, %broadcast_in_dim3A_831, %select_n3A_751 : vector<64x128xi1>, vector<64x128xf32>
        %mul3A_833 = arith.constant 8 : i32
        %mul3A_834 = arith.muli %scan3A_241, %mul3A_833 : i32
        %add3A_835 = arith.constant 7 : i32
        %add3A_836 = arith.addi %mul3A_834, %add3A_835 : i32
        %get3A_837 = arith.index_cast %arg0 : i32 to index
        %get3A_838 = arith.index_cast %add3A_836 : i32 to index
        %get3A_839 = memref.load %arg2[%get3A_837, %get3A_838] : memref<4x96xi32, #tpu.memory_space<smem>>
        %get3A_840 = arith.index_cast %add3A_836 : i32 to index
        %get3A_841 = arith.constant 0 : index
        %get3A_842 = vector.load %arg8[%get3A_840, %get3A_841] : memref<96x128xf32, #tpu.memory_space<vmem>>, vector<1x128xf32>
        %sub3A_843 = vector.broadcast %get3A_842 : vector<1x128xf32> to vector<32x128xf32>
        %sub3A_844 = vector.broadcast %convert_element_type3A_44 : vector<32x1xf32> to vector<32x128xf32>
        %sub3A_845 = arith.subf %sub3A_843, %sub3A_844 : vector<32x128xf32>
        %abs3A_846 = math.absf %sub3A_845 : vector<32x128xf32>
        %sub3A_847 = arith.constant 1.000000e+00 : f32
        %sub3A_848 = vector.broadcast %sub3A_847 : f32 to vector<32x128xf32>
        %sub3A_849 = arith.subf %sub3A_848, %abs3A_846 : vector<32x128xf32>
        %max3A_850 = arith.constant 0.000000e+00 : f32
        %max3A_851 = vector.broadcast %max3A_850 : f32 to vector<32x128xf32>
        %max3A_852 = arith.maximumf %max3A_851, %sub3A_849 : vector<32x128xf32>
        %get3A_853 = arith.index_cast %add3A_836 : i32 to index
        %get3A_854 = arith.constant 0 : index
        %get3A_855 = vector.load %arg9[%get3A_853, %get3A_854] : memref<96x64xf32, #tpu.memory_space<vmem>>, vector<1x64xf32>
        %get3A_856 = arith.index_cast %add3A_836 : i32 to index
        %get3A_857 = arith.constant 0 : index
        %get3A_858 = vector.load %arg10[%get3A_856, %get3A_857] : memref<96x64xf32, #tpu.memory_space<vmem>>, vector<1x64xf32>
        %broadcast_in_dim3A_859 = vector.shape_cast %lt3A_48 : vector<64x1xi1> to vector<64x1xi1>
        %broadcast_in_dim3A_860 = vector.broadcast %broadcast_in_dim3A_859 : vector<64x1xi1> to vector<64x64xi1>
        %broadcast_in_dim3A_861 = vector.shape_cast %get3A_855 : vector<1x64xf32> to vector<1x64xf32>
        %broadcast_in_dim3A_862 = vector.broadcast %broadcast_in_dim3A_861 : vector<1x64xf32> to vector<64x64xf32>
        %broadcast_in_dim3A_863 = vector.shape_cast %get3A_858 : vector<1x64xf32> to vector<1x64xf32>
        %broadcast_in_dim3A_864 = vector.broadcast %broadcast_in_dim3A_863 : vector<1x64xf32> to vector<64x64xf32>
        %select_n3A_865 = arith.select %broadcast_in_dim3A_860, %broadcast_in_dim3A_862, %broadcast_in_dim3A_864 : vector<64x64xi1>, vector<64x64xf32>
        %sub3A_866 = vector.broadcast %convert_element_type3A_71 : vector<64x1xf32> to vector<64x64xf32>
        %sub3A_867 = arith.subf %select_n3A_865, %sub3A_866 : vector<64x64xf32>
        %abs3A_868 = math.absf %sub3A_867 : vector<64x64xf32>
        %sub3A_869 = arith.constant 1.000000e+00 : f32
        %sub3A_870 = vector.broadcast %sub3A_869 : f32 to vector<64x64xf32>
        %sub3A_871 = arith.subf %sub3A_870, %abs3A_868 : vector<64x64xf32>
        %max3A_872 = arith.constant 0.000000e+00 : f32
        %max3A_873 = vector.broadcast %max3A_872 : f32 to vector<64x64xf32>
        %max3A_874 = arith.maximumf %max3A_873, %sub3A_871 : vector<64x64xf32>
        %get3A_875 = arith.constant 0 : index
        %get3A_876 = arith.index_cast %get3A_839 : i32 to index
        %get3A_877 = arith.constant 0 : index
        %get3A_878 = arith.constant 0 : index
        %get3A_879 = vector.load %arg1[%get3A_875, %get3A_876, %get3A_877, %get3A_878] : memref<1x85x96x32xf32, #tpu.memory_space<vmem>>, vector<1x1x96x32xf32>
        %get3A_880 = vector.shape_cast %get3A_879 : vector<1x1x96x32xf32> to vector<96x32xf32>
        %dot_general3A_881 = arith.constant dense<0.000000e+00> : vector<96x128xf32>
        %dot_general3A_882 = tpu.matmul %get3A_880, %max3A_852, %dot_general3A_881 {dimension_numbers = #tpu.dot_dimension_numbers<[1], [0], [0], [1], [0, 0, 1, 1], [], []>, transpose_lhs_hint = false} : vector<96x32xf32>, vector<32x128xf32>, vector<96x128xf32> -> vector<96x128xf32>
        %slice3A_883 = vector.extract_strided_slice %dot_general3A_882 {offsets = [0, 0], sizes = [32, 128], strides = [1, 1]} : vector<96x128xf32> to vector<32x128xf32>
        %mul3A_884 = arith.mulf %slice3A_883, %mul3A_78 : vector<32x128xf32>
        %mul3A_885 = arith.mulf %slice3A_883, %sub3A_81 : vector<32x128xf32>
        %concatenate3A_886 = tpu.concatenate %mul3A_884, %mul3A_885 in 0 : vector<32x128xf32>, vector<32x128xf32> -> vector<64x128xf32>
        %dot_general3A_887 = arith.constant dense<0.000000e+00> : vector<64x128xf32>
        %dot_general3A_888 = tpu.matmul %max3A_874, %concatenate3A_886, %dot_general3A_887 {dimension_numbers = #tpu.dot_dimension_numbers<[0], [0], [1], [1], [0, 1, 1, 1], [], []>, transpose_lhs_hint = false} : vector<64x64xf32>, vector<64x128xf32>, vector<64x128xf32> -> vector<64x128xf32>
        %slice3A_889 = vector.extract_strided_slice %dot_general3A_882 {offsets = [32, 0], sizes = [32, 128], strides = [1, 1]} : vector<96x128xf32> to vector<32x128xf32>
        %mul3A_890 = arith.mulf %slice3A_889, %mul3A_78 : vector<32x128xf32>
        %mul3A_891 = arith.mulf %slice3A_889, %sub3A_81 : vector<32x128xf32>
        %concatenate3A_892 = tpu.concatenate %mul3A_890, %mul3A_891 in 0 : vector<32x128xf32>, vector<32x128xf32> -> vector<64x128xf32>
        %dot_general3A_893 = arith.constant dense<0.000000e+00> : vector<64x128xf32>
        %dot_general3A_894 = tpu.matmul %max3A_874, %concatenate3A_892, %dot_general3A_893 {dimension_numbers = #tpu.dot_dimension_numbers<[0], [0], [1], [1], [0, 1, 1, 1], [], []>, transpose_lhs_hint = false} : vector<64x64xf32>, vector<64x128xf32>, vector<64x128xf32> -> vector<64x128xf32>
        %slice3A_895 = vector.extract_strided_slice %dot_general3A_882 {offsets = [64, 0], sizes = [32, 128], strides = [1, 1]} : vector<96x128xf32> to vector<32x128xf32>
        %mul3A_896 = arith.mulf %slice3A_895, %mul3A_78 : vector<32x128xf32>
        %mul3A_897 = arith.mulf %slice3A_895, %sub3A_81 : vector<32x128xf32>
        %concatenate3A_898 = tpu.concatenate %mul3A_896, %mul3A_897 in 0 : vector<32x128xf32>, vector<32x128xf32> -> vector<64x128xf32>
        %dot_general3A_899 = arith.constant dense<0.000000e+00> : vector<64x128xf32>
        %dot_general3A_900 = tpu.matmul %max3A_874, %concatenate3A_898, %dot_general3A_899 {dimension_numbers = #tpu.dot_dimension_numbers<[0], [0], [1], [1], [0, 1, 1, 1], [], []>, transpose_lhs_hint = false} : vector<64x64xf32>, vector<64x128xf32>, vector<64x128xf32> -> vector<64x128xf32>
        %ne3A_901 = arith.constant 0.000000e+00 : f32
        %ne3A_902 = vector.broadcast %ne3A_901 : f32 to vector<64x128xf32>
        %ne3A_903 = arith.cmpf one, %dot_general3A_888, %ne3A_902 : vector<64x128xf32>
        %eq3A_904 = arith.constant 0x7F800000 : f32
        %eq3A_905 = vector.broadcast %eq3A_904 : f32 to vector<64x128xf32>
        %eq3A_906 = arith.cmpf oeq, %select_n3A_832, %eq3A_905 : vector<64x128xf32>
        %and3A_907 = arith.andi %ne3A_903, %eq3A_906 : vector<64x128xi1>
        %select_n3A_908 = arith.select %and3A_907, %dot_general3A_888, %select_n3A_827 : vector<64x128xi1>, vector<64x128xf32>
        %select_n3A_909 = arith.select %and3A_907, %dot_general3A_894, %select_n3A_828 : vector<64x128xi1>, vector<64x128xf32>
        %select_n3A_910 = arith.select %and3A_907, %dot_general3A_900, %select_n3A_829 : vector<64x128xi1>, vector<64x128xf32>
        %convert_element_type3A_911 = arith.sitofp %add3A_836 : i32 to f32
        %broadcast_in_dim3A_912 = vector.broadcast %convert_element_type3A_911 : f32 to vector<64x128xf32>
        %select_n3A_913 = arith.select %and3A_907, %broadcast_in_dim3A_912, %select_n3A_832 : vector<64x128xi1>, vector<64x128xf32>
        %swap3A_914 = arith.constant 0 : index
        %swap3A_915 = arith.constant 0 : index
        %swap3A_916 = arith.constant 0 : index
        %swap3A_917 = vector.load %arg5[%swap3A_914, %swap3A_915, %swap3A_916] : memref<3x64x128xf32, #tpu.memory_space<vmem>>, vector<1x64x128xf32>
        %swap3A_918 = vector.shape_cast %swap3A_917 : vector<1x64x128xf32> to vector<64x128xf32>
        %swap3A_919 = vector.shape_cast %select_n3A_908 : vector<64x128xf32> to vector<1x64x128xf32>
        tpu.vector_store %arg5[%swap3A_914, %swap3A_915, %swap3A_916], %swap3A_919 {strides = array<i32>} : memref<3x64x128xf32, #tpu.memory_space<vmem>>, vector<1x64x128xf32>,
        %swap3A_920 = arith.constant 1 : index
        %swap3A_921 = arith.constant 0 : index
        %swap3A_922 = arith.constant 0 : index
        %swap3A_923 = vector.load %arg5[%swap3A_920, %swap3A_921, %swap3A_922] : memref<3x64x128xf32, #tpu.memory_space<vmem>>, vector<1x64x128xf32>
        %swap3A_924 = vector.shape_cast %swap3A_923 : vector<1x64x128xf32> to vector<64x128xf32>
        %swap3A_925 = vector.shape_cast %select_n3A_909 : vector<64x128xf32> to vector<1x64x128xf32>
        tpu.vector_store %arg5[%swap3A_920, %swap3A_921, %swap3A_922], %swap3A_925 {strides = array<i32>} : memref<3x64x128xf32, #tpu.memory_space<vmem>>, vector<1x64x128xf32>,
        %swap3A_926 = arith.constant 2 : index
        %swap3A_927 = arith.constant 0 : index
        %swap3A_928 = arith.constant 0 : index
        %swap3A_929 = vector.load %arg5[%swap3A_926, %swap3A_927, %swap3A_928] : memref<3x64x128xf32, #tpu.memory_space<vmem>>, vector<1x64x128xf32>
        %swap3A_930 = vector.shape_cast %swap3A_929 : vector<1x64x128xf32> to vector<64x128xf32>
        %swap3A_931 = vector.shape_cast %select_n3A_910 : vector<64x128xf32> to vector<1x64x128xf32>
        tpu.vector_store %arg5[%swap3A_926, %swap3A_927, %swap3A_928], %swap3A_931 {strides = array<i32>} : memref<3x64x128xf32, #tpu.memory_space<vmem>>, vector<1x64x128xf32>,
        %swap3A_932 = arith.constant 0 : index
        %swap3A_933 = arith.constant 0 : index
        %swap3A_934 = vector.load %arg6[%swap3A_932, %swap3A_933] : memref<64x128xf32, #tpu.memory_space<vmem>>, vector<64x128xf32>
        tpu.vector_store %arg6[%swap3A_932, %swap3A_933], %select_n3A_913 {strides = array<i32>} : memref<64x128xf32, #tpu.memory_space<vmem>>, vector<64x128xf32>,
        %jit3A_935 = arith.constant 0xFF800000 : f32
        %broadcast_in_dim3A_936 = vector.broadcast %jit3A_935 : f32 to vector<64x128xf32>
        %select_n3A_937 = arith.select %broadcast_in_dim3A_83, %select_n3A_913, %broadcast_in_dim3A_936 : vector<64x128xi1>, vector<64x128xf32>
        %reduce_max3A = vector.shape_cast %select_n3A_937 : vector<64x128xf32> to vector<1x64x128xf32>
        %reduce_max3A_938 = arith.constant dense<0xFF800000> : vector<1xf32>
        %reduce_max3A_939 = vector.multi_reduction <maximumf>, %reduce_max3A, %reduce_max3A_938 [1, 2] : vector<1x64x128xf32> to vector<1xf32>
        %reduce_max3A_940 = vector.shape_cast %reduce_max3A_939 : vector<1xf32> to vector<1x1x1xf32>
        %reduce_max3A_941 = vector.extract %reduce_max3A_940[0, 0, 0] : f32 from vector<1x1x1xf32>
        %lt3A_942 = arith.constant 0x7F800000 : f32
        %lt3A_943 = arith.cmpf olt, %reduce_max3A_941, %lt3A_942 : f32
        %jit3A_944 = arith.constant 1 : i32
        %jit3A_945 = arith.constant 0 : i32
        %select_n3A_946 = arith.select %lt3A_943, %jit3A_944, %jit3A_945 : i32
        %swap3A_947 = arith.constant 0 : index
        %swap3A_948 = memref.load %arg7[%swap3A_947] : memref<1xi32, #tpu.memory_space<smem>>
        memref.store %select_n3A_946, %arg7[%swap3A_947] : memref<1xi32, #tpu.memory_space<smem>>
      } else {
      }
    }
    %scan3A_189 = arith.constant 11 : i32
    %get3A_190 = arith.constant 0 : index
    %get3A_191 = arith.constant 0 : index
    %get3A_192 = vector.load %arg6[%get3A_190, %get3A_191] : memref<64x128xf32, #tpu.memory_space<vmem>>, vector<64x128xf32>
    %slice3A_193 = vector.extract_strided_slice %get3A_192 {offsets = [0, 64], sizes = [64, 64], strides = [1, 1]} : vector<64x128xf32> to vector<64x64xf32>
    %slice3A_194 = vector.extract_strided_slice %get3A_192 {offsets = [0, 0], sizes = [64, 64], strides = [1, 1]} : vector<64x128xf32> to vector<64x64xf32>
    %lt3A_195 = arith.cmpf olt, %slice3A_193, %slice3A_194 : vector<64x64xf32>
    %get3A_196 = arith.constant 0 : index
    %get3A_197 = arith.constant 0 : index
    %get3A_198 = arith.constant 0 : index
    %get3A_199 = vector.load %arg5[%get3A_196, %get3A_197, %get3A_198] : memref<3x64x128xf32, #tpu.memory_space<vmem>>, vector<1x64x128xf32>
    %get3A_200 = vector.shape_cast %get3A_199 : vector<1x64x128xf32> to vector<64x128xf32>
    %slice3A_201 = vector.extract_strided_slice %get3A_200 {offsets = [0, 64], sizes = [64, 64], strides = [1, 1]} : vector<64x128xf32> to vector<64x64xf32>
    %slice3A_202 = vector.extract_strided_slice %get3A_200 {offsets = [0, 0], sizes = [64, 64], strides = [1, 1]} : vector<64x128xf32> to vector<64x64xf32>
    %select_n3A_203 = arith.select %lt3A_195, %slice3A_201, %slice3A_202 : vector<64x64xi1>, vector<64x64xf32>
    %swap3A_204 = arith.constant 0 : index
    %swap3A_205 = arith.constant 0 : index
    %swap3A_206 = arith.constant 0 : index
    %swap3A_207 = arith.constant 0 : index
    %swap3A_208 = vector.load %arg4[%swap3A_204, %swap3A_205, %swap3A_206, %swap3A_207] : memref<1x3x64x64xf32, #tpu.memory_space<vmem>>, vector<1x1x64x64xf32>
    %swap3A_209 = vector.shape_cast %swap3A_208 : vector<1x1x64x64xf32> to vector<64x64xf32>
    %swap3A_210 = vector.shape_cast %select_n3A_203 : vector<64x64xf32> to vector<1x1x64x64xf32>
    tpu.vector_store %arg4[%swap3A_204, %swap3A_205, %swap3A_206, %swap3A_207], %swap3A_210 {strides = array<i32>} : memref<1x3x64x64xf32, #tpu.memory_space<vmem>>, vector<1x1x64x64xf32>,
    %get3A_211 = arith.constant 1 : index
    %get3A_212 = arith.constant 0 : index
    %get3A_213 = arith.constant 0 : index
    %get3A_214 = vector.load %arg5[%get3A_211, %get3A_212, %get3A_213] : memref<3x64x128xf32, #tpu.memory_space<vmem>>, vector<1x64x128xf32>
    %get3A_215 = vector.shape_cast %get3A_214 : vector<1x64x128xf32> to vector<64x128xf32>
    %slice3A_216 = vector.extract_strided_slice %get3A_215 {offsets = [0, 64], sizes = [64, 64], strides = [1, 1]} : vector<64x128xf32> to vector<64x64xf32>
    %slice3A_217 = vector.extract_strided_slice %get3A_215 {offsets = [0, 0], sizes = [64, 64], strides = [1, 1]} : vector<64x128xf32> to vector<64x64xf32>
    %select_n3A_218 = arith.select %lt3A_195, %slice3A_216, %slice3A_217 : vector<64x64xi1>, vector<64x64xf32>
    %swap3A_219 = arith.constant 0 : index
    %swap3A_220 = arith.constant 1 : index
    %swap3A_221 = arith.constant 0 : index
    %swap3A_222 = arith.constant 0 : index
    %swap3A_223 = vector.load %arg4[%swap3A_219, %swap3A_220, %swap3A_221, %swap3A_222] : memref<1x3x64x64xf32, #tpu.memory_space<vmem>>, vector<1x1x64x64xf32>
    %swap3A_224 = vector.shape_cast %swap3A_223 : vector<1x1x64x64xf32> to vector<64x64xf32>
    %swap3A_225 = vector.shape_cast %select_n3A_218 : vector<64x64xf32> to vector<1x1x64x64xf32>
    tpu.vector_store %arg4[%swap3A_219, %swap3A_220, %swap3A_221, %swap3A_222], %swap3A_225 {strides = array<i32>} : memref<1x3x64x64xf32, #tpu.memory_space<vmem>>, vector<1x1x64x64xf32>,
    %get3A_226 = arith.constant 2 : index
    %get3A_227 = arith.constant 0 : index
    %get3A_228 = arith.constant 0 : index
    %get3A_229 = vector.load %arg5[%get3A_226, %get3A_227, %get3A_228] : memref<3x64x128xf32, #tpu.memory_space<vmem>>, vector<1x64x128xf32>
    %get3A_230 = vector.shape_cast %get3A_229 : vector<1x64x128xf32> to vector<64x128xf32>
    %slice3A_231 = vector.extract_strided_slice %get3A_230 {offsets = [0, 64], sizes = [64, 64], strides = [1, 1]} : vector<64x128xf32> to vector<64x64xf32>
    %slice3A_232 = vector.extract_strided_slice %get3A_230 {offsets = [0, 0], sizes = [64, 64], strides = [1, 1]} : vector<64x128xf32> to vector<64x64xf32>
    %select_n3A_233 = arith.select %lt3A_195, %slice3A_231, %slice3A_232 : vector<64x64xi1>, vector<64x64xf32>
    %swap3A_234 = arith.constant 0 : index
    %swap3A_235 = arith.constant 2 : index
    %swap3A_236 = arith.constant 0 : index
    %swap3A_237 = arith.constant 0 : index
    %swap3A_238 = vector.load %arg4[%swap3A_234, %swap3A_235, %swap3A_236, %swap3A_237] : memref<1x3x64x64xf32, #tpu.memory_space<vmem>>, vector<1x1x64x64xf32>
    %swap3A_239 = vector.shape_cast %swap3A_238 : vector<1x1x64x64xf32> to vector<64x64xf32>
    %swap3A_240 = vector.shape_cast %select_n3A_233 : vector<64x64xf32> to vector<1x1x64x64xf32>
    tpu.vector_store %arg4[%swap3A_234, %swap3A_235, %swap3A_236, %swap3A_237], %swap3A_240 {strides = array<i32>} : memref<1x3x64x64xf32, #tpu.memory_space<vmem>>, vector<1x1x64x64xf32>,
    return
  }
  func.func @transform_0(%arg0: i32) -> (i32, i32, i32, i32) {
    %c0_i32 = arith.constant 0 : i32
    %c0_i32_0 = arith.constant 0 : i32
    %c0_i32_1 = arith.constant 0 : i32
    %c0_i32_2 = arith.constant 0 : i32
    return %arg0, %c0_i32, %c0_i32_0, %c0_i32_1 : i32, i32, i32, i32
  }
  func.func @transform_1(%arg0: i32) -> (i32, i32) {
    %c0_i32 = arith.constant 0 : i32
    %c0_i32_0 = arith.constant 0 : i32
    %c0_i32_1 = arith.constant 0 : i32
    return %c0_i32, %c0_i32_0 : i32, i32
  }
  func.func @transform_2(%arg0: i32) -> (i32, i32, i32) {
    %c0_i32 = arith.constant 0 : i32
    %c0_i32_0 = arith.constant 0 : i32
    %c0_i32_1 = arith.constant 0 : i32
    return %arg0, %c0_i32, %c0_i32_0 : i32, i32, i32
  }
  func.func @transform_3(%arg0: i32) -> (i32, i32, i32, i32) {
    %c0_i32 = arith.constant 0 : i32
    %c0_i32_0 = arith.constant 0 : i32
    %c0_i32_1 = arith.constant 0 : i32
    %c0_i32_2 = arith.constant 0 : i32
    return %arg0, %c0_i32, %c0_i32_0, %c0_i32_1 : i32, i32, i32, i32
  }
}

</mosaic_0001>

<sc_bundles>
// kernel: kernel.5.cloned.1.call-start
scs
__scs_entry_jumppad:
0x0: {  	(pc) =	sbr.rel $0x88, $3  }
0x1: {  	(tag) =	ssettag $0x0;
	lr =	simm.s32 $0x1  }
0x2: {  	[smem:$0x3F9B] =	sst lr;
	_ =	strace $0xD0000000  }
0x3: {  	_ = 	snop  }
0x4: {  	_ = 	snop  }
0x5: {  	_ = 	snop  }
0x6: {  	_ = 	snop  }
0x7: {  	_ = 	snop  }
__scs_overlays_trampoline_lowered:
0x8: {  	[smem:$0x3FAA] =	sst s0  }
0x9: {  	[smem:$0x3FAB] =	sst s1  }
0xa: {  	[smem:$0x3FAC] =	sst s2  }
0xb: {  	[smem:$0x3FAD] =	sst s3  }
0xc: {  	[smem:$0x3FAE] =	sst s4  }
0xd: {  	[smem:$0x3FAF] =	sst s5  }
0xe: {  	[smem:$0x3FB0] =	sst s6  }
0xf: {  	[smem:$0x3FB1] =	sst s7  }
0x10: {  	[smem:$0x3FB2] =	sst s8  }
0x11: {  	[smem:$0x3FB3] =	sst s9;
	s0 =	simm.s32 @!p0 $0x0  }
0x12: {  	s1 =	sld [smem:$0x3F99];
	s0 =	simm.s32 @p0 $0x1  }
0x13: {  	[smem:$0x3FB4] =	sst s0;
	s0 =	simm.s32 @!p1 $0x0  }
0x14: {  	s2 =	sld [smem:$0x3F98];
	s0 =	simm.s32 @p1 $0x1  }
0x15: {  	[smem:$0x3FB5] =	sst s0;
	s0 =	simm.s32 @!p2 $0x0  }
0x16: {  	s3 =	sld [smem:$0x3FDB];
	s0 =	simm.s32 @p2 $0x1  }
0x17: {  	s4 =	simm.s32 $0x1BF5;
	[smem:$0x3FB7] =	sst s0  }
0x18: {  	s0 =	sld [smem:$0x3F9A];
	_ =	swait.ge [sflag:s4], $0x0  }
0x19: {  	s7 =	sld [smem:$0x3F9B]  }
0x1a: {  	s8 =	sadd.s32 $0xFFFFE003, lr  }
0x1b: {  	s9 =	sadd.s32 $0xFFFFFEF7, lr;
	s5 =	simm.s32 $0xFFFFFFFF;
	p2 =	slt.u32 s8, $0xFFFFF086  }
0x1c: {  	p1 =	slt.u32 s9, $0xF7A;
	s5 =	simm.s32 @!p2 $0x0  }
0x1d: {  	s5 =	simm.s32 @p1 $0x1;
	p0 =	seq.s32 s7, s2  }
0x1e: {  	s7 =	smul.u32 @!p0 $0xF7A, s2;
	p2 =	seq.s32 @!p0 s5, $0x0  }
0x1f: {  	s9 =	smul.u32 $0xF7A, s1;
	s8 =	simm.s32 @!p0 $0x1BF5;
	p2 =	por !p2, p0  }
0x20: {  	[sflag:s8] =	ssyncset.s32 @!p0 $0xFFFFF086;
	s6 =	sadd.s32 @!p0 s3, s7;
	s7 =	simm.s32 @!p0 $0x108  }
0x21: {  	s3 =	sadd.s32 s3, s9;
	s6 =	sadd.s32 @!p0 $0x88, s6;
	s7 =	simm.s32 @p2 $0x1082  }
0x22: {  	[simem:s7], [sflag:s8] =	dma.local @!p0 [hbm:s6], $0xF7A  }
0x23: {  	s9 =	sor.u32 $0xD0000000, s2;
	s6 =	simm.s32 $0x108;
	_ =	swait.ge @!p0 [sflag:s8], $0x0  }
0x24: {  	s3 =	sadd.s32 $0x88, s3;
	s6 =	simm.s32 @!p1 $0x1082;
	[sflag:s4] =	ssyncset.s32 $0xFFFFF086  }
0x25: {  	[simem:s6], [sflag:s4] =	dma.local [hbm:s3], $0xF7A  }
0x26: {  	[smem:$0x3F9B] =	sst s1;
	(tag) =	ssettag s2;
	_ =	strace s9  }
0x27: {  	s1 =	sld [smem:$0x3FAB]  }
0x28: {  	s2 =	sld [smem:$0x3FAC]  }
0x29: {  	s4 =	sld [smem:$0x3FAE]  }
0x2a: {  	p0 =	seq.s32 s5, $0x0;
	s5 =	sld [smem:$0x3FAF]  }
0x2b: {  	s6 =	sld [smem:$0x3FB0]  }
0x2c: {  	s7 =	sld [smem:$0x3FB1]  }
0x2d: {  	s3 =	simm.s32 $0x108;
	s8 =	sld [smem:$0x3FB2]  }
0x2e: {  	s3 =	simm.s32 @!p0 $0x1082;
	s9 =	sld [smem:$0x3FB3]  }
0x2f: {  	lr =	sadd.s32 s0, s3;
	s0 =	sld [smem:$0x3FAA]  }
0x30: {  	s3 =	sld [smem:$0x3FAD]  }
0x31: {  	[smem:$0x3FB6] =	sst s10  }
0x32: {  	s10 =	sld [smem:$0x3FB4];
	_ =	sdelay $0x3  }
0x33: {  	p0 =	seq.s32 s10, $0x1;
	s10 =	sld [smem:$0x3FB6];
	_ =	sdelay $0x3  }
0x34: {  	[smem:$0x3FB6] =	sst s10  }
0x35: {  	s10 =	sld [smem:$0x3FB5];
	_ =	sdelay $0x3  }
0x36: {  	p1 =	seq.s32 s10, $0x1;
	s10 =	sld [smem:$0x3FB6];
	_ =	sdelay $0x3  }
0x37: {  	[smem:$0x3FB6] =	sst s10  }
0x38: {  	s10 =	sld [smem:$0x3FB7]  }
0x39: {  	_ = 	snop;
	(pc) =	sbr.ind lr, $3  }
0x3a: {  	_ = 	snop  }
0x3b: {  	_ = 	snop  }
0x3c: {  	p2 =	seq.s32 s10, $0x1;
	s10 =	sld [smem:$0x3FB6]  }
0x3d: {  	_ =	shalt  }
0x3e: {  	_ =	shalt  }
0x3f: {  	_ =	shalt  }
0x40: {  	_ =	shalt  }
0x41: {  	_ =	shalt  }
0x42: {  	_ =	shalt  }
0x43: {  	_ =	shalt  }
0x44: {  	_ =	shalt  }
0x45: {  	_ =	shalt  }
0x46: {  	_ =	shalt  }
0x47: {  	_ =	shalt  }
0x48: {  	_ =	shalt  }
0x49: {  	_ =	shalt  }
0x4a: {  	_ =	shalt  }
0x4b: {  	_ =	shalt  }
0x4c: {  	_ =	shalt  }
0x4d: {  	_ =	shalt  }
0x4e: {  	_ =	shalt  }
0x4f: {  	_ =	shalt  }
0x50: {  	_ =	shalt  }
0x51: {  	_ =	shalt  }
0x52: {  	_ =	shalt  }
0x53: {  	_ =	shalt  }
0x54: {  	_ =	shalt  }
0x55: {  	_ =	shalt  }
0x56: {  	_ =	shalt  }
0x57: {  	_ =	shalt  }
0x58: {  	_ =	shalt  }
0x59: {  	_ =	shalt  }
0x5a: {  	_ =	shalt  }
0x5b: {  	_ =	shalt  }
0x5c: {  	_ =	shalt  }
0x5d: {  	_ =	shalt  }
0x5e: {  	_ =	shalt  }
0x5f: {  	_ =	shalt  }
0x60: {  	_ =	shalt  }
0x61: {  	_ =	shalt  }
0x62: {  	_ =	shalt  }
0x63: {  	_ =	shalt  }
0x64: {  	_ =	shalt  }
0x65: {  	_ =	shalt  }
0x66: {  	_ =	shalt  }
0x67: {  	_ =	shalt  }
0x68: {  	_ =	shalt  }
0x69: {  	_ =	shalt  }
0x6a: {  	_ =	shalt  }
0x6b: {  	_ =	shalt  }
0x6c: {  	_ =	shalt  }
0x6d: {  	_ =	shalt  }
0x6e: {  	_ =	shalt  }
0x6f: {  	_ =	shalt  }
0x70: {  	_ =	shalt  }
0x71: {  	_ =	shalt  }
0x72: {  	_ =	shalt  }
0x73: {  	_ =	shalt  }
0x74: {  	_ =	shalt  }
0x75: {  	_ =	shalt  }
0x76: {  	_ =	shalt  }
0x77: {  	_ =	shalt  }
0x78: {  	_ =	shalt  }
0x79: {  	_ =	shalt  }
0x7a: {  	_ =	shalt  }
0x7b: {  	_ =	shalt  }
0x7c: {  	_ =	shalt  }
0x7d: {  	_ =	shalt  }
0x7e: {  	_ =	shalt  }
0x7f: {  	_ =	shalt  }
0x80: {  	_ =	shalt  }
0x81: {  	_ =	shalt  }
0x82: {  	_ =	shalt  }
0x83: {  	_ =	shalt  }
0x84: {  	_ =	shalt  }
0x85: {  	_ =	shalt  }
0x86: {  	_ =	shalt  }
0x87: {  	_ =	shalt  }
.Lfunc_end0:
.L_simem_size_0:
called_computation_lowered:
.L_overlay_start_0:
0x88: {  	s2 =	sld [smem:$0x3FD9]  }
0x89: {  	s3 =	sld [smem:$0x3FFE];
	_ =	sdelay $0x1  }
0x8a: {  	s1 =	srdreg.scid  }
0x8b: {  	s0 =	sand.u32 $0x1, s1  }
0x8c: {  	s17 =	sshll.u32 s0, $0xA;
	s2 =	sadd.s32 s3, s2  }
0x8d: {  	s2 =	sadd.s32 s2, s17  }
0x8e: {  	[smem:$0x3FC2] =	sst s2  }
0x8f: {  	_ = 	snop  }
0x90: {  	s2 =	sld [smem:$0x3FD0];
	(tm) =	ssettm $0x1  }
0x91: {  	s18 =	sld [smem:$0x3FFB];
	_ =	sdelay $0x3  }
0x92: {  	_ =	strace s18  }
0x93: {  	s3 =	sld [smem:$0x3FFC];
	_ =	sdelay $0x3  }
0x94: {  	_ =	strace s3  }
0x95: {  	s3 =	sld [smem:$0x3FFD];
	_ =	sdelay $0x3  }
0x96: {  	_ =	strace s3  }
0x97: {  	_ =	strace $0x8FFFFFFF  }
0x98: {  	s19 =	sld [smem:$0x3FDB];
	_ =	sdelay $0x1  }
0x99: {  	s4 =	simm.s32 $_scs_section_size  }
0x9a: {  	s5 =	simm.s32 $_size__tile_overlayer_lowered;
	s6 =	simm.s32 $_tile_overlayer_lowered  }
0x9b: {  	s22 =	simm.s32 $0x1BFF;
	s21 =	sshll.u32 s6, $0x1;
	s3 =	sadd.s32 s4, s19  }
0x9c: {  	s7 =	simm.s32 $0x0;
	s20 =	sshll.u32 s5, $0x1;
	s5 =	sadd.s32 s21, s3  }
0x9d: {  	[timem:s7], [sflag:s22] =	dma.local [hbm:s5], s20  }
0x9e: {  	_ =	swait.ge [sflag:s22], s20  }
0x9f: {  	s4 =	ssub.s32 $0x0, s20;
	[sflag:s22] =	ssyncset.done $0x0  }
0xa0: {  	[sflag:s22] =	ssyncadd.s32 s4;
	_ =	sdelay $0x1  }
0xa1: {  	s23 =	simm.s32 $0x1B8B  }
0xa2: {  	_ =	swait.ge [sflag:s23], $0x1  }
0xa3: {  	[sflag:s23] =	ssyncset.done $0x0  }
0xa4: {  	s25 =	simm.s32 $0x1B8E;
	s24 =	sld [smem:$0x3FFE];
	[sflag:s23] =	ssyncadd.s32 $0xFFFFFFFF  }
0xa5: {  	s26 =	simm.s32 $execute0_lowered;
	[smem:$0x3FD2] =	sst s25  }
0xa6: {  	s5 =	sshll.u32 s26, $0x1;
	_ =	strace $0x80000046;
	[dreg:$0x1] =	wrdreg $0xFFFFFFFF  }
0xa7: {  	s28 =	simm.s32 $_size_execute0_lowered;
	s3 =	sadd.s32 s3, s5;
	[dreg:$0x0] =	wrdreg $0x0  }
0xa8: {  	s5 =	sshll.u32 s28, $0x1;
	[dreg:$0x2] =	wrdreg s3  }
0xa9: {  	[dreg:$0x3] =	wrdreg s5  }
0xaa: {  	[dreg:$0x4] =	wrdreg $0xC0  }
0xab: {  	_ =	task [dreg:s7], $0x5FFFF  }
0xac: {  	[dreg:$0x1] =	wrdreg $0xFFFFFFFF  }
0xad: {  	[dreg:$0x0] =	wrdreg $0x60  }
0xae: {  	[dreg:$0x2] =	wrdreg s24  }
0xaf: {  	[dreg:$0x3] =	wrdreg s2  }
0xb0: {  	[dreg:$0x4] =	wrdreg $0x9  }
0xb1: {  	_ =	task.clear_ibuf [dreg:s7], $0x5FFFF;
	_ =	strace $0x90000046  }
0xb2: {  	s29 =	simm.s32 $0x9;
	_ =	strace $0x80000048  }
0xb3: {  	_ =	swait.ge [sflag:s29], $0x1  }
0xb4: {  	[sflag:s29] =	ssyncadd.s32 $0xFFFFFFFF  }
0xb5: {  	_ =	strace $0x90000048  }
0xb6: {  	_ =	sfence  }
0xb7: {  	s30 =	sld [smem:$0x0];
	_ =	sdelay $0x2  }
0xb8: {  	s31 =	sshll.u32 s1, $0xD;
	s1 =	sshrl.u32 s1, $0x2  }
0xb9: {  	s3 =	sand.u32 $0x4000, s31;
	s1 =	sadd.s32 s1, s30  }
0xba: {  	s0 =	sor.u32 s3, s0;
	s1 =	sshll.u32 s1, $0x11  }
0xbb: {  	s0 =	sor.u32 s1, s0  }
0xbc: {  	s0 =	sadd.s32 $0x8F2B, s0  }
0xbd: {  	[sflag:s0] =	ssyncadd.remote.s32 $0x1  }
0xbe: {  	_ =	sfence.sel $0xFFFF  }
0xbf: {  	[dreg:$0x0] =	wrdreg $0xFFFFFFFF;
	(pc) =	sbr.abs _section_cstart, $3  }
0xc0: {  	[dreg:$0x1] =	wrdreg $0xFFFFFFFF  }
0xc1: {  	_ =	task.clear_ibuf [dreg:s7], $0x2FFFF;
	_ =	strace $0x9FFFFFFF  }
0xc2: {  	(tm) =	ssettm $0x7FFFFFFF  }
0xc3: {  	_ =	shalt  }
tec
execute0_lowered:
.L_overlay_start_1:
0x0: {  	(tag) =	ssettag $0x1  }
0x1: {  	s1 =	stileid.u32  }
0x2: {  	p0 =	sgt.u32 s1, $0x1  }
.Ltmp0:
0x3: {  	_ = 	snop;
	(pc) =	sbr.rel @p0 .LBB2_5-.Ltmp0, $4  }
0x4: {  	s4 =	rddreg [dreg:$0x0]  }
0x5: {  	s6 =	rddreg [dreg:$0x1];
	s2 =	simm.s32 $0x0  }
0x6: {  	[smem:$0x7FF] =	sst s2  }
0x7: {  	s0 =	rddreg [dreg:$0x2];
	_ =	strace $0x80000047  }
0x8: {  	s3 =	srdreg.scid  }
0x9: {  	s30 =	sshll.u32 s1, $0x1;
	v0 =	vlaneseq.u32;
	s7 =	sand.u32 $0x1, s3  }
0xa: {  	v2 =	vmul.u32 $0x2, v0;
	s5 =	sor.u32 s7, s30  }
0xb: {  	s3 =	smul.u32 $0xAA, s5  }
0xc: {  	v62 =	vimm.s32 $0xA6A4A2A0;
	v5 =	vimm.s32 $0xA7A5A3A1;
	v3 =	vor.u32 $0x1, v2  }
0xd: {  	vm0 =	vcmask $0xF00;
	vm1 =	vcmask $0x1310;
	v3 =	vadd.s32 s3, v3  }
0xe: {  	vm15 =	vmmov $0x1f;
	v14 =	vimm.s32 $0x0;
	[tilespmem:$0x1FEF0] =	vst v3;
	v3 =	vor.u32 $0x20, v2  }
0xf: {  	v23 =	vimm.f32 $0.0e+00;
	v25 =	vimm.f32 $1.000000000e+09;
	v3 =	vadd.s32 s3, v3  }
0x10: {  	v5 =	vunpack.c.0.s8.s32 v5;
	v15 =	vor.u32 $0x10, v0;
	[tilespmem:$0x1FF00] =	vst v3;
	v3 =	vor.u32 $0x21, v2  }
0x11: {  	v16 =	vor.u32 $0x20, v0;
	v61 =	vor.u32 $0x40, v2;
	v3 =	vadd.s32 s3, v3  }
0x12: {  	v17 =	vmul.u32 $0x80, v0;
	v18 =	vor.u32 $0x30, v0;
	[tilespmem:$0x1FF10] =	vst v3;
	v3 =	vadd.s32 s3, v61  }
0x13: {  	v19 =	vor.u32 $0x40, v0;
	v20 =	vor.u32 $0x50, v0;
	[tilespmem:$0x1FF20] =	vst v3;
	v3 =	vor.u32 $0x41, v2  }
0x14: {  	v63 =	vand.u32 $0xFF, v5;
	v29 =	vor.u32 $0x4, v17;
	v3 =	vadd.s32 s3, v3  }
0x15: {  	v30 =	vor.u32 $0x5, v17;
	v31 =	vor.u32 $0x6, v17;
	[tilespmem:$0x1FF30] =	vst v3;
	v3 =	vor.u32 $0x60, v2  }
0x16: {  	v32 =	vor.u32 $0x7, v17;
	v33 =	vor.u32 $0x8, v17;
	v3 =	vadd.s32 s3, v3  }
0x17: {  	v34 =	vor.u32 $0x9, v17;
	v4 =	vadd.s32 s3, v2;
	[tilespmem:$0x1FF40] =	vst v3;
	v3 =	vor.u32 $0x61, v2  }
0x18: {  	v35 =	vor.u32 $0x80A, v17;
	[tilespmem:$0x1FEE0] =	vst v4;
	v4 =	vunpack.c.0.s8.s32 v62;
	v3 =	vadd.s32 s3, v3  }
0x19: {  	v36 =	vor.u32 $0x80B, v17;
	v37 =	vor.u32 $0x800, v17;
	[tilespmem:$0x1FF50] =	vst v3;
	v3 =	vor.u32 $0x80, v2  }
0x1a: {  	v38 =	vor.u32 $0x801, v17;
	v4 =	vand.u32 $0xFF, v4;
	v3 =	vadd.s32 s3, v3  }
0x1b: {  	v39 =	vor.u32 $0x802, v17;
	v2 =	vor.u32 $0x81, v2;
	[tilespmem:$0x1FF60] =	vst v3;
	v3 =	vnsel vm0, $0xA9, v4  }
0x1c: {  	v40 =	vor.u32 $0x803, v17;
	v2 =	vadd.s32 s3, v2;
	v3 =	vsel vm1, $0xA8, v3  }
0x1d: {  	v41 =	vor.u32 $0x804, v17;
	v42 =	vor.u32 $0x805, v17;
	[tilespmem:$0x1FF70] =	vst v2;
	v2 =	vadd.s32 s3, v3  }
0x1e: {  	v43 =	vor.u32 $0x806, v17;
	v44 =	vor.u32 $0x807, v17;
	[tilespmem:$0x1FF80] =	vst v2;
	v2 =	vnsel vm0, $0xA9, v63  }
0x1f: {  	v45 =	vor.u32 $0x808, v17;
	v46 =	vor.u32 $0x809, v17;
	v2 =	vadd.s32 s3, v2  }
0x20: {  	v47 =	vor.u32 $0x100A, v17;
	v48 =	vor.u32 $0x100B, v17;
	[tilespmem:$0x1FF90] =	vst v2;
	v2 =	vimm.s32 $0x0  }
0x21: {  	s9 =	sadd.s32 $0x600, s4;
	s14 =	simm.s32 $0x0;
	s7 =	ssub.s32 $0x2, s7;
	v49 =	vor.u32 $0x1000, v17;
	v50 =	vor.u32 $0x1001, v17;
	v2 =	vsel vm15, $0xFFFFFFFF, v2  }
0x22: {  	s8 =	smul.u32 $0x55, s5;
	s10 =	sshll.u32 s5, $0x4;
	s13 =	sshrl.u32 s7, $0x1;
	v51 =	vor.u32 $0x1002, v17;
	v52 =	vor.u32 $0x1003, v17;
	[tilespmem:$0x1FFA0] =	vst v2;
	v2 =	vor.u32 $0xA, v17  }
0x23: {  	s12 =	smul.u32 $0x600, s5;
	v53 =	vor.u32 $0x1004, v17;
	v54 =	vor.u32 $0x1005, v17;
	s11 =	sadd.s32 s10, s4;
	s31 =	ssub.s32 s7, s13;
	[tilespmem:$0x1FFB0] =	vst v2;
	v2 =	vor.u32 $0xB, v17  }
0x24: {  	v55 =	vor.u32 $0x1006, v17;
	v56 =	vor.u32 $0x1007, v17;
	s7 =	sadd.s32 s9, s10;
	s9 =	simm.s32 $0x1;
	s10 =	simm.s32 $0x80;
	[tilespmem:$0x1FFC0] =	vst v2;
	v2 =	vor.u32 $0x1, v17  }
0x25: {  	v57 =	vor.u32 $0x1008, v17;
	v58 =	vor.u32 $0x1009, v17;
	s13 =	simm.s32 $0x700;
	s8 =	sadd.s32 s8, s4;
	s5 =	sadd.s32 $0xC00, s11;
	[tilespmem:$0x1FFD0] =	vst v2;
	v2 =	vor.u32 $0x2, v17  }
0x26: {  	v59 =	vor.u32 $0x180A, v17;
	v60 =	vor.u32 $0x180B, v17;
	s6 =	sadd.s32 s6, s12;
	s11 =	simm.s32 $0x380;
	s12 =	simm.s32 $0x680;
	[tilespmem:$0x1FFE0] =	vst v2;
	v2 =	vor.u32 $0x3, v17  }
0x27: {  	v1 =	vmov s3;
	v62 =	vor.u32 $0x1801, v17;
	v61 =	vor.u32 $0x1800, v17;
	s3 =	sadd.s32 $0x800, s4;
	s4 =	sadd.s32 $0xA00, s8;
	s8 =	smax.u32 s31, $0x1;
	[tilespmem:$0x1FFF0] =	vst v2  }
.LBB2_2:
0x28: {  	s15 =	simm.s32 $0x0  }
0x29: {  	[tilespmem:s15], [sflag:$0x1] =	stream.linear.gather [hbm4b:s7+s15], $0x80, $0x38;
	[tilespmem:$0x3700] =	vst v63  }
0x2a: {  	_ =	swait.ge [sflag:s9], $0x80  }
0x2b: {  	[sflag:s9] =	ssyncset.done $0x0  }
0x2c: {  	[sflag:s9] =	ssyncadd.s32 $0xFFFFFF80  }
0x2d: {  	[tilespmem:s10], [sflag:$0x1] =	stream.linear.gather [hbm4b:s3+s15], $0x300, $0x38;
	[tilespmem:$0x3700] =	vst v63  }
0x2e: {  	_ =	swait.ge [sflag:s9], $0x300  }
0x2f: {  	[sflag:s9] =	ssyncset.done $0x0  }
0x30: {  	[sflag:s9] =	ssyncadd.s32 $0xFFFFFD00  }
0x31: {  	[tilespmem:s11], [sflag:$0x1] =	stream.linear.gather [hbm4b:s4+s15], $0x2A8, $0x38;
	[tilespmem:$0x3700] =	vst v63  }
0x32: {  	_ =	swait.ge [sflag:s9], $0x2A8  }
0x33: {  	v2 =	vld [tilespmem:$0x1FEE0]  }
0x34: {  	v3 =	vld [tilespmem:$0x1FEF0];
	_ =	sdelay $0x4  }
0x35: {  	[sflag:s9] =	ssyncset.done $0x0  }
0x36: {  	[sflag:s9] =	ssyncadd.s32 $0xFFFFFD58  }
0x37: {  	v2 =	vld.idx.msk [tilespmem:v2+s10+$0x0], $0xffff  }
0x38: {  	v3 =	vld.idx.msk [tilespmem:v3+s10+$0x0], $0xffff;
	_ =	sdelay $0x4  }
0x39: {  	vm0 =	veq.s32 v2, $0x1;
	vm1 =	veq.s32 v3, $0x1  }
0x3a: {  	v4 =	vld [tilespmem:$0x0];
	v2 =	vimm.s32 $0x0;
	vm0 =	vmor vm0, vm1  }
0x3b: {  	v3 =	vld [tilespmem:$0x1FF10];
	v2 =	vsel vm0, $0xFFFFFFFF, v2  }
0x3c: {  	[tilespmem:$0x1FEA0] =	vst v2;
	v2 =	vld [tilespmem:$0x1FF00];
	_ =	sdelay $0x4  }
0x3d: {  	[tilespmem:$0x680] =	vst v14;
	v21 =	vnsel vm0, $0xFF800000, v4  }
0x3e: {  	[tilespmem:$0x0] =	vst v21  }
0x3f: {  	v3 =	vld.idx.msk [tilespmem:v3+s10+$0x0], $0xffff  }
0x40: {  	v2 =	vld.idx.msk [tilespmem:v2+s10+$0x0], $0xffff;
	_ =	sdelay $0x4  }
0x41: {  	vm1 =	veq.s32 v3, $0x1;
	vm0 =	veq.s32 v2, $0x1  }
0x42: {  	v4 =	vld [tilespmem:$0x10];
	v2 =	vimm.s32 $0x0;
	vm0 =	vmor vm0, vm1  }
0x43: {  	v3 =	vld [tilespmem:$0x1FF30];
	v2 =	vsel vm0, $0xFFFFFFFF, v2  }
0x44: {  	[tilespmem:$0x1FEB0] =	vst v2;
	v2 =	vld [tilespmem:$0x1FF20];
	_ =	sdelay $0x4  }
0x45: {  	[tilespmem:$0x690] =	vst v14;
	v63 =	vnsel vm0, $0xFF800000, v4  }
0x46: {  	[tilespmem:$0x10] =	vst v63  }
0x47: {  	v3 =	vld.idx.msk [tilespmem:v3+s10+$0x0], $0xffff  }
0x48: {  	v2 =	vld.idx.msk [tilespmem:v2+s10+$0x0], $0xffff;
	_ =	sdelay $0x2  }
0x49: {  	v4 =	vld [tilespmem:$0x20];
	_ =	sdelay $0x1  }
0x4a: {  	vm1 =	veq.s32 v3, $0x1;
	vm0 =	veq.s32 v2, $0x1  }
0x4b: {  	v2 =	vimm.s32 $0x0;
	vm0 =	vmor vm0, vm1  }
0x4c: {  	v3 =	vld [tilespmem:$0x1FF40];
	v2 =	vsel vm0, $0xFFFFFFFF, v2  }
0x4d: {  	[tilespmem:$0x1FEC0] =	vst v2;
	v2 =	vnsel vm0, $0xFF800000, v4;
	v4 =	vld [tilespmem:$0x1FF50];
	_ =	sdelay $0x4  }
0x4e: {  	[tilespmem:$0x6A0] =	vst v14  }
0x4f: {  	[tilespmem:$0x20] =	vst v2  }
0x50: {  	v3 =	vld.idx.msk [tilespmem:v3+s10+$0x0], $0xffff  }
0x51: {  	v4 =	vld.idx.msk [tilespmem:v4+s10+$0x0], $0xffff;
	_ =	sdelay $0x2  }
0x52: {  	v5 =	vld [tilespmem:$0x30];
	_ =	sdelay $0x1  }
0x53: {  	vm0 =	veq.s32 v3, $0x1;
	vm1 =	veq.s32 v4, $0x1  }
0x54: {  	v3 =	vimm.s32 $0x0;
	vm0 =	vmor vm0, vm1  }
0x55: {  	v4 =	vld [tilespmem:$0x1FF60];
	v3 =	vsel vm0, $0xFFFFFFFF, v3  }
0x56: {  	[tilespmem:$0x1FED0] =	vst v3;
	v3 =	vnsel vm0, $0xFF800000, v5;
	v5 =	vld [tilespmem:$0x1FF70];
	_ =	sdelay $0x4  }
0x57: {  	[tilespmem:$0x6B0] =	vst v14  }
0x58: {  	[tilespmem:$0x30] =	vst v3  }
0x59: {  	v4 =	vld.idx.msk [tilespmem:v4+s10+$0x0], $0xffff  }
0x5a: {  	v5 =	vld.idx.msk [tilespmem:v5+s10+$0x0], $0xffff;
	_ =	sdelay $0x1  }
0x5b: {  	v6 =	vld [tilespmem:$0x40];
	_ =	sdelay $0x2  }
0x5c: {  	vm0 =	veq.s32 v4, $0x1;
	vm1 =	veq.s32 v5, $0x1  }
0x5d: {  	vm5 =	vmor vm0, vm1  }
0x5e: {  	v4 =	vnsel vm5, $0xFF800000, v6;
	v6 =	vld [tilespmem:$0x1FF90];
	_ =	sdelay $0x3  }
0x5f: {  	v5 =	vld [tilespmem:$0x1FF80];
	_ =	sdelay $0x1  }
0x60: {  	[tilespmem:$0x6C0] =	vst v14  }
0x61: {  	[tilespmem:$0x40] =	vst v4  }
0x62: {  	v6 =	vld.idx.msk [tilespmem:v6+s10+$0x0], $0xffff;
	_ =	sdelay $0x3  }
0x63: {  	v5 =	vld.idx.msk [tilespmem:v5+s10+$0x0], $0xffff  }
0x64: {  	vm1 =	veq.s32 v6, $0x1;
	v6 =	vld [tilespmem:$0x1FFA0];
	_ =	sdelay $0x1  }
0x65: {  	v7 =	vld [tilespmem:$0x50];
	_ =	sdelay $0x1  }
0x66: {  	vm0 =	veq.s32 v5, $0x1;
	v5 =	vmov s15  }
0x67: {  	vm0 =	vmor vm0, vm1;
	vm1 =	vnez.u8 v6  }
0x68: {  	vm6 =	vmand vm0, vm1  }
0x69: {  	[tilespmem:$0x6D0] =	vst v14;
	v11 =	vnsel vm6, $0xFF800000, v7  }
0x6a: {  	[tilespmem:$0x50] =	vst v11  }
0x6b: {  	v12 =	vld.idx.msk [tilespmem:v5+s2+$0x0], $0xffff  }
0x6c: {  	s31 =	simm.s32 $0x1;
	v10 =	vimm.s32 $0x0;
	v9 =	vimm.s32 $0x0;
	v8 =	vimm.s32 $0x0  }
0x6d: {  	v13 =	vmov s31;
	vm2 =	vlt.u32 v5, v16;
	vm8 =	vlt.u32 v5, v18  }
0x6e: {  	vm7 =	vlt.u32 v5, v19;
	vm10 =	vlt.u32 v5, v20;
	vm9 =	vmmov vm2  }
0x6f: {  	vm8 =	vmmov vm8;
	v6 =	vimm.s32 $0x0;
	vm0 =	vlt.u32 v5, v0  }
0x70: {  	vm1 =	vlt.u32 v5, v15;
	v7 =	vimm.s32 $0x0;
	vm2 =	veq.f32 v12, v11  }
0x71: {  	vm11 =	veq.f32 v12, v21;
	vm2 =	vmand vm10, vm2;
	vm10 =	vgt.f32 v12, v11  }
0x72: {  	vm14 =	veq.f32 v12, v3;
	vm15 =	veq.f32 v12, v4;
	vm2 =	vmor vm10, vm2  }
0x73: {  	vm11 =	vmand vm0, vm11;
	vm10 =	veq.f32 v12, v63;
	v5 =	vsel vm2, $0x1, v14  }
0x74: {  	s15 =	simm.s32 $0x2;
	vm0 =	veq.f32 v12, v2;
	vm13 =	vmand vm1, vm10;
	v5 =	vadd.s32 v5, v14  }
.LBB2_3:
0x75: {  	vm12 =	vlt.u32 v13, v0  }
0x76: {  	p0 =	sne.s32 s15, $0x54;
	vm10 =	vlt.u32 v13, v15;
	vm1 =	vlt.u32 v13, v16;
	vm3 =	vmmov vm7  }
0x77: {  	vm2 =	vlt.u32 v13, v18;
	vm7 =	vlt.u32 v13, v19;
	vm0 =	vmand vm9, vm0  }
0x78: {  	vm9 =	vgt.f32 v12, v21;
	vm8 =	vmand vm8, vm14;
	vm3 =	vmand vm3, vm15  }
0x79: {  	vm14 =	vgt.f32 v12, v63;
	vm4 =	vgt.f32 v12, v3;
	vm15 =	vgt.f32 v12, v2  }
0x7a: {  	vm9 =	vmor vm9, vm11;
	vm11 =	vmor vm14, vm13;
	vm13 =	vgt.f32 v12, v4;
	v12 =	vld.idx.msk [tilespmem:v13+s2+$0x0], $0xffff  }
0x7b: {  	vm4 =	vmor vm4, vm8;
	vm0 =	vmor vm15, vm0;
	vm3 =	vmor vm13, vm3  }
0x7c: {  	v22 =	vsel vm9, $0x1, v14;
	v24 =	vsel vm11, $0x1, v14;
	v26 =	vsel vm0, $0x1, v14  }
0x7d: {  	v10 =	vadd.s32 v22, v10;
	v22 =	vsel vm4, $0x1, v14;
	v27 =	vsel vm3, $0x1, v14  }
0x7e: {  	v9 =	vadd.s32 v24, v9;
	v8 =	vadd.s32 v26, v8;
	v7 =	vadd.s32 v22, v7  }
0x7f: {  	vm8 =	vmmov vm2;
	vm9 =	vmmov vm1;
	v6 =	vadd.s32 v27, v6  }
.Ltmp1:
0x80: {  	vm2 =	vlt.u32 v13, v20;
	vm1 =	veq.f32 v12, v21;
	vm0 =	veq.f32 v12, v11;
	(pc) =	sbr.rel @p0 .LBB2_3-.Ltmp1, $4  }
0x81: {  	vm3 =	veq.f32 v12, v63;
	vm4 =	vgt.f32 v12, v11;
	vm2 =	vmand vm2, vm0  }
0x82: {  	vm14 =	veq.f32 v12, v3;
	vm0 =	veq.f32 v12, v2;
	vm2 =	vmor vm4, vm2  }
0x83: {  	vm15 =	veq.f32 v12, v4;
	vm11 =	vmand vm12, vm1;
	v22 =	vsel vm2, $0x1, v14  }
0x84: {  	v13 =	vmov s15;
	s15 =	sadd.s32 $0x1, s15;
	vm13 =	vmand vm10, vm3;
	v5 =	vadd.s32 v22, v5  }
0x85: {  	v22 =	vld [tilespmem:$0x1FEA0];
	_ =	sdelay $0x4  }
0x86: {  	vm12 =	vnez.u8 v22  }
0x87: {  	v22 =	vsel vm12, $0x1, v14  }
0x88: {  	(xrf0) =	vadd.scan.msk.s32 $0xffff, v22;
	v22 =	vld [tilespmem:$0x1FEB0];
	_ =	sdelay $0x4  }
0x89: {  	vm1 =	vmand vm8, vm14;
	vm14 =	vnez.u8 v22  }
0x8a: {  	v22 =	vsel vm14, $0x1, v14  }
0x8b: {  	(xrf0) =	vadd.scan.msk.s32 $0xffff, v22;
	v22 =	vld [tilespmem:$0x1FEC0];
	_ =	sdelay $0x3  }
0x8c: {  	vm0 =	vmand vm9, vm0;
	vm3 =	vgt.f32 v12, v21  }
0x8d: {  	vm9 =	vlt.u32 v13, v0;
	vm3 =	vmor vm3, vm11;
	vm11 =	vnez.u8 v22  }
0x8e: {  	vm8 =	vlt.u32 v13, v15;
	vm2 =	vmmov vm7;
	v22 =	vsel vm11, $0x1, v14  }
0x8f: {  	vm4 =	vgt.f32 v12, v63;
	vm10 =	vgt.f32 v12, v2;
	vm2 =	vmand vm2, vm15;
	(xrf0) =	vadd.scan.msk.s32 $0xffff, v22;
	v22 =	vld [tilespmem:$0x1FED0]  }
0x90: {  	v24 =	vld.idx.msk [tilespmem:v13+s2+$0x0], $0xffff;
	vm4 =	vmor vm4, vm13;
	vm0 =	vmor vm10, vm0;
	vm15 =	vgt.f32 v12, v3  }
0x91: {  	vm10 =	vgt.f32 v12, v4;
	v12 =	vsel vm6, $0x1, v14;
	vm1 =	vmor vm15, vm1  }
0x92: {  	vm2 =	vmor vm10, vm2;
	vm10 =	vlt.u32 v13, v16;
	v26 =	vsel vm4, $0x1, v14  }
0x93: {  	vm4 =	vlt.u32 v13, v19;
	v28 =	vsel vm0, $0x1, v14;
	vm0 =	vlt.u32 v13, v20  }
0x94: {  	vm4 =	vmmov vm4;
	v9 =	vadd.s32 v26, v9;
	vm13 =	vnez.u8 v22  }
0x95: {  	v8 =	vadd.s32 v28, v8;
	vm15 =	veq.f32 v24, v11;
	v22 =	vsel vm13, $0x1, v14  }
0x96: {  	vm7 =	vgt.f32 v24, v11;
	vm0 =	vmand vm0, vm15;
	(xrf0) =	vadd.scan.msk.s32 $0xffff, v22;
	v22 =	vsel vm5, $0x1, v14  }
0x97: {  	vm15 =	veq.f32 v24, v21;
	vm7 =	vmor vm7, vm0;
	vm0 =	vgt.f32 v24, v21;
	(xrf0) =	vadd.scan.msk.s32 $0xffff, v22  }
0x98: {  	v22 =	vsel vm3, $0x1, v14;
	vm3 =	vlt.u32 v13, v18;
	v13 =	vsel vm1, $0x1, v14;
	(xrf0) =	vadd.scan.msk.s32 $0xffff, v12  }
0x99: {  	vm1 =	vmand vm9, vm15;
	vm15 =	veq.f32 v24, v63;
	vm9 =	vmmov vm10;
	v12, _, _ =	vpop (xrf0)  }
0x9a: {  	vm3 =	vmmov vm3;
	vm0 =	vmor vm0, vm1;
	v27, _, _ =	vpop (xrf0);
	(v2sf) =	vpush v12, $0xF  }
0x9b: {  	vm1 =	vgt.f32 v24, v2;
	v7 =	vadd.s32 v13, v7;
	v12, _, _ =	vpop (xrf0);
	(v2sf) =	vpush v27, $0xF  }
0x9c: {  	v27 =	vsel vm2, $0x1, v14;
	vm2 =	vmand vm8, vm15;
	(v2sf) =	vpush v12, $0xF;
	v11, _, _ =	vpop (xrf0)  }
0x9d: {  	vm15 =	veq.f32 v24, v2;
	v2 =	vsel vm0, $0x1, v14;
	(v2sf) =	vpush v11, $0xF;
	v11, _, _ =	vpop (xrf0)  }
0x9e: {  	vm8 =	vmand vm9, vm15;
	vm15 =	veq.f32 v24, v3;
	(v2sf) =	vpush v11, $0xF;
	v11, _, _ =	vpop (xrf0)  }
0x9f: {  	vm3 =	vmand vm3, vm15;
	vm15 =	veq.f32 v24, v4;
	(v2sf) =	vpush v11, $0xF  }
0xa0: {  	vm1 =	vmor vm1, vm8;
	vm4 =	vmand vm4, vm15;
	vm15 =	vgt.f32 v24, v63  }
0xa1: {  	vm2 =	vmor vm15, vm2;
	vm15 =	vgt.f32 v24, v3;
	v3 =	vadd.s32 v22, v10  }
0xa2: {  	vm3 =	vmor vm15, vm3;
	v63 =	vsel vm2, $0x1, v14;
	v2 =	vadd.s32 v2, v3  }
0xa3: {  	vm15 =	vgt.f32 v24, v4;
	v3 =	vsel vm1, $0x1, v14;
	v4 =	vadd.s32 v63, v9  }
0xa4: {  	vm4 =	vmor vm15, vm4;
	v63 =	vsel vm3, $0x1, v14;
	v3 =	vadd.s32 v3, v8  }
0xa5: {  	v6 =	vadd.s32 v27, v6;
	v8 =	vsel vm4, $0x1, v14;
	v7 =	vadd.s32 v63, v7  }
0xa6: {  	v63 =	vsel vm7, $0x1, v14;
	v6 =	vadd.s32 v8, v6  }
0xa7: {  	[tilespmem:v2+s12+$0x0] =	vst.idx.msk vm12, v0;
	v2 =	vadd.s32 v63, v5  }
0xa8: {  	[tilespmem:v4+s12+$0x0] =	vst.idx.msk vm14, v15  }
0xa9: {  	[tilespmem:v3+s12+$0x0] =	vst.idx.msk vm11, v16;
	s15 =	spop (v2sf)  }
0xaa: {  	[tilespmem:v7+s12+$0x0] =	vst.idx.msk vm13, v18;
	s16 =	spop (v2sf)  }
0xab: {  	[tilespmem:v6+s12+$0x0] =	vst.idx.msk vm5, v19;
	s15 =	sadd.s32 s15, s16;
	s28 =	spop (v2sf)  }
0xac: {  	[tilespmem:v2+s12+$0x0] =	vst.idx.msk vm6, v20;
	v2 =	vimm.s32 $0x58;
	s15 =	sadd.s32 s28, s15;
	s29 =	spop (v2sf)  }
0xad: {  	s15 =	sadd.s32 s29, s15;
	s30 =	spop (v2sf)  }
0xae: {  	s15 =	sadd.s32 s30, s15;
	s31 =	spop (v2sf)  }
0xaf: {  	s15 =	sadd.s32 s31, s15  }
0xb0: {  	v63 =	vmov s15  }
0xb1: {  	[tilespmem:v2+s12+$0x0] =	vst.idx.msk $0x1, v63  }
0xb2: {  	v2 =	vld [tilespmem:$0x680]  }
0xb3: {  	v10 =	vld [tilespmem:$0x1FFB0]  }
0xb4: {  	v11 =	vld [tilespmem:$0x1FFC0];
	_ =	sdelay $0x2  }
0xb5: {  	v3 =	vshll.u32 v2, $0x3  }
0xb6: {  	v9 =	vor.u32 $0x3, v3;
	_ =	sdelay $0x2  }
0xb7: {  	[tilespmem:v10+s13+$0x0] =	vst.idx.msk $0xffff, v23;
	v2 =	vshll.u32 v2, $0x1;
	v4 =	vor.u32 $0x2, v3  }
0xb8: {  	[tilespmem:v11+s13+$0x0] =	vst.idx.msk $0xffff, v23;
	vm10 =	vlt.s32 v2, $0xA9  }
0xb9: {  	v5 =	vld.idx.msk [tilespmem:v9+s11+$0x0], $0xffff;
	v9 =	vnsel vm10, $0xA9, v2  }
0xba: {  	v6 =	vadd.s32 v1, v9;
	_ =	sdelay $0x1  }
0xbb: {  	v4 =	vld.idx.msk [tilespmem:v4+s11+$0x0], $0xffff;
	_ =	sdelay $0x2  }
0xbc: {  	v11 =	vld.idx.msk [tilespmem:v6+s10+$0x0], $0xffff;
	_ =	sdelay $0x1  }
0xbd: {  	v4 =	vadd.f32 $9.999999740e-06, v4  }
0xbe: {  	v10 =	vor.u32 $0x1, v3  }
0xbf: {  	(erf) = vrcp.f32 v4  }
0xc0: {  	vm12 =	veq.s32 v11, $0x1;
	v11 =	vld [tilespmem:$0x1FFD0]  }
0xc1: {  	v8 =	vld [tilespmem:$0x1FFE0]  }
0xc2: {  	v9 =	vld.idx.msk [tilespmem:v3+s11+$0x0], $0xffff  }
0xc3: {  	v10 =	vld.idx.msk [tilespmem:v10+s11+$0x0], $0xffff;
	_ =	sdelay $0x1  }
0xc4: {  	v5 =	vadd.f32 $9.999999740e-06, v5;
	_ =	sdelay $0x1  }
0xc5: {  	[tilespmem:v17+s13+$0x0] =	vst.idx.msk $0xffff, v9;
	(erf) = vrcp.f32 v5  }
0xc6: {  	v4 =	vpop (erf);
	[tilespmem:v11+s13+$0x0] =	vst.idx.msk $0xffff, v10  }
0xc7: {  	[tilespmem:v8+s13+$0x0] =	vst.idx.msk $0xffff, v4;
	v8 =	vld [tilespmem:$0x1FFF0];
	_ =	sdelay $0x4  }
0xc8: {  	v5 =	vor.u32 $0x6, v3  }
0xc9: {  	vm11 =	vgt.s32 v63, v0;
	v6 =	vor.u32 $0x7, v3  }
0xca: {  	vm1 =	vmand vm11, vm12;
	v7 =	vpop (erf)  }
0xcb: {  	v4 =	vsel vm1, $0x0, v25;
	[tilespmem:v8+s13+$0x0] =	vst.idx.msk $0xffff, v7  }
0xcc: {  	[tilespmem:v29+s13+$0x0] =	vst.idx.msk $0xffff, v4  }
0xcd: {  	v4 =	vld.idx.msk [tilespmem:v5+s11+$0x0], $0xffff  }
0xce: {  	v2 =	vor.u32 $0x1, v2;
	v9 =	vld.idx.msk [tilespmem:v6+s11+$0x0], $0xffff  }
0xcf: {  	vm13 =	vlt.s32 v2, $0xA9  }
0xd0: {  	v2 =	vnsel vm13, $0xA9, v2  }
0xd1: {  	v2 =	vadd.s32 v1, v2  }
0xd2: {  	v10 =	vor.u32 $0x4, v3;
	v4 =	vadd.f32 $9.999999740e-06, v4  }
0xd3: {  	v3 =	vor.u32 $0x5, v3;
	v5 =	vadd.f32 $9.999999740e-06, v9  }
0xd4: {  	(erf) = vrcp.f32 v4  }
0xd5: {  	(erf) = vrcp.f32 v5  }
0xd6: {  	v2 =	vld.idx.msk [tilespmem:v2+s10+$0x0], $0xffff  }
0xd7: {  	v11 =	vld.idx.msk [tilespmem:v10+s11+$0x0], $0xffff  }
0xd8: {  	v3 =	vld.idx.msk [tilespmem:v3+s11+$0x0], $0xffff;
	_ =	sdelay $0x3  }
0xd9: {  	[tilespmem:v30+s13+$0x0] =	vst.idx.msk $0xffff, v11  }
0xda: {  	vm14 =	veq.s32 v2, $0x1;
	[tilespmem:v31+s13+$0x0] =	vst.idx.msk $0xffff, v3;
	v2 =	vpop (erf)  }
0xdb: {  	vm0 =	vmand vm11, vm14;
	v3 =	vpop (erf);
	[tilespmem:v32+s13+$0x0] =	vst.idx.msk $0xffff, v2  }
0xdc: {  	v2 =	vsel vm0, $0x0, v25;
	[tilespmem:v33+s13+$0x0] =	vst.idx.msk $0xffff, v3  }
0xdd: {  	[tilespmem:v34+s13+$0x0] =	vst.idx.msk $0xffff, v2  }
0xde: {  	v2 =	vld [tilespmem:$0x690];
	_ =	sdelay $0x4  }
0xdf: {  	v3 =	vshll.u32 v2, $0x3  }
0xe0: {  	v8 =	vor.u32 $0x2, v3  }
0xe1: {  	v9 =	vor.u32 $0x3, v3;
	_ =	sdelay $0x1  }
0xe2: {  	[tilespmem:v35+s13+$0x0] =	vst.idx.msk $0xffff, v23  }
0xe3: {  	[tilespmem:v36+s13+$0x0] =	vst.idx.msk $0xffff, v23  }
0xe4: {  	v4 =	vld.idx.msk [tilespmem:v8+s11+$0x0], $0xffff  }
0xe5: {  	v5 =	vld.idx.msk [tilespmem:v9+s11+$0x0], $0xffff;
	_ =	sdelay $0x1  }
0xe6: {  	v2 =	vshll.u32 v2, $0x1  }
0xe7: {  	vm15 =	vlt.s32 v2, $0xA9  }
0xe8: {  	v11 =	vor.u32 $0x1, v3;
	v10 =	vnsel vm15, $0xA9, v2;
	v4 =	vadd.f32 $9.999999740e-06, v4  }
0xe9: {  	v6 =	vadd.s32 v1, v10;
	v5 =	vadd.f32 $9.999999740e-06, v5  }
0xea: {  	(erf) = vrcp.f32 v4  }
0xeb: {  	(erf) = vrcp.f32 v5  }
0xec: {  	v10 =	vld.idx.msk [tilespmem:v3+s11+$0x0], $0xffff  }
0xed: {  	v11 =	vld.idx.msk [tilespmem:v11+s11+$0x0], $0xffff  }
0xee: {  	v9 =	vld.idx.msk [tilespmem:v6+s10+$0x0], $0xffff;
	_ =	sdelay $0x3  }
0xef: {  	[tilespmem:v37+s13+$0x0] =	vst.idx.msk $0xffff, v10;
	v5 =	vor.u32 $0x6, v3  }
0xf0: {  	vm4 =	vgt.s32 v63, v15;
	v10 =	vor.u32 $0x7, v3;
	[tilespmem:v38+s13+$0x0] =	vst.idx.msk $0xffff, v11;
	vm5 =	veq.s32 v9, $0x1;
	v9 =	vpop (erf)  }
0xf1: {  	vm1 =	vmand vm4, vm5;
	v11 =	vpop (erf);
	[tilespmem:v39+s13+$0x0] =	vst.idx.msk $0xffff, v9  }
0xf2: {  	v9 =	vsel vm1, $0x0, v25;
	[tilespmem:v40+s13+$0x0] =	vst.idx.msk $0xffff, v11  }
0xf3: {  	[tilespmem:v41+s13+$0x0] =	vst.idx.msk $0xffff, v9  }
0xf4: {  	v4 =	vld.idx.msk [tilespmem:v5+s11+$0x0], $0xffff  }
0xf5: {  	v2 =	vor.u32 $0x1, v2;
	v10 =	vld.idx.msk [tilespmem:v10+s11+$0x0], $0xffff  }
0xf6: {  	vm6 =	vlt.s32 v2, $0xA9  }
0xf7: {  	v2 =	vnsel vm6, $0xA9, v2  }
0xf8: {  	v2 =	vadd.s32 v1, v2  }
0xf9: {  	v11 =	vor.u32 $0x4, v3;
	v4 =	vadd.f32 $9.999999740e-06, v4  }
0xfa: {  	v3 =	vor.u32 $0x5, v3;
	v5 =	vadd.f32 $9.999999740e-06, v10  }
0xfb: {  	(erf) = vrcp.f32 v4  }
0xfc: {  	(erf) = vrcp.f32 v5  }
0xfd: {  	v2 =	vld.idx.msk [tilespmem:v2+s10+$0x0], $0xffff  }
0xfe: {  	v8 =	vld.idx.msk [tilespmem:v11+s11+$0x0], $0xffff  }
0xff: {  	v3 =	vld.idx.msk [tilespmem:v3+s11+$0x0], $0xffff;
	_ =	sdelay $0x3  }
0x100: {  	[tilespmem:v42+s13+$0x0] =	vst.idx.msk $0xffff, v8  }
0x101: {  	vm7 =	veq.s32 v2, $0x1;
	[tilespmem:v43+s13+$0x0] =	vst.idx.msk $0xffff, v3;
	v2 =	vpop (erf)  }
0x102: {  	vm0 =	vmand vm4, vm7;
	v3 =	vpop (erf);
	[tilespmem:v44+s13+$0x0] =	vst.idx.msk $0xffff, v2  }
0x103: {  	v2 =	vsel vm0, $0x0, v25;
	[tilespmem:v45+s13+$0x0] =	vst.idx.msk $0xffff, v3  }
0x104: {  	[tilespmem:v46+s13+$0x0] =	vst.idx.msk $0xffff, v2  }
0x105: {  	v2 =	vld [tilespmem:$0x6A0];
	_ =	sdelay $0x4  }
0x106: {  	v3 =	vshll.u32 v2, $0x3  }
0x107: {  	v9 =	vor.u32 $0x2, v3  }
0x108: {  	v10 =	vor.u32 $0x3, v3;
	_ =	sdelay $0x1  }
0x109: {  	[tilespmem:v47+s13+$0x0] =	vst.idx.msk $0xffff, v23  }
0x10a: {  	[tilespmem:v48+s13+$0x0] =	vst.idx.msk $0xffff, v23  }
0x10b: {  	v4 =	vld.idx.msk [tilespmem:v9+s11+$0x0], $0xffff  }
0x10c: {  	v5 =	vld.idx.msk [tilespmem:v10+s11+$0x0], $0xffff  }
0x10d: {  	v2 =	vshll.u32 v2, $0x1  }
0x10e: {  	vm8 =	vlt.s32 v2, $0xA9  }
0x10f: {  	v11 =	vnsel vm8, $0xA9, v2  }
0x110: {  	v6 =	vadd.s32 v1, v11;
	v4 =	vadd.f32 $9.999999740e-06, v4  }
0x111: {  	v9 =	vor.u32 $0x1, v3;
	v5 =	vadd.f32 $9.999999740e-06, v5  }
0x112: {  	(erf) = vrcp.f32 v4  }
0x113: {  	(erf) = vrcp.f32 v5  }
0x114: {  	v11 =	vld.idx.msk [tilespmem:v3+s11+$0x0], $0xffff  }
0x115: {  	v10 =	vld.idx.msk [tilespmem:v6+s10+$0x0], $0xffff  }
0x116: {  	v9 =	vld.idx.msk [tilespmem:v9+s11+$0x0], $0xffff;
	_ =	sdelay $0x3  }
0x117: {  	[tilespmem:v49+s13+$0x0] =	vst.idx.msk $0xffff, v11;
	v5 =	vor.u32 $0x6, v3  }
0x118: {  	vm9 =	vgt.s32 v63, v16;
	v11 =	vor.u32 $0x7, v3;
	vm10 =	veq.s32 v10, $0x1;
	[tilespmem:v50+s13+$0x0] =	vst.idx.msk $0xffff, v9;
	v10 =	vpop (erf)  }
0x119: {  	vm1 =	vmand vm9, vm10;
	v9 =	vpop (erf);
	[tilespmem:v51+s13+$0x0] =	vst.idx.msk $0xffff, v10  }
0x11a: {  	v10 =	vsel vm1, $0x0, v25;
	[tilespmem:v52+s13+$0x0] =	vst.idx.msk $0xffff, v9  }
0x11b: {  	[tilespmem:v53+s13+$0x0] =	vst.idx.msk $0xffff, v10  }
0x11c: {  	v4 =	vld.idx.msk [tilespmem:v5+s11+$0x0], $0xffff  }
0x11d: {  	v2 =	vor.u32 $0x1, v2;
	v11 =	vld.idx.msk [tilespmem:v11+s11+$0x0], $0xffff  }
0x11e: {  	vm11 =	vlt.s32 v2, $0xA9  }
0x11f: {  	v2 =	vnsel vm11, $0xA9, v2  }
0x120: {  	v2 =	vadd.s32 v1, v2  }
0x121: {  	v9 =	vor.u32 $0x4, v3;
	v4 =	vadd.f32 $9.999999740e-06, v4  }
0x122: {  	v3 =	vor.u32 $0x5, v3;
	v5 =	vadd.f32 $9.999999740e-06, v11  }
0x123: {  	(erf) = vrcp.f32 v4  }
0x124: {  	(erf) = vrcp.f32 v5  }
0x125: {  	v2 =	vld.idx.msk [tilespmem:v2+s10+$0x0], $0xffff  }
0x126: {  	v10 =	vld.idx.msk [tilespmem:v9+s11+$0x0], $0xffff  }
0x127: {  	v3 =	vld.idx.msk [tilespmem:v3+s11+$0x0], $0xffff;
	_ =	sdelay $0x3  }
0x128: {  	[tilespmem:v54+s13+$0x0] =	vst.idx.msk $0xffff, v10  }
0x129: {  	vm12 =	veq.s32 v2, $0x1;
	[tilespmem:v55+s13+$0x0] =	vst.idx.msk $0xffff, v3;
	v2 =	vpop (erf)  }
0x12a: {  	vm0 =	vmand vm9, vm12;
	v3 =	vpop (erf);
	[tilespmem:v56+s13+$0x0] =	vst.idx.msk $0xffff, v2  }
0x12b: {  	v2 =	vsel vm0, $0x0, v25;
	[tilespmem:v57+s13+$0x0] =	vst.idx.msk $0xffff, v3  }
0x12c: {  	[tilespmem:v58+s13+$0x0] =	vst.idx.msk $0xffff, v2  }
0x12d: {  	v2 =	vld [tilespmem:$0x6B0];
	_ =	sdelay $0x4  }
0x12e: {  	v3 =	vshll.u32 v2, $0x3  }
0x12f: {  	v11 =	vor.u32 $0x2, v3  }
0x130: {  	v8 =	vor.u32 $0x3, v3;
	_ =	sdelay $0x1  }
0x131: {  	[tilespmem:v59+s13+$0x0] =	vst.idx.msk $0xffff, v23  }
0x132: {  	[tilespmem:v60+s13+$0x0] =	vst.idx.msk $0xffff, v23  }
0x133: {  	v4 =	vld.idx.msk [tilespmem:v11+s11+$0x0], $0xffff  }
0x134: {  	v2 =	vshll.u32 v2, $0x1;
	v5 =	vld.idx.msk [tilespmem:v8+s11+$0x0], $0xffff  }
0x135: {  	vm13 =	vlt.s32 v2, $0xA9  }
0x136: {  	v9 =	vnsel vm13, $0xA9, v2  }
0x137: {  	v6 =	vadd.s32 v1, v9  }
0x138: {  	v4 =	vadd.f32 $9.999999740e-06, v4  }
0x139: {  	v10 =	vor.u32 $0x1, v3;
	v5 =	vadd.f32 $9.999999740e-06, v5  }
0x13a: {  	(erf) = vrcp.f32 v4  }
0x13b: {  	(erf) = vrcp.f32 v5  }
0x13c: {  	v4 =	vld.idx.msk [tilespmem:v6+s10+$0x0], $0xffff  }
0x13d: {  	v5 =	vld.idx.msk [tilespmem:v3+s11+$0x0], $0xffff  }
0x13e: {  	v6 =	vld.idx.msk [tilespmem:v10+s11+$0x0], $0xffff  }
0x13f: {  	v7 =	vor.u32 $0x1802, v17  }
0x140: {  	v8 =	vor.u32 $0x1803, v17  }
0x141: {  	v9 =	vor.u32 $0x1804, v17  }
0x142: {  	[tilespmem:v61+s13+$0x0] =	vst.idx.msk $0xffff, v5;
	v5 =	vor.u32 $0x6, v3  }
0x143: {  	vm14 =	vgt.s32 v63, v18;
	vm15 =	veq.s32 v4, $0x1;
	[tilespmem:v62+s13+$0x0] =	vst.idx.msk $0xffff, v6;
	v6 =	vor.u32 $0x7, v3;
	v4 =	vpop (erf)  }
0x144: {  	vm1 =	vmand vm14, vm15;
	v10 =	vpop (erf);
	[tilespmem:v7+s13+$0x0] =	vst.idx.msk $0xffff, v4  }
0x145: {  	v11 =	vsel vm1, $0x0, v25;
	[tilespmem:v8+s13+$0x0] =	vst.idx.msk $0xffff, v10  }
0x146: {  	[tilespmem:v9+s13+$0x0] =	vst.idx.msk $0xffff, v11  }
0x147: {  	v4 =	vld.idx.msk [tilespmem:v5+s11+$0x0], $0xffff  }
0x148: {  	v2 =	vor.u32 $0x1, v2;
	v10 =	vld.idx.msk [tilespmem:v6+s11+$0x0], $0xffff  }
0x149: {  	vm4 =	vlt.s32 v2, $0xA9  }
0x14a: {  	v2 =	vnsel vm4, $0xA9, v2  }
0x14b: {  	v2 =	vadd.s32 v1, v2  }
0x14c: {  	v11 =	vor.u32 $0x4, v3;
	v4 =	vadd.f32 $9.999999740e-06, v4  }
0x14d: {  	v3 =	vor.u32 $0x5, v3;
	v5 =	vadd.f32 $9.999999740e-06, v10  }
0x14e: {  	(erf) = vrcp.f32 v4  }
0x14f: {  	(erf) = vrcp.f32 v5  }
0x150: {  	v2 =	vld.idx.msk [tilespmem:v2+s10+$0x0], $0xffff  }
0x151: {  	v4 =	vld.idx.msk [tilespmem:v11+s11+$0x0], $0xffff;
	v5 =	vor.u32 $0x1805, v17  }
0x152: {  	v6 =	vor.u32 $0x1806, v17;
	v3 =	vld.idx.msk [tilespmem:v3+s11+$0x0], $0xffff  }
0x153: {  	v7 =	vor.u32 $0x1807, v17  }
0x154: {  	v8 =	vor.u32 $0x1808, v17  }
0x155: {  	v9 =	vor.u32 $0x1809, v17  }
0x156: {  	[tilespmem:v5+s13+$0x0] =	vst.idx.msk $0xffff, v4  }
0x157: {  	vm5 =	veq.s32 v2, $0x1;
	[tilespmem:v6+s13+$0x0] =	vst.idx.msk $0xffff, v3;
	v2 =	vpop (erf)  }
0x158: {  	vm0 =	vmand vm14, vm5;
	v3 =	vpop (erf);
	[tilespmem:v7+s13+$0x0] =	vst.idx.msk $0xffff, v2  }
0x159: {  	v2 =	vsel vm0, $0x0, v25;
	[tilespmem:v8+s13+$0x0] =	vst.idx.msk $0xffff, v3  }
0x15a: {  	[tilespmem:v9+s13+$0x0] =	vst.idx.msk $0xffff, v2  }
0x15b: {  	v2 =	vld [tilespmem:$0x6C0];
	_ =	sdelay $0x3  }
0x15c: {  	v3 =	vor.u32 $0x200A, v17  }
0x15d: {  	v9 =	vor.u32 $0x200B, v17;
	v5 =	vshll.u32 v2, $0x3  }
0x15e: {  	v10 =	vor.u32 $0x2, v5  }
0x15f: {  	v11 =	vor.u32 $0x3, v5;
	_ =	sdelay $0x1  }
0x160: {  	[tilespmem:v3+s13+$0x0] =	vst.idx.msk $0xffff, v23  }
0x161: {  	[tilespmem:v9+s13+$0x0] =	vst.idx.msk $0xffff, v23  }
0x162: {  	v3 =	vld.idx.msk [tilespmem:v10+s11+$0x0], $0xffff  }
0x163: {  	v2 =	vshll.u32 v2, $0x1;
	v4 =	vld.idx.msk [tilespmem:v11+s11+$0x0], $0xffff  }
0x164: {  	vm6 =	vlt.s32 v2, $0xA9  }
0x165: {  	v9 =	vnsel vm6, $0xA9, v2  }
0x166: {  	v6 =	vadd.s32 v1, v9  }
0x167: {  	v3 =	vadd.f32 $9.999999740e-06, v3  }
0x168: {  	v10 =	vor.u32 $0x1, v5;
	v4 =	vadd.f32 $9.999999740e-06, v4  }
0x169: {  	(erf) = vrcp.f32 v3  }
0x16a: {  	(erf) = vrcp.f32 v4  }
0x16b: {  	v3 =	vld.idx.msk [tilespmem:v6+s10+$0x0], $0xffff  }
0x16c: {  	v6 =	vor.u32 $0x2000, v17;
	v4 =	vld.idx.msk [tilespmem:v5+s11+$0x0], $0xffff  }
0x16d: {  	v8 =	vor.u32 $0x2001, v17;
	v7 =	vld.idx.msk [tilespmem:v10+s11+$0x0], $0xffff  }
0x16e: {  	v9 =	vor.u32 $0x2002, v17  }
0x16f: {  	v10 =	vor.u32 $0x2003, v17  }
0x170: {  	v11 =	vor.u32 $0x2004, v17  }
0x171: {  	[tilespmem:v6+s13+$0x0] =	vst.idx.msk $0xffff, v4;
	v4 =	vor.u32 $0x6, v5  }
0x172: {  	vm7 =	vgt.s32 v63, v19;
	vm8 =	veq.s32 v3, $0x1;
	v6 =	vor.u32 $0x7, v5;
	[tilespmem:v8+s13+$0x0] =	vst.idx.msk $0xffff, v7;
	v3 =	vpop (erf)  }
0x173: {  	vm1 =	vmand vm7, vm8;
	v7 =	vpop (erf);
	[tilespmem:v9+s13+$0x0] =	vst.idx.msk $0xffff, v3  }
0x174: {  	v3 =	vsel vm1, $0x0, v25;
	[tilespmem:v10+s13+$0x0] =	vst.idx.msk $0xffff, v7  }
0x175: {  	[tilespmem:v11+s13+$0x0] =	vst.idx.msk $0xffff, v3  }
0x176: {  	v3 =	vld.idx.msk [tilespmem:v4+s11+$0x0], $0xffff  }
0x177: {  	v2 =	vor.u32 $0x1, v2;
	v11 =	vld.idx.msk [tilespmem:v6+s11+$0x0], $0xffff  }
0x178: {  	vm9 =	vlt.s32 v2, $0xA9  }
0x179: {  	v2 =	vnsel vm9, $0xA9, v2  }
0x17a: {  	v2 =	vadd.s32 v1, v2  }
0x17b: {  	v9 =	vor.u32 $0x4, v5;
	v3 =	vadd.f32 $9.999999740e-06, v3  }
0x17c: {  	v5 =	vor.u32 $0x5, v5;
	v4 =	vadd.f32 $9.999999740e-06, v11  }
0x17d: {  	(erf) = vrcp.f32 v3  }
0x17e: {  	(erf) = vrcp.f32 v4  }
0x17f: {  	v2 =	vld.idx.msk [tilespmem:v2+s10+$0x0], $0xffff  }
0x180: {  	v3 =	vld.idx.msk [tilespmem:v9+s11+$0x0], $0xffff;
	v4 =	vor.u32 $0x2005, v17  }
0x181: {  	v6 =	vor.u32 $0x2006, v17;
	v5 =	vld.idx.msk [tilespmem:v5+s11+$0x0], $0xffff  }
0x182: {  	v7 =	vor.u32 $0x2007, v17  }
0x183: {  	v8 =	vor.u32 $0x2008, v17  }
0x184: {  	v9 =	vor.u32 $0x2009, v17  }
0x185: {  	[tilespmem:v4+s13+$0x0] =	vst.idx.msk $0xffff, v3  }
0x186: {  	vm10 =	veq.s32 v2, $0x1;
	[tilespmem:v6+s13+$0x0] =	vst.idx.msk $0xffff, v5;
	v2 =	vpop (erf)  }
0x187: {  	vm0 =	vmand vm7, vm10;
	v3 =	vpop (erf);
	[tilespmem:v7+s13+$0x0] =	vst.idx.msk $0xffff, v2  }
0x188: {  	v2 =	vsel vm0, $0x0, v25;
	[tilespmem:v8+s13+$0x0] =	vst.idx.msk $0xffff, v3  }
0x189: {  	[tilespmem:v9+s13+$0x0] =	vst.idx.msk $0xffff, v2  }
0x18a: {  	v2 =	vld [tilespmem:$0x6D0];
	_ =	sdelay $0x3  }
0x18b: {  	v3 =	vor.u32 $0x280A, v17  }
0x18c: {  	v10 =	vor.u32 $0x280B, v17;
	v5 =	vshll.u32 v2, $0x3  }
0x18d: {  	v11 =	vor.u32 $0x2, v5  }
0x18e: {  	v9 =	vor.u32 $0x3, v5;
	_ =	sdelay $0x1  }
0x18f: {  	[tilespmem:v3+s13+$0x0] =	vst.idx.msk $0xffff, v23  }
0x190: {  	[tilespmem:v10+s13+$0x0] =	vst.idx.msk $0xffff, v23  }
0x191: {  	v3 =	vld.idx.msk [tilespmem:v11+s11+$0x0], $0xffff  }
0x192: {  	v2 =	vshll.u32 v2, $0x1;
	v4 =	vld.idx.msk [tilespmem:v9+s11+$0x0], $0xffff  }
0x193: {  	vm11 =	vlt.s32 v2, $0xA9  }
0x194: {  	v10 =	vnsel vm11, $0xA9, v2  }
0x195: {  	v6 =	vadd.s32 v1, v10  }
0x196: {  	v3 =	vadd.f32 $9.999999740e-06, v3  }
0x197: {  	v11 =	vor.u32 $0x1, v5;
	v4 =	vadd.f32 $9.999999740e-06, v4  }
0x198: {  	(erf) = vrcp.f32 v3  }
0x199: {  	(erf) = vrcp.f32 v4  }
0x19a: {  	v3 =	vld.idx.msk [tilespmem:v6+s10+$0x0], $0xffff  }
0x19b: {  	v6 =	vor.u32 $0x2800, v17;
	v4 =	vld.idx.msk [tilespmem:v5+s11+$0x0], $0xffff  }
0x19c: {  	v8 =	vor.u32 $0x2801, v17;
	v7 =	vld.idx.msk [tilespmem:v11+s11+$0x0], $0xffff  }
0x19d: {  	v9 =	vor.u32 $0x2802, v17  }
0x19e: {  	v10 =	vor.u32 $0x2803, v17  }
0x19f: {  	v11 =	vor.u32 $0x2804, v17  }
0x1a0: {  	[tilespmem:v6+s13+$0x0] =	vst.idx.msk $0xffff, v4;
	v4 =	vor.u32 $0x6, v5  }
0x1a1: {  	vm12 =	vgt.s32 v63, v20;
	v63 =	vor.u32 $0x7, v5;
	vm13 =	veq.s32 v3, $0x1;
	[tilespmem:v8+s13+$0x0] =	vst.idx.msk $0xffff, v7;
	v3 =	vpop (erf)  }
0x1a2: {  	vm1 =	vmand vm12, vm13;
	[tilespmem:v9+s13+$0x0] =	vst.idx.msk $0xffff, v3;
	v3 =	vpop (erf)  }
0x1a3: {  	v9 =	vsel vm1, $0x0, v25;
	[tilespmem:v10+s13+$0x0] =	vst.idx.msk $0xffff, v3  }
0x1a4: {  	[tilespmem:v11+s13+$0x0] =	vst.idx.msk $0xffff, v9  }
0x1a5: {  	v3 =	vld.idx.msk [tilespmem:v4+s11+$0x0], $0xffff  }
0x1a6: {  	v2 =	vor.u32 $0x1, v2;
	v10 =	vld.idx.msk [tilespmem:v63+s11+$0x0], $0xffff  }
0x1a7: {  	vm14 =	vlt.s32 v2, $0xA9  }
0x1a8: {  	v2 =	vnsel vm14, $0xA9, v2  }
0x1a9: {  	v2 =	vadd.s32 v1, v2  }
0x1aa: {  	v11 =	vor.u32 $0x4, v5;
	v3 =	vadd.f32 $9.999999740e-06, v3  }
0x1ab: {  	v5 =	vor.u32 $0x5, v5;
	v4 =	vadd.f32 $9.999999740e-06, v10  }
0x1ac: {  	(erf) = vrcp.f32 v3  }
0x1ad: {  	(erf) = vrcp.f32 v4  }
0x1ae: {  	v2 =	vld.idx.msk [tilespmem:v2+s10+$0x0], $0xffff  }
0x1af: {  	v3 =	vld.idx.msk [tilespmem:v11+s11+$0x0], $0xffff;
	v4 =	vor.u32 $0x2805, v17  }
0x1b0: {  	v6 =	vor.u32 $0x2806, v17;
	v5 =	vld.idx.msk [tilespmem:v5+s11+$0x0], $0xffff  }
0x1b1: {  	v7 =	vor.u32 $0x2807, v17  }
0x1b2: {  	v8 =	vor.u32 $0x2808, v17  }
0x1b3: {  	v63 =	vor.u32 $0x2809, v17  }
0x1b4: {  	[tilespmem:v4+s13+$0x0] =	vst.idx.msk $0xffff, v3  }
0x1b5: {  	vm15 =	veq.s32 v2, $0x1;
	[tilespmem:v6+s13+$0x0] =	vst.idx.msk $0xffff, v5;
	v2 =	vpop (erf)  }
0x1b6: {  	vm0 =	vmand vm12, vm15;
	[tilespmem:v7+s13+$0x0] =	vst.idx.msk $0xffff, v2;
	v2 =	vpop (erf)  }
0x1b7: {  	v3 =	vsel vm0, $0x0, v25;
	[tilespmem:v8+s13+$0x0] =	vst.idx.msk $0xffff, v2  }
0x1b8: {  	[tilespmem:v63+s13+$0x0] =	vst.idx.msk $0xffff, v3  }
0x1b9: {  	[hbm4b:s5+s2] =	stream.linear.scatter [tilespmem:s12], [sflag:$0x1], $0x80, $0x38;
	[tilespmem:$0x3700] =	vst v63  }
0x1ba: {  	s14 =	sadd.s32 $0x1, s14;
	_ =	swait.ge [sflag:s9], $0x80  }
0x1bb: {  	p0 =	sne.s32 s14, s8;
	[sflag:s9] =	ssyncset.done $0x0  }
.Ltmp2:
0x1bc: {  	[sflag:s9] =	ssyncadd.s32 $0xFFFFFF80;
	(pc) =	sbr.rel @p0 .LBB2_2-.Ltmp2, $4  }
0x1bd: {  	[hbm4b:s6+s2] =	stream.linear.scatter [tilespmem:s13], [sflag:$0x1], $0x3000, $0x38;
	[tilespmem:$0x3700] =	vst v63  }
0x1be: {  	_ =	swait.ge [sflag:s9], $0x3000  }
0x1bf: {  	[sflag:s9] =	ssyncset.done $0x0  }
0x1c0: {  	[sflag:s9] =	ssyncadd.s32 $0xFFFFD000  }
.LBB2_5:
0x1c1: {  	_ =	sfence.sel $0x180000  }
0x1c2: {  	[bflag:$0x0] =	sbarrier.arrive $0xFFFF  }
0x1c3: {  	p0 =	sne.s32 s1, $0x0;
	_ =	strace $0x90000047  }
0x1c4: {  	s0 =	sadd.s32 @!p0 $0x100000, s0;
	[bflag:$0x2] =	sbarrier.arrive $0xFFFF  }
0x1c5: {  	[sflag:s0] =	ssyncadd.tile.s32 @!p0 $0x1;
	_ =	shalt  }
.Lfunc_end2:
_tile_overlayer_lowered:
.L_overlay_start_2:
0x1c6: {  	(tag) =	ssettag $0x2  }
0x1c7: {  	s0 =	rddreg [dreg:$0x0];
	s2 =	stileid.u32  }
0x1c8: {  	s1 =	rddreg [dreg:$0x1];
	p0 =	sne.s32 s2, $0x0  }
0x1c9: {  	s3 =	rddreg [dreg:$0x2];
	[bflag:$0x3] =	sbarrier.arrive $0xFFFF;
	s2 =	simm.s32 @!p0 $0x1C01  }
0x1ca: {  	[timem:s3], [sflag:s2] =	dma.local @!p0 [hbm:s0], s1  }
0x1cb: {  	s0 =	simm.s32 @!p0 $0x1  }
0x1cc: {  	_ =	swait.ge @!p0 [sflag:s0], s1  }
0x1cd: {  	s1 =	ssub.s32 @!p0 $0x0, s1;
	[sflag:s0] =	ssyncset.done @!p0 $0x0  }
0x1ce: {  	[sflag:s0] =	ssyncadd.s32 @!p0 s1  }
0x1cf: {  	[bflag:$0x3] =	sbarrier.arrive $0xFFFF  }
0x1d0: {  	_ =	shalt  }

</sc_bundles>
